<compile_context>
chip_gen: v7x
topology: tpu7x:2x2x1
jax: 0.10.2.dev20260603
libtpu: 0.0.44.dev20260713+nightly
codegen_flags: <defaults>
</compile_context>

<pallas_src>
import functools
import math

import jax
import jax.numpy as jnp
from jax import lax
from jax.experimental import pallas as pl
from jax.experimental.pallas import tpu as pltpu
from jax.experimental.pallas import tpu_sc as plsc

_info = plsc.get_sparse_core_info()
_NC, _NS, _L = _info.num_cores, _info.num_subcores, _info.num_lanes
_NW = _NC * _NS


def _make_emb_kernel(S0, S1, V, D, b_per_w, C, NBUF):
    nch = b_per_w // C
    scale = math.sqrt(D)
    w_per_row = S1 // b_per_w
    mesh = plsc.VectorSubcoreMesh(core_axis_name="c", subcore_axis_name="s")

    @functools.partial(
        pl.kernel,
        out_type=jax.ShapeDtypeStruct((S0, S1, D), jnp.float32),
        mesh=mesh,
        scratch_types=[
            pltpu.VMEM((b_per_w,), jnp.int32),
        ]
        + [pltpu.VMEM((C, D), jnp.float32) for _ in range(NBUF)]
        + [pltpu.SemaphoreType.DMA for _ in range(2 * NBUF)],
    )
    def emb(idx_hbm, lut_hbm, out_hbm, idx_v, *scratch):
        bufs = scratch[:NBUF]
        gsems = scratch[NBUF : 2 * NBUF]
        ssems = scratch[2 * NBUF :]
        wid = lax.axis_index("s") * _NC + lax.axis_index("c")
        plane = wid // w_per_row
        col0 = (wid % w_per_row) * b_per_w
        pltpu.sync_copy(idx_hbm.at[plane, pl.ds(col0, b_per_w)], idx_v)

        def scale_buf(buf):
            def row_body(r, _):
                for j in range(D // _L):
                    sl = pl.ds(j * _L, _L)
                    buf[r, sl] = buf[r, sl] * scale
                return _

            lax.fori_loop(0, C, row_body, 0, unroll=False)

        def gather_chunk(c, b):
            return pltpu.make_async_copy(
                lut_hbm.at[idx_v.at[pl.ds(c * C, C)]], bufs[b], gsems[b]
            )

        def scatter_chunk(c, b):
            return pltpu.make_async_copy(
                bufs[b], out_hbm.at[plane, pl.ds(col0 + c * C, C)], ssems[b]
            )

        for c in range(NBUF):
            gather_chunk(c, c).start()

        def group_body(i, _):
            for k in range(NBUF):
                c = i * NBUF + k
                gather_chunk(c, k).wait()
                scale_buf(bufs[k])
                scatter_chunk(c, k).start()
                e = c + NBUF - 1

                @pl.when(jnp.logical_and(c >= 1, e < nch))
                def _refill_prev_buffer():
                    scatter_chunk(c - 1, (k - 1) % NBUF).wait()
                    gather_chunk(e, (k - 1) % NBUF).start()
            return _

        lax.fori_loop(0, nch // NBUF, group_body, 0, unroll=False)
        for c in range(nch - NBUF, nch):
            scatter_chunk(c, c % NBUF).wait()

    return emb


@jax.jit
def kernel(X, lut):
    S0, S1 = X.shape
    V, D = lut.shape
    B = S0 * S1
    b_per_w = B // _NW
    C = 32
    NBUF = 4
    emb = _make_emb_kernel(S0, S1, V, D, b_per_w, C, NBUF)
    return emb(X.astype(jnp.int32), lut)

# --- scband reference (transcript-rebuilt; emitter-appended) ---
"""Pipeline reference for scband-embeddings-2516850835530 (READ-ONLY COPY).

The authoritative reference and input builder live on the scoring server;
editing this copy changes nothing except your own understanding.
"""

import jax, jax.numpy as jnp
import numpy as np
import math

D_MODEL = 512
VOCAB = 100000

def setup_inputs(seed: int = 0) -> dict:
    key = jax.random.key(seed)
    k_idx, k_tab = jax.random.split(key)
    X = jax.random.randint(k_idx, (4, 4096), 0, VOCAB, dtype=jnp.int32).astype(jnp.int64)
    # nn.Embedding default init: N(0, 1)
    lut = jax.random.normal(k_tab, (VOCAB, D_MODEL), dtype=jnp.float32)
    return {"X": X, "lut": lut}

def reference(X, lut):
    # Embeddings.forward: self.lut(X) * math.sqrt(self.d_model)
    emb = jnp.take(lut, X, axis=0)
    return emb * math.sqrt(D_MODEL)

if __name__ == "__main__":
    import jax
    _d = setup_inputs()
    print(jax.jit(kernel)(*tuple(_d.values())))

</pallas_src>

<mosaic_0001>
#map = affine_map<(d0, d1) -> (0, 0)>
#map1 = affine_map<(d0, d1) -> (0, 0, 0)>
module attributes {stable_mosaic.version = 14 : i64} {
  func.func @emb(%arg0: i32, %arg1: i32, %arg2: memref<4x4096xi32, #tpu.memory_space<hbm>>, %arg3: memref<100000x512xf32, #tpu.memory_space<hbm>>, %arg4: memref<4x4096x512xf32, #tpu.memory_space<hbm>>, %arg5: memref<512xi32, #tpu.memory_space<vmem>>, %arg6: memref<32x512xf32, #tpu.memory_space<vmem>>, %arg7: memref<32x512xf32, #tpu.memory_space<vmem>>, %arg8: memref<32x512xf32, #tpu.memory_space<vmem>>, %arg9: memref<32x512xf32, #tpu.memory_space<vmem>>, %arg10: memref<!tpu.dma_semaphore, #tpu.memory_space<semaphore_mem>>, %arg11: memref<!tpu.dma_semaphore, #tpu.memory_space<semaphore_mem>>, %arg12: memref<!tpu.dma_semaphore, #tpu.memory_space<semaphore_mem>>, %arg13: memref<!tpu.dma_semaphore, #tpu.memory_space<semaphore_mem>>, %arg14: memref<!tpu.dma_semaphore, #tpu.memory_space<semaphore_mem>>, %arg15: memref<!tpu.dma_semaphore, #tpu.memory_space<semaphore_mem>>, %arg16: memref<!tpu.dma_semaphore, #tpu.memory_space<semaphore_mem>>, %arg17: memref<!tpu.dma_semaphore, #tpu.memory_space<semaphore_mem>>) attributes {dimension_semantics = [#tpu.dimension_semantics<core_parallel>, #tpu.dimension_semantics<subcore_parallel>], iteration_bounds = array<i64: 2, 16>, scalar_prefetch = 0 : i64, scratch_operands = 13 : i64, tpu.core_type = #tpu.core_type<sc_vector_subcore>, window_params = [{transform_indices = #map}, {transform_indices = #map}, {transform_indices = #map1}]} {
    %mul3A = arith.constant 2 : i32
    %mul3A_0 = arith.muli %arg1, %mul3A : i32
    %add3A = arith.addi %mul3A_0, %arg0 : i32
    %jit3A = arith.constant 8 : i32
    %div3A = arith.divsi %add3A, %jit3A : i32
    %sign3A = arith.constant 0 : i32
    %sign3A_1 = arith.cmpi sgt, %add3A, %sign3A : i32
    %sign3A_2 = arith.extui %sign3A_1 : i1 to i32
    %sign3A_3 = arith.constant 0 : i32
    %sign3A_4 = arith.cmpi slt, %add3A, %sign3A_3 : i32
    %sign3A_5 = arith.extui %sign3A_4 : i1 to i32
    %sign3A_6 = arith.subi %sign3A_2, %sign3A_5 : i32
    %sign3A_7 = arith.constant 0 : i32
    %sign3A_8 = arith.cmpi sgt, %jit3A, %sign3A_7 : i32
    %sign3A_9 = arith.extui %sign3A_8 : i1 to i32
    %sign3A_10 = arith.constant 0 : i32
    %sign3A_11 = arith.cmpi slt, %jit3A, %sign3A_10 : i32
    %sign3A_12 = arith.extui %sign3A_11 : i1 to i32
    %sign3A_13 = arith.subi %sign3A_9, %sign3A_12 : i32
    %ne3A = arith.cmpi ne, %sign3A_6, %sign3A_13 : i32
    %rem3A = arith.remsi %add3A, %jit3A : i32
    %ne3A_14 = arith.constant 0 : i32
    %ne3A_15 = arith.cmpi ne, %rem3A, %ne3A_14 : i32
    %and3A = arith.andi %ne3A, %ne3A_15 : i1
    %sub3A = arith.constant 1 : i32
    %sub3A_16 = arith.subi %div3A, %sub3A : i32
    %select_n3A = arith.select %and3A, %sub3A_16, %div3A : i32
    %jit3A_17 = arith.constant 8 : i32
    %eq3A = arith.constant 0 : i32
    %eq3A_18 = arith.cmpi eq, %jit3A_17, %eq3A : i32
    %jit3A_19 = arith.constant 1 : i32
    %select_n3A_20 = arith.select %eq3A_18, %jit3A_19, %jit3A_17 : i32
    %rem3A_21 = arith.remsi %add3A, %select_n3A_20 : i32
    %ne3A_22 = arith.constant 0 : i32
    %ne3A_23 = arith.cmpi ne, %rem3A_21, %ne3A_22 : i32
    %lt3A = arith.constant 0 : i32
    %lt3A_24 = arith.cmpi slt, %rem3A_21, %lt3A : i32
    %lt3A_25 = arith.constant 0 : i32
    %lt3A_26 = arith.cmpi slt, %select_n3A_20, %lt3A_25 : i32
    %ne3A_27 = arith.xori %lt3A_24, %lt3A_26 : i1
    %and3A_28 = arith.andi %ne3A_27, %ne3A_23 : i1
    %add3A_29 = arith.addi %rem3A_21, %select_n3A_20 : i32
    %select_n3A_30 = arith.select %and3A_28, %add3A_29, %rem3A_21 : i32
    %mul3A_31 = arith.constant 512 : i32
    %mul3A_32 = arith.muli %select_n3A_30, %mul3A_31 : i32
    "tpu.region"() ({
      %run_scoped3A = tpu.sem_alloc : memref<!tpu.dma_semaphore, #tpu.memory_space<semaphore_mem>>
      %dma_start3A_88 = tpu.memref_slice %arg2[%select_n3A, %mul3A_32] : memref<4x4096xi32, #tpu.memory_space<hbm>> -> memref<1x512xi32, #tpu.memory_space<hbm>>
      %dma_start3A_89 = tpu.memref_squeeze %dma_start3A_88 : memref<1x512xi32, #tpu.memory_space<hbm>> -> memref<512xi32, #tpu.memory_space<hbm>>
      %dma_start3A_90 = tpu.memref_slice %arg2[%select_n3A, %mul3A_32] : memref<4x4096xi32, #tpu.memory_space<hbm>> -> memref<1x512xi32, #tpu.memory_space<hbm>>
      %dma_start3A_91 = tpu.memref_squeeze %dma_start3A_90 : memref<1x512xi32, #tpu.memory_space<hbm>> -> memref<512xi32, #tpu.memory_space<hbm>>
      tpu.enqueue_dma source(%dma_start3A_91 : memref<512xi32, #tpu.memory_space<hbm>>) target(%arg5 : memref<512xi32, #tpu.memory_space<vmem>>) target_semaphore(%run_scoped3A : memref<!tpu.dma_semaphore, #tpu.memory_space<semaphore_mem>>)
      %dma_wait3A_92 = tpu.memref_slice %arg2[%select_n3A, %mul3A_32] : memref<4x4096xi32, #tpu.memory_space<hbm>> -> memref<1x512xi32, #tpu.memory_space<hbm>>
      %dma_wait3A_93 = tpu.memref_squeeze %dma_wait3A_92 : memref<1x512xi32, #tpu.memory_space<hbm>> -> memref<512xi32, #tpu.memory_space<hbm>>
      %dma_wait3A_94 = tpu.memref_slice %arg2[%select_n3A, %mul3A_32] : memref<4x4096xi32, #tpu.memory_space<hbm>> -> memref<1x512xi32, #tpu.memory_space<hbm>>
      %dma_wait3A_95 = tpu.memref_squeeze %dma_wait3A_94 : memref<1x512xi32, #tpu.memory_space<hbm>> -> memref<512xi32, #tpu.memory_space<hbm>>
      tpu.wait_dma2 semaphore(%run_scoped3A : memref<!tpu.dma_semaphore, #tpu.memory_space<semaphore_mem>>) src(%dma_wait3A_95 : memref<512xi32, #tpu.memory_space<hbm>>) dst(%arg5 : memref<512xi32, #tpu.memory_space<vmem>>)
      tpu.yield
    }) : () -> ()
    %dma_start3A = arith.constant 0 : i32
    %dma_start3A_33 = tpu.memref_slice %arg5[%dma_start3A] : memref<512xi32, #tpu.memory_space<vmem>> -> memref<32xi32, #tpu.memory_space<vmem>>
    %dma_start3A_34 = arith.constant 0 : i32
    %dma_start3A_35 = arith.constant 0 : i32
    %dma_start3A_36 = tpu.memref_slice %arg3[%dma_start3A_34, %dma_start3A_35] : memref<100000x512xf32, #tpu.memory_space<hbm>> -> memref<100000x512xf32, #tpu.memory_space<hbm>>
    tpu.enqueue_indirect_dma source(%dma_start3A_36 : memref<100000x512xf32, #tpu.memory_space<hbm>>) target(%arg6 : memref<32x512xf32, #tpu.memory_space<vmem>>) offsets(%dma_start3A_33 : memref<32xi32, #tpu.memory_space<vmem>>) semaphore(%arg10 : memref<!tpu.dma_semaphore, #tpu.memory_space<semaphore_mem>>)
    %dma_start3A_37 = arith.constant 32 : i32
    %dma_start3A_38 = tpu.memref_slice %arg5[%dma_start3A_37] : memref<512xi32, #tpu.memory_space<vmem>> -> memref<32xi32, #tpu.memory_space<vmem>>
    %dma_start3A_39 = arith.constant 0 : i32
    %dma_start3A_40 = arith.constant 0 : i32
    %dma_start3A_41 = tpu.memref_slice %arg3[%dma_start3A_39, %dma_start3A_40] : memref<100000x512xf32, #tpu.memory_space<hbm>> -> memref<100000x512xf32, #tpu.memory_space<hbm>>
    tpu.enqueue_indirect_dma source(%dma_start3A_41 : memref<100000x512xf32, #tpu.memory_space<hbm>>) target(%arg7 : memref<32x512xf32, #tpu.memory_space<vmem>>) offsets(%dma_start3A_38 : memref<32xi32, #tpu.memory_space<vmem>>) semaphore(%arg11 : memref<!tpu.dma_semaphore, #tpu.memory_space<semaphore_mem>>)
    %dma_start3A_42 = arith.constant 64 : i32
    %dma_start3A_43 = tpu.memref_slice %arg5[%dma_start3A_42] : memref<512xi32, #tpu.memory_space<vmem>> -> memref<32xi32, #tpu.memory_space<vmem>>
    %dma_start3A_44 = arith.constant 0 : i32
    %dma_start3A_45 = arith.constant 0 : i32
    %dma_start3A_46 = tpu.memref_slice %arg3[%dma_start3A_44, %dma_start3A_45] : memref<100000x512xf32, #tpu.memory_space<hbm>> -> memref<100000x512xf32, #tpu.memory_space<hbm>>
    tpu.enqueue_indirect_dma source(%dma_start3A_46 : memref<100000x512xf32, #tpu.memory_space<hbm>>) target(%arg8 : memref<32x512xf32, #tpu.memory_space<vmem>>) offsets(%dma_start3A_43 : memref<32xi32, #tpu.memory_space<vmem>>) semaphore(%arg12 : memref<!tpu.dma_semaphore, #tpu.memory_space<semaphore_mem>>)
    %dma_start3A_47 = arith.constant 96 : i32
    %dma_start3A_48 = tpu.memref_slice %arg5[%dma_start3A_47] : memref<512xi32, #tpu.memory_space<vmem>> -> memref<32xi32, #tpu.memory_space<vmem>>
    %dma_start3A_49 = arith.constant 0 : i32
    %dma_start3A_50 = arith.constant 0 : i32
    %dma_start3A_51 = tpu.memref_slice %arg3[%dma_start3A_49, %dma_start3A_50] : memref<100000x512xf32, #tpu.memory_space<hbm>> -> memref<100000x512xf32, #tpu.memory_space<hbm>>
    tpu.enqueue_indirect_dma source(%dma_start3A_51 : memref<100000x512xf32, #tpu.memory_space<hbm>>) target(%arg9 : memref<32x512xf32, #tpu.memory_space<vmem>>) offsets(%dma_start3A_48 : memref<32xi32, #tpu.memory_space<vmem>>) semaphore(%arg13 : memref<!tpu.dma_semaphore, #tpu.memory_space<semaphore_mem>>)
    %scan3A = arith.constant 0 : i32
    %scan3A_52 = arith.constant 0 : i32
    %scan3A_53 = arith.constant 4 : i32
    %scan3A_54 = arith.addi %scan3A_52, %scan3A_53 : i32
    %scan3A_55 = arith.constant 1 : i32
    scf.for %scan3A_88 = %scan3A_52 to %scan3A_54 step %scan3A_55  : i32 {
      %mul3A_89 = arith.constant 4 : i32
      %mul3A_90 = arith.muli %scan3A_88, %mul3A_89 : i32
      %add3A_91 = arith.constant 0 : i32
      %add3A_92 = arith.addi %mul3A_90, %add3A_91 : i32
      %mul3A_93 = arith.constant 32 : i32
      %mul3A_94 = arith.muli %add3A_92, %mul3A_93 : i32
      %dma_wait3A_95 = tpu.memref_slice %arg5[%mul3A_94] : memref<512xi32, #tpu.memory_space<vmem>> -> memref<32xi32, #tpu.memory_space<vmem>>
      %dma_wait3A_96 = arith.constant 0 : i32
      %dma_wait3A_97 = arith.constant 0 : i32
      %dma_wait3A_98 = tpu.memref_slice %arg3[%dma_wait3A_96, %dma_wait3A_97] : memref<100000x512xf32, #tpu.memory_space<hbm>> -> memref<100000x512xf32, #tpu.memory_space<hbm>>
      tpu.wait_indirect_dma semaphore(%arg10 : memref<!tpu.dma_semaphore, #tpu.memory_space<semaphore_mem>>) src(%dma_wait3A_98 : memref<100000x512xf32, #tpu.memory_space<hbm>>) dst(%arg6 : memref<32x512xf32, #tpu.memory_space<vmem>>)
      %scan3A_99 = arith.constant 0 : i32
      %scan3A_100 = arith.constant 0 : i32
      %scan3A_101 = arith.constant 32 : i32
      %scan3A_102 = arith.addi %scan3A_100, %scan3A_101 : i32
      %scan3A_103 = arith.constant 1 : i32
      scf.for %scan3A_234 = %scan3A_100 to %scan3A_102 step %scan3A_103  : i32 {
        %get3A = arith.index_cast %scan3A_234 : i32 to index
        %get3A_235 = arith.constant 0 : index
        %get3A_236 = tpu.vector_load %arg6[%get3A, %get3A_235] {strides = array<i32>} : memref<32x512xf32, #tpu.memory_space<vmem>>, vector<1x16xf32>,
        %get3A_237 = vector.shape_cast %get3A_236 : vector<1x16xf32> to vector<16xf32>
        %mul3A_238 = arith.constant 22.6274166 : f32
        %mul3A_239 = vector.broadcast %mul3A_238 : f32 to vector<16xf32>
        %mul3A_240 = arith.mulf %get3A_237, %mul3A_239 : vector<16xf32>
        %swap3A = arith.index_cast %scan3A_234 : i32 to index
        %swap3A_241 = arith.constant 0 : index
        %swap3A_242 = tpu.vector_load %arg6[%swap3A, %swap3A_241] {strides = array<i32>} : memref<32x512xf32, #tpu.memory_space<vmem>>, vector<1x16xf32>,
        %swap3A_243 = vector.shape_cast %swap3A_242 : vector<1x16xf32> to vector<16xf32>
        %swap3A_244 = vector.shape_cast %mul3A_240 : vector<16xf32> to vector<1x16xf32>
        tpu.vector_store %arg6[%swap3A, %swap3A_241], %swap3A_244 {strides = array<i32>} : memref<32x512xf32, #tpu.memory_space<vmem>>, vector<1x16xf32>,
        %get3A_245 = arith.index_cast %scan3A_234 : i32 to index
        %get3A_246 = arith.constant 16 : index
        %get3A_247 = tpu.vector_load %arg6[%get3A_245, %get3A_246] {strides = array<i32>} : memref<32x512xf32, #tpu.memory_space<vmem>>, vector<1x16xf32>,
        %get3A_248 = vector.shape_cast %get3A_247 : vector<1x16xf32> to vector<16xf32>
        %mul3A_249 = arith.constant 22.6274166 : f32
        %mul3A_250 = vector.broadcast %mul3A_249 : f32 to vector<16xf32>
        %mul3A_251 = arith.mulf %get3A_248, %mul3A_250 : vector<16xf32>
        %swap3A_252 = arith.index_cast %scan3A_234 : i32 to index
        %swap3A_253 = arith.constant 16 : index
        %swap3A_254 = tpu.vector_load %arg6[%swap3A_252, %swap3A_253] {strides = array<i32>} : memref<32x512xf32, #tpu.memory_space<vmem>>, vector<1x16xf32>,
        %swap3A_255 = vector.shape_cast %swap3A_254 : vector<1x16xf32> to vector<16xf32>
        %swap3A_256 = vector.shape_cast %mul3A_251 : vector<16xf32> to vector<1x16xf32>
        tpu.vector_store %arg6[%swap3A_252, %swap3A_253], %swap3A_256 {strides = array<i32>} : memref<32x512xf32, #tpu.memory_space<vmem>>, vector<1x16xf32>,
        %get3A_257 = arith.index_cast %scan3A_234 : i32 to index
        %get3A_258 = arith.constant 32 : index
        %get3A_259 = tpu.vector_load %arg6[%get3A_257, %get3A_258] {strides = array<i32>} : memref<32x512xf32, #tpu.memory_space<vmem>>, vector<1x16xf32>,
        %get3A_260 = vector.shape_cast %get3A_259 : vector<1x16xf32> to vector<16xf32>
        %mul3A_261 = arith.constant 22.6274166 : f32
        %mul3A_262 = vector.broadcast %mul3A_261 : f32 to vector<16xf32>
        %mul3A_263 = arith.mulf %get3A_260, %mul3A_262 : vector<16xf32>
        %swap3A_264 = arith.index_cast %scan3A_234 : i32 to index
        %swap3A_265 = arith.constant 32 : index
        %swap3A_266 = tpu.vector_load %arg6[%swap3A_264, %swap3A_265] {strides = array<i32>} : memref<32x512xf32, #tpu.memory_space<vmem>>, vector<1x16xf32>,
        %swap3A_267 = vector.shape_cast %swap3A_266 : vector<1x16xf32> to vector<16xf32>
        %swap3A_268 = vector.shape_cast %mul3A_263 : vector<16xf32> to vector<1x16xf32>
        tpu.vector_store %arg6[%swap3A_264, %swap3A_265], %swap3A_268 {strides = array<i32>} : memref<32x512xf32, #tpu.memory_space<vmem>>, vector<1x16xf32>,
        %get3A_269 = arith.index_cast %scan3A_234 : i32 to index
        %get3A_270 = arith.constant 48 : index
        %get3A_271 = tpu.vector_load %arg6[%get3A_269, %get3A_270] {strides = array<i32>} : memref<32x512xf32, #tpu.memory_space<vmem>>, vector<1x16xf32>,
        %get3A_272 = vector.shape_cast %get3A_271 : vector<1x16xf32> to vector<16xf32>
        %mul3A_273 = arith.constant 22.6274166 : f32
        %mul3A_274 = vector.broadcast %mul3A_273 : f32 to vector<16xf32>
        %mul3A_275 = arith.mulf %get3A_272, %mul3A_274 : vector<16xf32>
        %swap3A_276 = arith.index_cast %scan3A_234 : i32 to index
        %swap3A_277 = arith.constant 48 : index
        %swap3A_278 = tpu.vector_load %arg6[%swap3A_276, %swap3A_277] {strides = array<i32>} : memref<32x512xf32, #tpu.memory_space<vmem>>, vector<1x16xf32>,
        %swap3A_279 = vector.shape_cast %swap3A_278 : vector<1x16xf32> to vector<16xf32>
        %swap3A_280 = vector.shape_cast %mul3A_275 : vector<16xf32> to vector<1x16xf32>
        tpu.vector_store %arg6[%swap3A_276, %swap3A_277], %swap3A_280 {strides = array<i32>} : memref<32x512xf32, #tpu.memory_space<vmem>>, vector<1x16xf32>,
        %get3A_281 = arith.index_cast %scan3A_234 : i32 to index
        %get3A_282 = arith.constant 64 : index
        %get3A_283 = tpu.vector_load %arg6[%get3A_281, %get3A_282] {strides = array<i32>} : memref<32x512xf32, #tpu.memory_space<vmem>>, vector<1x16xf32>,
        %get3A_284 = vector.shape_cast %get3A_283 : vector<1x16xf32> to vector<16xf32>
        %mul3A_285 = arith.constant 22.6274166 : f32
        %mul3A_286 = vector.broadcast %mul3A_285 : f32 to vector<16xf32>
        %mul3A_287 = arith.mulf %get3A_284, %mul3A_286 : vector<16xf32>
        %swap3A_288 = arith.index_cast %scan3A_234 : i32 to index
        %swap3A_289 = arith.constant 64 : index
        %swap3A_290 = tpu.vector_load %arg6[%swap3A_288, %swap3A_289] {strides = array<i32>} : memref<32x512xf32, #tpu.memory_space<vmem>>, vector<1x16xf32>,
        %swap3A_291 = vector.shape_cast %swap3A_290 : vector<1x16xf32> to vector<16xf32>
        %swap3A_292 = vector.shape_cast %mul3A_287 : vector<16xf32> to vector<1x16xf32>
        tpu.vector_store %arg6[%swap3A_288, %swap3A_289], %swap3A_292 {strides = array<i32>} : memref<32x512xf32, #tpu.memory_space<vmem>>, vector<1x16xf32>,
        %get3A_293 = arith.index_cast %scan3A_234 : i32 to index
        %get3A_294 = arith.constant 80 : index
        %get3A_295 = tpu.vector_load %arg6[%get3A_293, %get3A_294] {strides = array<i32>} : memref<32x512xf32, #tpu.memory_space<vmem>>, vector<1x16xf32>,
        %get3A_296 = vector.shape_cast %get3A_295 : vector<1x16xf32> to vector<16xf32>
        %mul3A_297 = arith.constant 22.6274166 : f32
        %mul3A_298 = vector.broadcast %mul3A_297 : f32 to vector<16xf32>
        %mul3A_299 = arith.mulf %get3A_296, %mul3A_298 : vector<16xf32>
        %swap3A_300 = arith.index_cast %scan3A_234 : i32 to index
        %swap3A_301 = arith.constant 80 : index
        %swap3A_302 = tpu.vector_load %arg6[%swap3A_300, %swap3A_301] {strides = array<i32>} : memref<32x512xf32, #tpu.memory_space<vmem>>, vector<1x16xf32>,
        %swap3A_303 = vector.shape_cast %swap3A_302 : vector<1x16xf32> to vector<16xf32>
        %swap3A_304 = vector.shape_cast %mul3A_299 : vector<16xf32> to vector<1x16xf32>
        tpu.vector_store %arg6[%swap3A_300, %swap3A_301], %swap3A_304 {strides = array<i32>} : memref<32x512xf32, #tpu.memory_space<vmem>>, vector<1x16xf32>,
        %get3A_305 = arith.index_cast %scan3A_234 : i32 to index
        %get3A_306 = arith.constant 96 : index
        %get3A_307 = tpu.vector_load %arg6[%get3A_305, %get3A_306] {strides = array<i32>} : memref<32x512xf32, #tpu.memory_space<vmem>>, vector<1x16xf32>,
        %get3A_308 = vector.shape_cast %get3A_307 : vector<1x16xf32> to vector<16xf32>
        %mul3A_309 = arith.constant 22.6274166 : f32
        %mul3A_310 = vector.broadcast %mul3A_309 : f32 to vector<16xf32>
        %mul3A_311 = arith.mulf %get3A_308, %mul3A_310 : vector<16xf32>
        %swap3A_312 = arith.index_cast %scan3A_234 : i32 to index
        %swap3A_313 = arith.constant 96 : index
        %swap3A_314 = tpu.vector_load %arg6[%swap3A_312, %swap3A_313] {strides = array<i32>} : memref<32x512xf32, #tpu.memory_space<vmem>>, vector<1x16xf32>,
        %swap3A_315 = vector.shape_cast %swap3A_314 : vector<1x16xf32> to vector<16xf32>
        %swap3A_316 = vector.shape_cast %mul3A_311 : vector<16xf32> to vector<1x16xf32>
        tpu.vector_store %arg6[%swap3A_312, %swap3A_313], %swap3A_316 {strides = array<i32>} : memref<32x512xf32, #tpu.memory_space<vmem>>, vector<1x16xf32>,
        %get3A_317 = arith.index_cast %scan3A_234 : i32 to index
        %get3A_318 = arith.constant 112 : index
        %get3A_319 = tpu.vector_load %arg6[%get3A_317, %get3A_318] {strides = array<i32>} : memref<32x512xf32, #tpu.memory_space<vmem>>, vector<1x16xf32>,
        %get3A_320 = vector.shape_cast %get3A_319 : vector<1x16xf32> to vector<16xf32>
        %mul3A_321 = arith.constant 22.6274166 : f32
        %mul3A_322 = vector.broadcast %mul3A_321 : f32 to vector<16xf32>
        %mul3A_323 = arith.mulf %get3A_320, %mul3A_322 : vector<16xf32>
        %swap3A_324 = arith.index_cast %scan3A_234 : i32 to index
        %swap3A_325 = arith.constant 112 : index
        %swap3A_326 = tpu.vector_load %arg6[%swap3A_324, %swap3A_325] {strides = array<i32>} : memref<32x512xf32, #tpu.memory_space<vmem>>, vector<1x16xf32>,
        %swap3A_327 = vector.shape_cast %swap3A_326 : vector<1x16xf32> to vector<16xf32>
        %swap3A_328 = vector.shape_cast %mul3A_323 : vector<16xf32> to vector<1x16xf32>
        tpu.vector_store %arg6[%swap3A_324, %swap3A_325], %swap3A_328 {strides = array<i32>} : memref<32x512xf32, #tpu.memory_space<vmem>>, vector<1x16xf32>,
        %get3A_329 = arith.index_cast %scan3A_234 : i32 to index
        %get3A_330 = arith.constant 128 : index
        %get3A_331 = tpu.vector_load %arg6[%get3A_329, %get3A_330] {strides = array<i32>} : memref<32x512xf32, #tpu.memory_space<vmem>>, vector<1x16xf32>,
        %get3A_332 = vector.shape_cast %get3A_331 : vector<1x16xf32> to vector<16xf32>
        %mul3A_333 = arith.constant 22.6274166 : f32
        %mul3A_334 = vector.broadcast %mul3A_333 : f32 to vector<16xf32>
        %mul3A_335 = arith.mulf %get3A_332, %mul3A_334 : vector<16xf32>
        %swap3A_336 = arith.index_cast %scan3A_234 : i32 to index
        %swap3A_337 = arith.constant 128 : index
        %swap3A_338 = tpu.vector_load %arg6[%swap3A_336, %swap3A_337] {strides = array<i32>} : memref<32x512xf32, #tpu.memory_space<vmem>>, vector<1x16xf32>,
        %swap3A_339 = vector.shape_cast %swap3A_338 : vector<1x16xf32> to vector<16xf32>
        %swap3A_340 = vector.shape_cast %mul3A_335 : vector<16xf32> to vector<1x16xf32>
        tpu.vector_store %arg6[%swap3A_336, %swap3A_337], %swap3A_340 {strides = array<i32>} : memref<32x512xf32, #tpu.memory_space<vmem>>, vector<1x16xf32>,
        %get3A_341 = arith.index_cast %scan3A_234 : i32 to index
        %get3A_342 = arith.constant 144 : index
        %get3A_343 = tpu.vector_load %arg6[%get3A_341, %get3A_342] {strides = array<i32>} : memref<32x512xf32, #tpu.memory_space<vmem>>, vector<1x16xf32>,
        %get3A_344 = vector.shape_cast %get3A_343 : vector<1x16xf32> to vector<16xf32>
        %mul3A_345 = arith.constant 22.6274166 : f32
        %mul3A_346 = vector.broadcast %mul3A_345 : f32 to vector<16xf32>
        %mul3A_347 = arith.mulf %get3A_344, %mul3A_346 : vector<16xf32>
        %swap3A_348 = arith.index_cast %scan3A_234 : i32 to index
        %swap3A_349 = arith.constant 144 : index
        %swap3A_350 = tpu.vector_load %arg6[%swap3A_348, %swap3A_349] {strides = array<i32>} : memref<32x512xf32, #tpu.memory_space<vmem>>, vector<1x16xf32>,
        %swap3A_351 = vector.shape_cast %swap3A_350 : vector<1x16xf32> to vector<16xf32>
        %swap3A_352 = vector.shape_cast %mul3A_347 : vector<16xf32> to vector<1x16xf32>
        tpu.vector_store %arg6[%swap3A_348, %swap3A_349], %swap3A_352 {strides = array<i32>} : memref<32x512xf32, #tpu.memory_space<vmem>>, vector<1x16xf32>,
        %get3A_353 = arith.index_cast %scan3A_234 : i32 to index
        %get3A_354 = arith.constant 160 : index
        %get3A_355 = tpu.vector_load %arg6[%get3A_353, %get3A_354] {strides = array<i32>} : memref<32x512xf32, #tpu.memory_space<vmem>>, vector<1x16xf32>,
        %get3A_356 = vector.shape_cast %get3A_355 : vector<1x16xf32> to vector<16xf32>
        %mul3A_357 = arith.constant 22.6274166 : f32
        %mul3A_358 = vector.broadcast %mul3A_357 : f32 to vector<16xf32>
        %mul3A_359 = arith.mulf %get3A_356, %mul3A_358 : vector<16xf32>
        %swap3A_360 = arith.index_cast %scan3A_234 : i32 to index
        %swap3A_361 = arith.constant 160 : index
        %swap3A_362 = tpu.vector_load %arg6[%swap3A_360, %swap3A_361] {strides = array<i32>} : memref<32x512xf32, #tpu.memory_space<vmem>>, vector<1x16xf32>,
        %swap3A_363 = vector.shape_cast %swap3A_362 : vector<1x16xf32> to vector<16xf32>
        %swap3A_364 = vector.shape_cast %mul3A_359 : vector<16xf32> to vector<1x16xf32>
        tpu.vector_store %arg6[%swap3A_360, %swap3A_361], %swap3A_364 {strides = array<i32>} : memref<32x512xf32, #tpu.memory_space<vmem>>, vector<1x16xf32>,
        %get3A_365 = arith.index_cast %scan3A_234 : i32 to index
        %get3A_366 = arith.constant 176 : index
        %get3A_367 = tpu.vector_load %arg6[%get3A_365, %get3A_366] {strides = array<i32>} : memref<32x512xf32, #tpu.memory_space<vmem>>, vector<1x16xf32>,
        %get3A_368 = vector.shape_cast %get3A_367 : vector<1x16xf32> to vector<16xf32>
        %mul3A_369 = arith.constant 22.6274166 : f32
        %mul3A_370 = vector.broadcast %mul3A_369 : f32 to vector<16xf32>
        %mul3A_371 = arith.mulf %get3A_368, %mul3A_370 : vector<16xf32>
        %swap3A_372 = arith.index_cast %scan3A_234 : i32 to index
        %swap3A_373 = arith.constant 176 : index
        %swap3A_374 = tpu.vector_load %arg6[%swap3A_372, %swap3A_373] {strides = array<i32>} : memref<32x512xf32, #tpu.memory_space<vmem>>, vector<1x16xf32>,
        %swap3A_375 = vector.shape_cast %swap3A_374 : vector<1x16xf32> to vector<16xf32>
        %swap3A_376 = vector.shape_cast %mul3A_371 : vector<16xf32> to vector<1x16xf32>
        tpu.vector_store %arg6[%swap3A_372, %swap3A_373], %swap3A_376 {strides = array<i32>} : memref<32x512xf32, #tpu.memory_space<vmem>>, vector<1x16xf32>,
        %get3A_377 = arith.index_cast %scan3A_234 : i32 to index
        %get3A_378 = arith.constant 192 : index
        %get3A_379 = tpu.vector_load %arg6[%get3A_377, %get3A_378] {strides = array<i32>} : memref<32x512xf32, #tpu.memory_space<vmem>>, vector<1x16xf32>,
        %get3A_380 = vector.shape_cast %get3A_379 : vector<1x16xf32> to vector<16xf32>
        %mul3A_381 = arith.constant 22.6274166 : f32
        %mul3A_382 = vector.broadcast %mul3A_381 : f32 to vector<16xf32>
        %mul3A_383 = arith.mulf %get3A_380, %mul3A_382 : vector<16xf32>
        %swap3A_384 = arith.index_cast %scan3A_234 : i32 to index
        %swap3A_385 = arith.constant 192 : index
        %swap3A_386 = tpu.vector_load %arg6[%swap3A_384, %swap3A_385] {strides = array<i32>} : memref<32x512xf32, #tpu.memory_space<vmem>>, vector<1x16xf32>,
        %swap3A_387 = vector.shape_cast %swap3A_386 : vector<1x16xf32> to vector<16xf32>
        %swap3A_388 = vector.shape_cast %mul3A_383 : vector<16xf32> to vector<1x16xf32>
        tpu.vector_store %arg6[%swap3A_384, %swap3A_385], %swap3A_388 {strides = array<i32>} : memref<32x512xf32, #tpu.memory_space<vmem>>, vector<1x16xf32>,
        %get3A_389 = arith.index_cast %scan3A_234 : i32 to index
        %get3A_390 = arith.constant 208 : index
        %get3A_391 = tpu.vector_load %arg6[%get3A_389, %get3A_390] {strides = array<i32>} : memref<32x512xf32, #tpu.memory_space<vmem>>, vector<1x16xf32>,
        %get3A_392 = vector.shape_cast %get3A_391 : vector<1x16xf32> to vector<16xf32>
        %mul3A_393 = arith.constant 22.6274166 : f32
        %mul3A_394 = vector.broadcast %mul3A_393 : f32 to vector<16xf32>
        %mul3A_395 = arith.mulf %get3A_392, %mul3A_394 : vector<16xf32>
        %swap3A_396 = arith.index_cast %scan3A_234 : i32 to index
        %swap3A_397 = arith.constant 208 : index
        %swap3A_398 = tpu.vector_load %arg6[%swap3A_396, %swap3A_397] {strides = array<i32>} : memref<32x512xf32, #tpu.memory_space<vmem>>, vector<1x16xf32>,
        %swap3A_399 = vector.shape_cast %swap3A_398 : vector<1x16xf32> to vector<16xf32>
        %swap3A_400 = vector.shape_cast %mul3A_395 : vector<16xf32> to vector<1x16xf32>
        tpu.vector_store %arg6[%swap3A_396, %swap3A_397], %swap3A_400 {strides = array<i32>} : memref<32x512xf32, #tpu.memory_space<vmem>>, vector<1x16xf32>,
        %get3A_401 = arith.index_cast %scan3A_234 : i32 to index
        %get3A_402 = arith.constant 224 : index
        %get3A_403 = tpu.vector_load %arg6[%get3A_401, %get3A_402] {strides = array<i32>} : memref<32x512xf32, #tpu.memory_space<vmem>>, vector<1x16xf32>,
        %get3A_404 = vector.shape_cast %get3A_403 : vector<1x16xf32> to vector<16xf32>
        %mul3A_405 = arith.constant 22.6274166 : f32
        %mul3A_406 = vector.broadcast %mul3A_405 : f32 to vector<16xf32>
        %mul3A_407 = arith.mulf %get3A_404, %mul3A_406 : vector<16xf32>
        %swap3A_408 = arith.index_cast %scan3A_234 : i32 to index
        %swap3A_409 = arith.constant 224 : index
        %swap3A_410 = tpu.vector_load %arg6[%swap3A_408, %swap3A_409] {strides = array<i32>} : memref<32x512xf32, #tpu.memory_space<vmem>>, vector<1x16xf32>,
        %swap3A_411 = vector.shape_cast %swap3A_410 : vector<1x16xf32> to vector<16xf32>
        %swap3A_412 = vector.shape_cast %mul3A_407 : vector<16xf32> to vector<1x16xf32>
        tpu.vector_store %arg6[%swap3A_408, %swap3A_409], %swap3A_412 {strides = array<i32>} : memref<32x512xf32, #tpu.memory_space<vmem>>, vector<1x16xf32>,
        %get3A_413 = arith.index_cast %scan3A_234 : i32 to index
        %get3A_414 = arith.constant 240 : index
        %get3A_415 = tpu.vector_load %arg6[%get3A_413, %get3A_414] {strides = array<i32>} : memref<32x512xf32, #tpu.memory_space<vmem>>, vector<1x16xf32>,
        %get3A_416 = vector.shape_cast %get3A_415 : vector<1x16xf32> to vector<16xf32>
        %mul3A_417 = arith.constant 22.6274166 : f32
        %mul3A_418 = vector.broadcast %mul3A_417 : f32 to vector<16xf32>
        %mul3A_419 = arith.mulf %get3A_416, %mul3A_418 : vector<16xf32>
        %swap3A_420 = arith.index_cast %scan3A_234 : i32 to index
        %swap3A_421 = arith.constant 240 : index
        %swap3A_422 = tpu.vector_load %arg6[%swap3A_420, %swap3A_421] {strides = array<i32>} : memref<32x512xf32, #tpu.memory_space<vmem>>, vector<1x16xf32>,
        %swap3A_423 = vector.shape_cast %swap3A_422 : vector<1x16xf32> to vector<16xf32>
        %swap3A_424 = vector.shape_cast %mul3A_419 : vector<16xf32> to vector<1x16xf32>
        tpu.vector_store %arg6[%swap3A_420, %swap3A_421], %swap3A_424 {strides = array<i32>} : memref<32x512xf32, #tpu.memory_space<vmem>>, vector<1x16xf32>,
        %get3A_425 = arith.index_cast %scan3A_234 : i32 to index
        %get3A_426 = arith.constant 256 : index
        %get3A_427 = tpu.vector_load %arg6[%get3A_425, %get3A_426] {strides = array<i32>} : memref<32x512xf32, #tpu.memory_space<vmem>>, vector<1x16xf32>,
        %get3A_428 = vector.shape_cast %get3A_427 : vector<1x16xf32> to vector<16xf32>
        %mul3A_429 = arith.constant 22.6274166 : f32
        %mul3A_430 = vector.broadcast %mul3A_429 : f32 to vector<16xf32>
        %mul3A_431 = arith.mulf %get3A_428, %mul3A_430 : vector<16xf32>
        %swap3A_432 = arith.index_cast %scan3A_234 : i32 to index
        %swap3A_433 = arith.constant 256 : index
        %swap3A_434 = tpu.vector_load %arg6[%swap3A_432, %swap3A_433] {strides = array<i32>} : memref<32x512xf32, #tpu.memory_space<vmem>>, vector<1x16xf32>,
        %swap3A_435 = vector.shape_cast %swap3A_434 : vector<1x16xf32> to vector<16xf32>
        %swap3A_436 = vector.shape_cast %mul3A_431 : vector<16xf32> to vector<1x16xf32>
        tpu.vector_store %arg6[%swap3A_432, %swap3A_433], %swap3A_436 {strides = array<i32>} : memref<32x512xf32, #tpu.memory_space<vmem>>, vector<1x16xf32>,
        %get3A_437 = arith.index_cast %scan3A_234 : i32 to index
        %get3A_438 = arith.constant 272 : index
        %get3A_439 = tpu.vector_load %arg6[%get3A_437, %get3A_438] {strides = array<i32>} : memref<32x512xf32, #tpu.memory_space<vmem>>, vector<1x16xf32>,
        %get3A_440 = vector.shape_cast %get3A_439 : vector<1x16xf32> to vector<16xf32>
        %mul3A_441 = arith.constant 22.6274166 : f32
        %mul3A_442 = vector.broadcast %mul3A_441 : f32 to vector<16xf32>
        %mul3A_443 = arith.mulf %get3A_440, %mul3A_442 : vector<16xf32>
        %swap3A_444 = arith.index_cast %scan3A_234 : i32 to index
        %swap3A_445 = arith.constant 272 : index
        %swap3A_446 = tpu.vector_load %arg6[%swap3A_444, %swap3A_445] {strides = array<i32>} : memref<32x512xf32, #tpu.memory_space<vmem>>, vector<1x16xf32>,
        %swap3A_447 = vector.shape_cast %swap3A_446 : vector<1x16xf32> to vector<16xf32>
        %swap3A_448 = vector.shape_cast %mul3A_443 : vector<16xf32> to vector<1x16xf32>
        tpu.vector_store %arg6[%swap3A_444, %swap3A_445], %swap3A_448 {strides = array<i32>} : memref<32x512xf32, #tpu.memory_space<vmem>>, vector<1x16xf32>,
        %get3A_449 = arith.index_cast %scan3A_234 : i32 to index
        %get3A_450 = arith.constant 288 : index
        %get3A_451 = tpu.vector_load %arg6[%get3A_449, %get3A_450] {strides = array<i32>} : memref<32x512xf32, #tpu.memory_space<vmem>>, vector<1x16xf32>,
        %get3A_452 = vector.shape_cast %get3A_451 : vector<1x16xf32> to vector<16xf32>
        %mul3A_453 = arith.constant 22.6274166 : f32
        %mul3A_454 = vector.broadcast %mul3A_453 : f32 to vector<16xf32>
        %mul3A_455 = arith.mulf %get3A_452, %mul3A_454 : vector<16xf32>
        %swap3A_456 = arith.index_cast %scan3A_234 : i32 to index
        %swap3A_457 = arith.constant 288 : index
        %swap3A_458 = tpu.vector_load %arg6[%swap3A_456, %swap3A_457] {strides = array<i32>} : memref<32x512xf32, #tpu.memory_space<vmem>>, vector<1x16xf32>,
        %swap3A_459 = vector.shape_cast %swap3A_458 : vector<1x16xf32> to vector<16xf32>
        %swap3A_460 = vector.shape_cast %mul3A_455 : vector<16xf32> to vector<1x16xf32>
        tpu.vector_store %arg6[%swap3A_456, %swap3A_457], %swap3A_460 {strides = array<i32>} : memref<32x512xf32, #tpu.memory_space<vmem>>, vector<1x16xf32>,
        %get3A_461 = arith.index_cast %scan3A_234 : i32 to index
        %get3A_462 = arith.constant 304 : index
        %get3A_463 = tpu.vector_load %arg6[%get3A_461, %get3A_462] {strides = array<i32>} : memref<32x512xf32, #tpu.memory_space<vmem>>, vector<1x16xf32>,
        %get3A_464 = vector.shape_cast %get3A_463 : vector<1x16xf32> to vector<16xf32>
        %mul3A_465 = arith.constant 22.6274166 : f32
        %mul3A_466 = vector.broadcast %mul3A_465 : f32 to vector<16xf32>
        %mul3A_467 = arith.mulf %get3A_464, %mul3A_466 : vector<16xf32>
        %swap3A_468 = arith.index_cast %scan3A_234 : i32 to index
        %swap3A_469 = arith.constant 304 : index
        %swap3A_470 = tpu.vector_load %arg6[%swap3A_468, %swap3A_469] {strides = array<i32>} : memref<32x512xf32, #tpu.memory_space<vmem>>, vector<1x16xf32>,
        %swap3A_471 = vector.shape_cast %swap3A_470 : vector<1x16xf32> to vector<16xf32>
        %swap3A_472 = vector.shape_cast %mul3A_467 : vector<16xf32> to vector<1x16xf32>
        tpu.vector_store %arg6[%swap3A_468, %swap3A_469], %swap3A_472 {strides = array<i32>} : memref<32x512xf32, #tpu.memory_space<vmem>>, vector<1x16xf32>,
        %get3A_473 = arith.index_cast %scan3A_234 : i32 to index
        %get3A_474 = arith.constant 320 : index
        %get3A_475 = tpu.vector_load %arg6[%get3A_473, %get3A_474] {strides = array<i32>} : memref<32x512xf32, #tpu.memory_space<vmem>>, vector<1x16xf32>,
        %get3A_476 = vector.shape_cast %get3A_475 : vector<1x16xf32> to vector<16xf32>
        %mul3A_477 = arith.constant 22.6274166 : f32
        %mul3A_478 = vector.broadcast %mul3A_477 : f32 to vector<16xf32>
        %mul3A_479 = arith.mulf %get3A_476, %mul3A_478 : vector<16xf32>
        %swap3A_480 = arith.index_cast %scan3A_234 : i32 to index
        %swap3A_481 = arith.constant 320 : index
        %swap3A_482 = tpu.vector_load %arg6[%swap3A_480, %swap3A_481] {strides = array<i32>} : memref<32x512xf32, #tpu.memory_space<vmem>>, vector<1x16xf32>,
        %swap3A_483 = vector.shape_cast %swap3A_482 : vector<1x16xf32> to vector<16xf32>
        %swap3A_484 = vector.shape_cast %mul3A_479 : vector<16xf32> to vector<1x16xf32>
        tpu.vector_store %arg6[%swap3A_480, %swap3A_481], %swap3A_484 {strides = array<i32>} : memref<32x512xf32, #tpu.memory_space<vmem>>, vector<1x16xf32>,
        %get3A_485 = arith.index_cast %scan3A_234 : i32 to index
        %get3A_486 = arith.constant 336 : index
        %get3A_487 = tpu.vector_load %arg6[%get3A_485, %get3A_486] {strides = array<i32>} : memref<32x512xf32, #tpu.memory_space<vmem>>, vector<1x16xf32>,
        %get3A_488 = vector.shape_cast %get3A_487 : vector<1x16xf32> to vector<16xf32>
        %mul3A_489 = arith.constant 22.6274166 : f32
        %mul3A_490 = vector.broadcast %mul3A_489 : f32 to vector<16xf32>
        %mul3A_491 = arith.mulf %get3A_488, %mul3A_490 : vector<16xf32>
        %swap3A_492 = arith.index_cast %scan3A_234 : i32 to index
        %swap3A_493 = arith.constant 336 : index
        %swap3A_494 = tpu.vector_load %arg6[%swap3A_492, %swap3A_493] {strides = array<i32>} : memref<32x512xf32, #tpu.memory_space<vmem>>, vector<1x16xf32>,
        %swap3A_495 = vector.shape_cast %swap3A_494 : vector<1x16xf32> to vector<16xf32>
        %swap3A_496 = vector.shape_cast %mul3A_491 : vector<16xf32> to vector<1x16xf32>
        tpu.vector_store %arg6[%swap3A_492, %swap3A_493], %swap3A_496 {strides = array<i32>} : memref<32x512xf32, #tpu.memory_space<vmem>>, vector<1x16xf32>,
        %get3A_497 = arith.index_cast %scan3A_234 : i32 to index
        %get3A_498 = arith.constant 352 : index
        %get3A_499 = tpu.vector_load %arg6[%get3A_497, %get3A_498] {strides = array<i32>} : memref<32x512xf32, #tpu.memory_space<vmem>>, vector<1x16xf32>,
        %get3A_500 = vector.shape_cast %get3A_499 : vector<1x16xf32> to vector<16xf32>
        %mul3A_501 = arith.constant 22.6274166 : f32
        %mul3A_502 = vector.broadcast %mul3A_501 : f32 to vector<16xf32>
        %mul3A_503 = arith.mulf %get3A_500, %mul3A_502 : vector<16xf32>
        %swap3A_504 = arith.index_cast %scan3A_234 : i32 to index
        %swap3A_505 = arith.constant 352 : index
        %swap3A_506 = tpu.vector_load %arg6[%swap3A_504, %swap3A_505] {strides = array<i32>} : memref<32x512xf32, #tpu.memory_space<vmem>>, vector<1x16xf32>,
        %swap3A_507 = vector.shape_cast %swap3A_506 : vector<1x16xf32> to vector<16xf32>
        %swap3A_508 = vector.shape_cast %mul3A_503 : vector<16xf32> to vector<1x16xf32>
        tpu.vector_store %arg6[%swap3A_504, %swap3A_505], %swap3A_508 {strides = array<i32>} : memref<32x512xf32, #tpu.memory_space<vmem>>, vector<1x16xf32>,
        %get3A_509 = arith.index_cast %scan3A_234 : i32 to index
        %get3A_510 = arith.constant 368 : index
        %get3A_511 = tpu.vector_load %arg6[%get3A_509, %get3A_510] {strides = array<i32>} : memref<32x512xf32, #tpu.memory_space<vmem>>, vector<1x16xf32>,
        %get3A_512 = vector.shape_cast %get3A_511 : vector<1x16xf32> to vector<16xf32>
        %mul3A_513 = arith.constant 22.6274166 : f32
        %mul3A_514 = vector.broadcast %mul3A_513 : f32 to vector<16xf32>
        %mul3A_515 = arith.mulf %get3A_512, %mul3A_514 : vector<16xf32>
        %swap3A_516 = arith.index_cast %scan3A_234 : i32 to index
        %swap3A_517 = arith.constant 368 : index
        %swap3A_518 = tpu.vector_load %arg6[%swap3A_516, %swap3A_517] {strides = array<i32>} : memref<32x512xf32, #tpu.memory_space<vmem>>, vector<1x16xf32>,
        %swap3A_519 = vector.shape_cast %swap3A_518 : vector<1x16xf32> to vector<16xf32>
        %swap3A_520 = vector.shape_cast %mul3A_515 : vector<16xf32> to vector<1x16xf32>
        tpu.vector_store %arg6[%swap3A_516, %swap3A_517], %swap3A_520 {strides = array<i32>} : memref<32x512xf32, #tpu.memory_space<vmem>>, vector<1x16xf32>,
        %get3A_521 = arith.index_cast %scan3A_234 : i32 to index
        %get3A_522 = arith.constant 384 : index
        %get3A_523 = tpu.vector_load %arg6[%get3A_521, %get3A_522] {strides = array<i32>} : memref<32x512xf32, #tpu.memory_space<vmem>>, vector<1x16xf32>,
        %get3A_524 = vector.shape_cast %get3A_523 : vector<1x16xf32> to vector<16xf32>
        %mul3A_525 = arith.constant 22.6274166 : f32
        %mul3A_526 = vector.broadcast %mul3A_525 : f32 to vector<16xf32>
        %mul3A_527 = arith.mulf %get3A_524, %mul3A_526 : vector<16xf32>
        %swap3A_528 = arith.index_cast %scan3A_234 : i32 to index
        %swap3A_529 = arith.constant 384 : index
        %swap3A_530 = tpu.vector_load %arg6[%swap3A_528, %swap3A_529] {strides = array<i32>} : memref<32x512xf32, #tpu.memory_space<vmem>>, vector<1x16xf32>,
        %swap3A_531 = vector.shape_cast %swap3A_530 : vector<1x16xf32> to vector<16xf32>
        %swap3A_532 = vector.shape_cast %mul3A_527 : vector<16xf32> to vector<1x16xf32>
        tpu.vector_store %arg6[%swap3A_528, %swap3A_529], %swap3A_532 {strides = array<i32>} : memref<32x512xf32, #tpu.memory_space<vmem>>, vector<1x16xf32>,
        %get3A_533 = arith.index_cast %scan3A_234 : i32 to index
        %get3A_534 = arith.constant 400 : index
        %get3A_535 = tpu.vector_load %arg6[%get3A_533, %get3A_534] {strides = array<i32>} : memref<32x512xf32, #tpu.memory_space<vmem>>, vector<1x16xf32>,
        %get3A_536 = vector.shape_cast %get3A_535 : vector<1x16xf32> to vector<16xf32>
        %mul3A_537 = arith.constant 22.6274166 : f32
        %mul3A_538 = vector.broadcast %mul3A_537 : f32 to vector<16xf32>
        %mul3A_539 = arith.mulf %get3A_536, %mul3A_538 : vector<16xf32>
        %swap3A_540 = arith.index_cast %scan3A_234 : i32 to index
        %swap3A_541 = arith.constant 400 : index
        %swap3A_542 = tpu.vector_load %arg6[%swap3A_540, %swap3A_541] {strides = array<i32>} : memref<32x512xf32, #tpu.memory_space<vmem>>, vector<1x16xf32>,
        %swap3A_543 = vector.shape_cast %swap3A_542 : vector<1x16xf32> to vector<16xf32>
        %swap3A_544 = vector.shape_cast %mul3A_539 : vector<16xf32> to vector<1x16xf32>
        tpu.vector_store %arg6[%swap3A_540, %swap3A_541], %swap3A_544 {strides = array<i32>} : memref<32x512xf32, #tpu.memory_space<vmem>>, vector<1x16xf32>,
        %get3A_545 = arith.index_cast %scan3A_234 : i32 to index
        %get3A_546 = arith.constant 416 : index
        %get3A_547 = tpu.vector_load %arg6[%get3A_545, %get3A_546] {strides = array<i32>} : memref<32x512xf32, #tpu.memory_space<vmem>>, vector<1x16xf32>,
        %get3A_548 = vector.shape_cast %get3A_547 : vector<1x16xf32> to vector<16xf32>
        %mul3A_549 = arith.constant 22.6274166 : f32
        %mul3A_550 = vector.broadcast %mul3A_549 : f32 to vector<16xf32>
        %mul3A_551 = arith.mulf %get3A_548, %mul3A_550 : vector<16xf32>
        %swap3A_552 = arith.index_cast %scan3A_234 : i32 to index
        %swap3A_553 = arith.constant 416 : index
        %swap3A_554 = tpu.vector_load %arg6[%swap3A_552, %swap3A_553] {strides = array<i32>} : memref<32x512xf32, #tpu.memory_space<vmem>>, vector<1x16xf32>,
        %swap3A_555 = vector.shape_cast %swap3A_554 : vector<1x16xf32> to vector<16xf32>
        %swap3A_556 = vector.shape_cast %mul3A_551 : vector<16xf32> to vector<1x16xf32>
        tpu.vector_store %arg6[%swap3A_552, %swap3A_553], %swap3A_556 {strides = array<i32>} : memref<32x512xf32, #tpu.memory_space<vmem>>, vector<1x16xf32>,
        %get3A_557 = arith.index_cast %scan3A_234 : i32 to index
        %get3A_558 = arith.constant 432 : index
        %get3A_559 = tpu.vector_load %arg6[%get3A_557, %get3A_558] {strides = array<i32>} : memref<32x512xf32, #tpu.memory_space<vmem>>, vector<1x16xf32>,
        %get3A_560 = vector.shape_cast %get3A_559 : vector<1x16xf32> to vector<16xf32>
        %mul3A_561 = arith.constant 22.6274166 : f32
        %mul3A_562 = vector.broadcast %mul3A_561 : f32 to vector<16xf32>
        %mul3A_563 = arith.mulf %get3A_560, %mul3A_562 : vector<16xf32>
        %swap3A_564 = arith.index_cast %scan3A_234 : i32 to index
        %swap3A_565 = arith.constant 432 : index
        %swap3A_566 = tpu.vector_load %arg6[%swap3A_564, %swap3A_565] {strides = array<i32>} : memref<32x512xf32, #tpu.memory_space<vmem>>, vector<1x16xf32>,
        %swap3A_567 = vector.shape_cast %swap3A_566 : vector<1x16xf32> to vector<16xf32>
        %swap3A_568 = vector.shape_cast %mul3A_563 : vector<16xf32> to vector<1x16xf32>
        tpu.vector_store %arg6[%swap3A_564, %swap3A_565], %swap3A_568 {strides = array<i32>} : memref<32x512xf32, #tpu.memory_space<vmem>>, vector<1x16xf32>,
        %get3A_569 = arith.index_cast %scan3A_234 : i32 to index
        %get3A_570 = arith.constant 448 : index
        %get3A_571 = tpu.vector_load %arg6[%get3A_569, %get3A_570] {strides = array<i32>} : memref<32x512xf32, #tpu.memory_space<vmem>>, vector<1x16xf32>,
        %get3A_572 = vector.shape_cast %get3A_571 : vector<1x16xf32> to vector<16xf32>
        %mul3A_573 = arith.constant 22.6274166 : f32
        %mul3A_574 = vector.broadcast %mul3A_573 : f32 to vector<16xf32>
        %mul3A_575 = arith.mulf %get3A_572, %mul3A_574 : vector<16xf32>
        %swap3A_576 = arith.index_cast %scan3A_234 : i32 to index
        %swap3A_577 = arith.constant 448 : index
        %swap3A_578 = tpu.vector_load %arg6[%swap3A_576, %swap3A_577] {strides = array<i32>} : memref<32x512xf32, #tpu.memory_space<vmem>>, vector<1x16xf32>,
        %swap3A_579 = vector.shape_cast %swap3A_578 : vector<1x16xf32> to vector<16xf32>
        %swap3A_580 = vector.shape_cast %mul3A_575 : vector<16xf32> to vector<1x16xf32>
        tpu.vector_store %arg6[%swap3A_576, %swap3A_577], %swap3A_580 {strides = array<i32>} : memref<32x512xf32, #tpu.memory_space<vmem>>, vector<1x16xf32>,
        %get3A_581 = arith.index_cast %scan3A_234 : i32 to index
        %get3A_582 = arith.constant 464 : index
        %get3A_583 = tpu.vector_load %arg6[%get3A_581, %get3A_582] {strides = array<i32>} : memref<32x512xf32, #tpu.memory_space<vmem>>, vector<1x16xf32>,
        %get3A_584 = vector.shape_cast %get3A_583 : vector<1x16xf32> to vector<16xf32>
        %mul3A_585 = arith.constant 22.6274166 : f32
        %mul3A_586 = vector.broadcast %mul3A_585 : f32 to vector<16xf32>
        %mul3A_587 = arith.mulf %get3A_584, %mul3A_586 : vector<16xf32>
        %swap3A_588 = arith.index_cast %scan3A_234 : i32 to index
        %swap3A_589 = arith.constant 464 : index
        %swap3A_590 = tpu.vector_load %arg6[%swap3A_588, %swap3A_589] {strides = array<i32>} : memref<32x512xf32, #tpu.memory_space<vmem>>, vector<1x16xf32>,
        %swap3A_591 = vector.shape_cast %swap3A_590 : vector<1x16xf32> to vector<16xf32>
        %swap3A_592 = vector.shape_cast %mul3A_587 : vector<16xf32> to vector<1x16xf32>
        tpu.vector_store %arg6[%swap3A_588, %swap3A_589], %swap3A_592 {strides = array<i32>} : memref<32x512xf32, #tpu.memory_space<vmem>>, vector<1x16xf32>,
        %get3A_593 = arith.index_cast %scan3A_234 : i32 to index
        %get3A_594 = arith.constant 480 : index
        %get3A_595 = tpu.vector_load %arg6[%get3A_593, %get3A_594] {strides = array<i32>} : memref<32x512xf32, #tpu.memory_space<vmem>>, vector<1x16xf32>,
        %get3A_596 = vector.shape_cast %get3A_595 : vector<1x16xf32> to vector<16xf32>
        %mul3A_597 = arith.constant 22.6274166 : f32
        %mul3A_598 = vector.broadcast %mul3A_597 : f32 to vector<16xf32>
        %mul3A_599 = arith.mulf %get3A_596, %mul3A_598 : vector<16xf32>
        %swap3A_600 = arith.index_cast %scan3A_234 : i32 to index
        %swap3A_601 = arith.constant 480 : index
        %swap3A_602 = tpu.vector_load %arg6[%swap3A_600, %swap3A_601] {strides = array<i32>} : memref<32x512xf32, #tpu.memory_space<vmem>>, vector<1x16xf32>,
        %swap3A_603 = vector.shape_cast %swap3A_602 : vector<1x16xf32> to vector<16xf32>
        %swap3A_604 = vector.shape_cast %mul3A_599 : vector<16xf32> to vector<1x16xf32>
        tpu.vector_store %arg6[%swap3A_600, %swap3A_601], %swap3A_604 {strides = array<i32>} : memref<32x512xf32, #tpu.memory_space<vmem>>, vector<1x16xf32>,
        %get3A_605 = arith.index_cast %scan3A_234 : i32 to index
        %get3A_606 = arith.constant 496 : index
        %get3A_607 = tpu.vector_load %arg6[%get3A_605, %get3A_606] {strides = array<i32>} : memref<32x512xf32, #tpu.memory_space<vmem>>, vector<1x16xf32>,
        %get3A_608 = vector.shape_cast %get3A_607 : vector<1x16xf32> to vector<16xf32>
        %mul3A_609 = arith.constant 22.6274166 : f32
        %mul3A_610 = vector.broadcast %mul3A_609 : f32 to vector<16xf32>
        %mul3A_611 = arith.mulf %get3A_608, %mul3A_610 : vector<16xf32>
        %swap3A_612 = arith.index_cast %scan3A_234 : i32 to index
        %swap3A_613 = arith.constant 496 : index
        %swap3A_614 = tpu.vector_load %arg6[%swap3A_612, %swap3A_613] {strides = array<i32>} : memref<32x512xf32, #tpu.memory_space<vmem>>, vector<1x16xf32>,
        %swap3A_615 = vector.shape_cast %swap3A_614 : vector<1x16xf32> to vector<16xf32>
        %swap3A_616 = vector.shape_cast %mul3A_611 : vector<16xf32> to vector<1x16xf32>
        tpu.vector_store %arg6[%swap3A_612, %swap3A_613], %swap3A_616 {strides = array<i32>} : memref<32x512xf32, #tpu.memory_space<vmem>>, vector<1x16xf32>,
      }
      %scan3A_104 = arith.constant 32 : i32
      %mul3A_105 = arith.constant 32 : i32
      %mul3A_106 = arith.muli %add3A_92, %mul3A_105 : i32
      %add3A_107 = arith.addi %mul3A_32, %mul3A_106 : i32
      %dma_start3A_108 = arith.constant 0 : i32
      %dma_start3A_109 = tpu.memref_slice %arg4[%select_n3A, %add3A_107, %dma_start3A_108] : memref<4x4096x512xf32, #tpu.memory_space<hbm>> -> memref<1x32x512xf32, #tpu.memory_space<hbm>>
      %dma_start3A_110 = tpu.memref_squeeze %dma_start3A_109 : memref<1x32x512xf32, #tpu.memory_space<hbm>> -> memref<32x512xf32, #tpu.memory_space<hbm>>
      %dma_start3A_111 = arith.constant 0 : i32
      %dma_start3A_112 = tpu.memref_slice %arg4[%select_n3A, %add3A_107, %dma_start3A_111] : memref<4x4096x512xf32, #tpu.memory_space<hbm>> -> memref<1x32x512xf32, #tpu.memory_space<hbm>>
      %dma_start3A_113 = tpu.memref_squeeze %dma_start3A_112 : memref<1x32x512xf32, #tpu.memory_space<hbm>> -> memref<32x512xf32, #tpu.memory_space<hbm>>
      tpu.enqueue_dma source(%arg6 : memref<32x512xf32, #tpu.memory_space<vmem>>) target(%dma_start3A_113 : memref<32x512xf32, #tpu.memory_space<hbm>>) target_semaphore(%arg14 : memref<!tpu.dma_semaphore, #tpu.memory_space<semaphore_mem>>)
      %add3A_114 = arith.constant 4 : i32
      %add3A_115 = arith.addi %add3A_92, %add3A_114 : i32
      %sub3A_116 = arith.constant 1 : i32
      %sub3A_117 = arith.subi %add3A_115, %sub3A_116 : i32
      %ge3A = arith.constant 1 : i32
      %ge3A_118 = arith.cmpi sge, %add3A_92, %ge3A : i32
      %lt3A_119 = arith.constant 16 : i32
      %lt3A_120 = arith.cmpi slt, %sub3A_117, %lt3A_119 : i32
      %and3A_121 = arith.andi %ge3A_118, %lt3A_120 : i1
      %convert_element_type3A = arith.extui %and3A_121 : i1 to i32
      %cond3A = arith.constant 0 : i32
      %cond3A_122 = arith.cmpi ne, %convert_element_type3A, %cond3A : i32
      scf.if %cond3A_122 {
        %sub3A_234 = arith.constant 1 : i32
        %sub3A_235 = arith.subi %add3A_92, %sub3A_234 : i32
        %mul3A_236 = arith.constant 32 : i32
        %mul3A_237 = arith.muli %sub3A_235, %mul3A_236 : i32
        %add3A_238 = arith.addi %mul3A_32, %mul3A_237 : i32
        %dma_wait3A_239 = arith.constant 0 : i32
        %dma_wait3A_240 = tpu.memref_slice %arg4[%select_n3A, %add3A_238, %dma_wait3A_239] : memref<4x4096x512xf32, #tpu.memory_space<hbm>> -> memref<1x32x512xf32, #tpu.memory_space<hbm>>
        %dma_wait3A_241 = tpu.memref_squeeze %dma_wait3A_240 : memref<1x32x512xf32, #tpu.memory_space<hbm>> -> memref<32x512xf32, #tpu.memory_space<hbm>>
        %dma_wait3A_242 = arith.constant 0 : i32
        %dma_wait3A_243 = tpu.memref_slice %arg4[%select_n3A, %add3A_238, %dma_wait3A_242] : memref<4x4096x512xf32, #tpu.memory_space<hbm>> -> memref<1x32x512xf32, #tpu.memory_space<hbm>>
        %dma_wait3A_244 = tpu.memref_squeeze %dma_wait3A_243 : memref<1x32x512xf32, #tpu.memory_space<hbm>> -> memref<32x512xf32, #tpu.memory_space<hbm>>
        tpu.wait_dma2 semaphore(%arg17 : memref<!tpu.dma_semaphore, #tpu.memory_space<semaphore_mem>>) src(%arg9 : memref<32x512xf32, #tpu.memory_space<vmem>>) dst(%dma_wait3A_244 : memref<32x512xf32, #tpu.memory_space<hbm>>)
        %mul3A_245 = arith.constant 32 : i32
        %mul3A_246 = arith.muli %sub3A_117, %mul3A_245 : i32
        %dma_start3A_247 = tpu.memref_slice %arg5[%mul3A_246] : memref<512xi32, #tpu.memory_space<vmem>> -> memref<32xi32, #tpu.memory_space<vmem>>
        %dma_start3A_248 = arith.constant 0 : i32
        %dma_start3A_249 = arith.constant 0 : i32
        %dma_start3A_250 = tpu.memref_slice %arg3[%dma_start3A_248, %dma_start3A_249] : memref<100000x512xf32, #tpu.memory_space<hbm>> -> memref<100000x512xf32, #tpu.memory_space<hbm>>
        tpu.enqueue_indirect_dma source(%dma_start3A_250 : memref<100000x512xf32, #tpu.memory_space<hbm>>) target(%arg9 : memref<32x512xf32, #tpu.memory_space<vmem>>) offsets(%dma_start3A_247 : memref<32xi32, #tpu.memory_space<vmem>>) semaphore(%arg13 : memref<!tpu.dma_semaphore, #tpu.memory_space<semaphore_mem>>)
      } else {
      }
      %mul3A_123 = arith.constant 4 : i32
      %mul3A_124 = arith.muli %scan3A_88, %mul3A_123 : i32
      %add3A_125 = arith.constant 1 : i32
      %add3A_126 = arith.addi %mul3A_124, %add3A_125 : i32
      %mul3A_127 = arith.constant 32 : i32
      %mul3A_128 = arith.muli %add3A_126, %mul3A_127 : i32
      %dma_wait3A_129 = tpu.memref_slice %arg5[%mul3A_128] : memref<512xi32, #tpu.memory_space<vmem>> -> memref<32xi32, #tpu.memory_space<vmem>>
      %dma_wait3A_130 = arith.constant 0 : i32
      %dma_wait3A_131 = arith.constant 0 : i32
      %dma_wait3A_132 = tpu.memref_slice %arg3[%dma_wait3A_130, %dma_wait3A_131] : memref<100000x512xf32, #tpu.memory_space<hbm>> -> memref<100000x512xf32, #tpu.memory_space<hbm>>
      tpu.wait_indirect_dma semaphore(%arg11 : memref<!tpu.dma_semaphore, #tpu.memory_space<semaphore_mem>>) src(%dma_wait3A_132 : memref<100000x512xf32, #tpu.memory_space<hbm>>) dst(%arg7 : memref<32x512xf32, #tpu.memory_space<vmem>>)
      %scan3A_133 = arith.constant 0 : i32
      %scan3A_134 = arith.constant 0 : i32
      %scan3A_135 = arith.constant 32 : i32
      %scan3A_136 = arith.addi %scan3A_134, %scan3A_135 : i32
      %scan3A_137 = arith.constant 1 : i32
      scf.for %scan3A_234 = %scan3A_134 to %scan3A_136 step %scan3A_137  : i32 {
        %get3A = arith.index_cast %scan3A_234 : i32 to index
        %get3A_235 = arith.constant 0 : index
        %get3A_236 = tpu.vector_load %arg7[%get3A, %get3A_235] {strides = array<i32>} : memref<32x512xf32, #tpu.memory_space<vmem>>, vector<1x16xf32>,
        %get3A_237 = vector.shape_cast %get3A_236 : vector<1x16xf32> to vector<16xf32>
        %mul3A_238 = arith.constant 22.6274166 : f32
        %mul3A_239 = vector.broadcast %mul3A_238 : f32 to vector<16xf32>
        %mul3A_240 = arith.mulf %get3A_237, %mul3A_239 : vector<16xf32>
        %swap3A = arith.index_cast %scan3A_234 : i32 to index
        %swap3A_241 = arith.constant 0 : index
        %swap3A_242 = tpu.vector_load %arg7[%swap3A, %swap3A_241] {strides = array<i32>} : memref<32x512xf32, #tpu.memory_space<vmem>>, vector<1x16xf32>,
        %swap3A_243 = vector.shape_cast %swap3A_242 : vector<1x16xf32> to vector<16xf32>
        %swap3A_244 = vector.shape_cast %mul3A_240 : vector<16xf32> to vector<1x16xf32>
        tpu.vector_store %arg7[%swap3A, %swap3A_241], %swap3A_244 {strides = array<i32>} : memref<32x512xf32, #tpu.memory_space<vmem>>, vector<1x16xf32>,
        %get3A_245 = arith.index_cast %scan3A_234 : i32 to index
        %get3A_246 = arith.constant 16 : index
        %get3A_247 = tpu.vector_load %arg7[%get3A_245, %get3A_246] {strides = array<i32>} : memref<32x512xf32, #tpu.memory_space<vmem>>, vector<1x16xf32>,
        %get3A_248 = vector.shape_cast %get3A_247 : vector<1x16xf32> to vector<16xf32>
        %mul3A_249 = arith.constant 22.6274166 : f32
        %mul3A_250 = vector.broadcast %mul3A_249 : f32 to vector<16xf32>
        %mul3A_251 = arith.mulf %get3A_248, %mul3A_250 : vector<16xf32>
        %swap3A_252 = arith.index_cast %scan3A_234 : i32 to index
        %swap3A_253 = arith.constant 16 : index
        %swap3A_254 = tpu.vector_load %arg7[%swap3A_252, %swap3A_253] {strides = array<i32>} : memref<32x512xf32, #tpu.memory_space<vmem>>, vector<1x16xf32>,
        %swap3A_255 = vector.shape_cast %swap3A_254 : vector<1x16xf32> to vector<16xf32>
        %swap3A_256 = vector.shape_cast %mul3A_251 : vector<16xf32> to vector<1x16xf32>
        tpu.vector_store %arg7[%swap3A_252, %swap3A_253], %swap3A_256 {strides = array<i32>} : memref<32x512xf32, #tpu.memory_space<vmem>>, vector<1x16xf32>,
        %get3A_257 = arith.index_cast %scan3A_234 : i32 to index
        %get3A_258 = arith.constant 32 : index
        %get3A_259 = tpu.vector_load %arg7[%get3A_257, %get3A_258] {strides = array<i32>} : memref<32x512xf32, #tpu.memory_space<vmem>>, vector<1x16xf32>,
        %get3A_260 = vector.shape_cast %get3A_259 : vector<1x16xf32> to vector<16xf32>
        %mul3A_261 = arith.constant 22.6274166 : f32
        %mul3A_262 = vector.broadcast %mul3A_261 : f32 to vector<16xf32>
        %mul3A_263 = arith.mulf %get3A_260, %mul3A_262 : vector<16xf32>
        %swap3A_264 = arith.index_cast %scan3A_234 : i32 to index
        %swap3A_265 = arith.constant 32 : index
        %swap3A_266 = tpu.vector_load %arg7[%swap3A_264, %swap3A_265] {strides = array<i32>} : memref<32x512xf32, #tpu.memory_space<vmem>>, vector<1x16xf32>,
        %swap3A_267 = vector.shape_cast %swap3A_266 : vector<1x16xf32> to vector<16xf32>
        %swap3A_268 = vector.shape_cast %mul3A_263 : vector<16xf32> to vector<1x16xf32>
        tpu.vector_store %arg7[%swap3A_264, %swap3A_265], %swap3A_268 {strides = array<i32>} : memref<32x512xf32, #tpu.memory_space<vmem>>, vector<1x16xf32>,
        %get3A_269 = arith.index_cast %scan3A_234 : i32 to index
        %get3A_270 = arith.constant 48 : index
        %get3A_271 = tpu.vector_load %arg7[%get3A_269, %get3A_270] {strides = array<i32>} : memref<32x512xf32, #tpu.memory_space<vmem>>, vector<1x16xf32>,
        %get3A_272 = vector.shape_cast %get3A_271 : vector<1x16xf32> to vector<16xf32>
        %mul3A_273 = arith.constant 22.6274166 : f32
        %mul3A_274 = vector.broadcast %mul3A_273 : f32 to vector<16xf32>
        %mul3A_275 = arith.mulf %get3A_272, %mul3A_274 : vector<16xf32>
        %swap3A_276 = arith.index_cast %scan3A_234 : i32 to index
        %swap3A_277 = arith.constant 48 : index
        %swap3A_278 = tpu.vector_load %arg7[%swap3A_276, %swap3A_277] {strides = array<i32>} : memref<32x512xf32, #tpu.memory_space<vmem>>, vector<1x16xf32>,
        %swap3A_279 = vector.shape_cast %swap3A_278 : vector<1x16xf32> to vector<16xf32>
        %swap3A_280 = vector.shape_cast %mul3A_275 : vector<16xf32> to vector<1x16xf32>
        tpu.vector_store %arg7[%swap3A_276, %swap3A_277], %swap3A_280 {strides = array<i32>} : memref<32x512xf32, #tpu.memory_space<vmem>>, vector<1x16xf32>,
        %get3A_281 = arith.index_cast %scan3A_234 : i32 to index
        %get3A_282 = arith.constant 64 : index
        %get3A_283 = tpu.vector_load %arg7[%get3A_281, %get3A_282] {strides = array<i32>} : memref<32x512xf32, #tpu.memory_space<vmem>>, vector<1x16xf32>,
        %get3A_284 = vector.shape_cast %get3A_283 : vector<1x16xf32> to vector<16xf32>
        %mul3A_285 = arith.constant 22.6274166 : f32
        %mul3A_286 = vector.broadcast %mul3A_285 : f32 to vector<16xf32>
        %mul3A_287 = arith.mulf %get3A_284, %mul3A_286 : vector<16xf32>
        %swap3A_288 = arith.index_cast %scan3A_234 : i32 to index
        %swap3A_289 = arith.constant 64 : index
        %swap3A_290 = tpu.vector_load %arg7[%swap3A_288, %swap3A_289] {strides = array<i32>} : memref<32x512xf32, #tpu.memory_space<vmem>>, vector<1x16xf32>,
        %swap3A_291 = vector.shape_cast %swap3A_290 : vector<1x16xf32> to vector<16xf32>
        %swap3A_292 = vector.shape_cast %mul3A_287 : vector<16xf32> to vector<1x16xf32>
        tpu.vector_store %arg7[%swap3A_288, %swap3A_289], %swap3A_292 {strides = array<i32>} : memref<32x512xf32, #tpu.memory_space<vmem>>, vector<1x16xf32>,
        %get3A_293 = arith.index_cast %scan3A_234 : i32 to index
        %get3A_294 = arith.constant 80 : index
        %get3A_295 = tpu.vector_load %arg7[%get3A_293, %get3A_294] {strides = array<i32>} : memref<32x512xf32, #tpu.memory_space<vmem>>, vector<1x16xf32>,
        %get3A_296 = vector.shape_cast %get3A_295 : vector<1x16xf32> to vector<16xf32>
        %mul3A_297 = arith.constant 22.6274166 : f32
        %mul3A_298 = vector.broadcast %mul3A_297 : f32 to vector<16xf32>
        %mul3A_299 = arith.mulf %get3A_296, %mul3A_298 : vector<16xf32>
        %swap3A_300 = arith.index_cast %scan3A_234 : i32 to index
        %swap3A_301 = arith.constant 80 : index
        %swap3A_302 = tpu.vector_load %arg7[%swap3A_300, %swap3A_301] {strides = array<i32>} : memref<32x512xf32, #tpu.memory_space<vmem>>, vector<1x16xf32>,
        %swap3A_303 = vector.shape_cast %swap3A_302 : vector<1x16xf32> to vector<16xf32>
        %swap3A_304 = vector.shape_cast %mul3A_299 : vector<16xf32> to vector<1x16xf32>
        tpu.vector_store %arg7[%swap3A_300, %swap3A_301], %swap3A_304 {strides = array<i32>} : memref<32x512xf32, #tpu.memory_space<vmem>>, vector<1x16xf32>,
        %get3A_305 = arith.index_cast %scan3A_234 : i32 to index
        %get3A_306 = arith.constant 96 : index
        %get3A_307 = tpu.vector_load %arg7[%get3A_305, %get3A_306] {strides = array<i32>} : memref<32x512xf32, #tpu.memory_space<vmem>>, vector<1x16xf32>,
        %get3A_308 = vector.shape_cast %get3A_307 : vector<1x16xf32> to vector<16xf32>
        %mul3A_309 = arith.constant 22.6274166 : f32
        %mul3A_310 = vector.broadcast %mul3A_309 : f32 to vector<16xf32>
        %mul3A_311 = arith.mulf %get3A_308, %mul3A_310 : vector<16xf32>
        %swap3A_312 = arith.index_cast %scan3A_234 : i32 to index
        %swap3A_313 = arith.constant 96 : index
        %swap3A_314 = tpu.vector_load %arg7[%swap3A_312, %swap3A_313] {strides = array<i32>} : memref<32x512xf32, #tpu.memory_space<vmem>>, vector<1x16xf32>,
        %swap3A_315 = vector.shape_cast %swap3A_314 : vector<1x16xf32> to vector<16xf32>
        %swap3A_316 = vector.shape_cast %mul3A_311 : vector<16xf32> to vector<1x16xf32>
        tpu.vector_store %arg7[%swap3A_312, %swap3A_313], %swap3A_316 {strides = array<i32>} : memref<32x512xf32, #tpu.memory_space<vmem>>, vector<1x16xf32>,
        %get3A_317 = arith.index_cast %scan3A_234 : i32 to index
        %get3A_318 = arith.constant 112 : index
        %get3A_319 = tpu.vector_load %arg7[%get3A_317, %get3A_318] {strides = array<i32>} : memref<32x512xf32, #tpu.memory_space<vmem>>, vector<1x16xf32>,
        %get3A_320 = vector.shape_cast %get3A_319 : vector<1x16xf32> to vector<16xf32>
        %mul3A_321 = arith.constant 22.6274166 : f32
        %mul3A_322 = vector.broadcast %mul3A_321 : f32 to vector<16xf32>
        %mul3A_323 = arith.mulf %get3A_320, %mul3A_322 : vector<16xf32>
        %swap3A_324 = arith.index_cast %scan3A_234 : i32 to index
        %swap3A_325 = arith.constant 112 : index
        %swap3A_326 = tpu.vector_load %arg7[%swap3A_324, %swap3A_325] {strides = array<i32>} : memref<32x512xf32, #tpu.memory_space<vmem>>, vector<1x16xf32>,
        %swap3A_327 = vector.shape_cast %swap3A_326 : vector<1x16xf32> to vector<16xf32>
        %swap3A_328 = vector.shape_cast %mul3A_323 : vector<16xf32> to vector<1x16xf32>
        tpu.vector_store %arg7[%swap3A_324, %swap3A_325], %swap3A_328 {strides = array<i32>} : memref<32x512xf32, #tpu.memory_space<vmem>>, vector<1x16xf32>,
        %get3A_329 = arith.index_cast %scan3A_234 : i32 to index
        %get3A_330 = arith.constant 128 : index
        %get3A_331 = tpu.vector_load %arg7[%get3A_329, %get3A_330] {strides = array<i32>} : memref<32x512xf32, #tpu.memory_space<vmem>>, vector<1x16xf32>,
        %get3A_332 = vector.shape_cast %get3A_331 : vector<1x16xf32> to vector<16xf32>
        %mul3A_333 = arith.constant 22.6274166 : f32
        %mul3A_334 = vector.broadcast %mul3A_333 : f32 to vector<16xf32>
        %mul3A_335 = arith.mulf %get3A_332, %mul3A_334 : vector<16xf32>
        %swap3A_336 = arith.index_cast %scan3A_234 : i32 to index
        %swap3A_337 = arith.constant 128 : index
        %swap3A_338 = tpu.vector_load %arg7[%swap3A_336, %swap3A_337] {strides = array<i32>} : memref<32x512xf32, #tpu.memory_space<vmem>>, vector<1x16xf32>,
        %swap3A_339 = vector.shape_cast %swap3A_338 : vector<1x16xf32> to vector<16xf32>
        %swap3A_340 = vector.shape_cast %mul3A_335 : vector<16xf32> to vector<1x16xf32>
        tpu.vector_store %arg7[%swap3A_336, %swap3A_337], %swap3A_340 {strides = array<i32>} : memref<32x512xf32, #tpu.memory_space<vmem>>, vector<1x16xf32>,
        %get3A_341 = arith.index_cast %scan3A_234 : i32 to index
        %get3A_342 = arith.constant 144 : index
        %get3A_343 = tpu.vector_load %arg7[%get3A_341, %get3A_342] {strides = array<i32>} : memref<32x512xf32, #tpu.memory_space<vmem>>, vector<1x16xf32>,
        %get3A_344 = vector.shape_cast %get3A_343 : vector<1x16xf32> to vector<16xf32>
        %mul3A_345 = arith.constant 22.6274166 : f32
        %mul3A_346 = vector.broadcast %mul3A_345 : f32 to vector<16xf32>
        %mul3A_347 = arith.mulf %get3A_344, %mul3A_346 : vector<16xf32>
        %swap3A_348 = arith.index_cast %scan3A_234 : i32 to index
        %swap3A_349 = arith.constant 144 : index
        %swap3A_350 = tpu.vector_load %arg7[%swap3A_348, %swap3A_349] {strides = array<i32>} : memref<32x512xf32, #tpu.memory_space<vmem>>, vector<1x16xf32>,
        %swap3A_351 = vector.shape_cast %swap3A_350 : vector<1x16xf32> to vector<16xf32>
        %swap3A_352 = vector.shape_cast %mul3A_347 : vector<16xf32> to vector<1x16xf32>
        tpu.vector_store %arg7[%swap3A_348, %swap3A_349], %swap3A_352 {strides = array<i32>} : memref<32x512xf32, #tpu.memory_space<vmem>>, vector<1x16xf32>,
        %get3A_353 = arith.index_cast %scan3A_234 : i32 to index
        %get3A_354 = arith.constant 160 : index
        %get3A_355 = tpu.vector_load %arg7[%get3A_353, %get3A_354] {strides = array<i32>} : memref<32x512xf32, #tpu.memory_space<vmem>>, vector<1x16xf32>,
        %get3A_356 = vector.shape_cast %get3A_355 : vector<1x16xf32> to vector<16xf32>
        %mul3A_357 = arith.constant 22.6274166 : f32
        %mul3A_358 = vector.broadcast %mul3A_357 : f32 to vector<16xf32>
        %mul3A_359 = arith.mulf %get3A_356, %mul3A_358 : vector<16xf32>
        %swap3A_360 = arith.index_cast %scan3A_234 : i32 to index
        %swap3A_361 = arith.constant 160 : index
        %swap3A_362 = tpu.vector_load %arg7[%swap3A_360, %swap3A_361] {strides = array<i32>} : memref<32x512xf32, #tpu.memory_space<vmem>>, vector<1x16xf32>,
        %swap3A_363 = vector.shape_cast %swap3A_362 : vector<1x16xf32> to vector<16xf32>
        %swap3A_364 = vector.shape_cast %mul3A_359 : vector<16xf32> to vector<1x16xf32>
        tpu.vector_store %arg7[%swap3A_360, %swap3A_361], %swap3A_364 {strides = array<i32>} : memref<32x512xf32, #tpu.memory_space<vmem>>, vector<1x16xf32>,
        %get3A_365 = arith.index_cast %scan3A_234 : i32 to index
        %get3A_366 = arith.constant 176 : index
        %get3A_367 = tpu.vector_load %arg7[%get3A_365, %get3A_366] {strides = array<i32>} : memref<32x512xf32, #tpu.memory_space<vmem>>, vector<1x16xf32>,
        %get3A_368 = vector.shape_cast %get3A_367 : vector<1x16xf32> to vector<16xf32>
        %mul3A_369 = arith.constant 22.6274166 : f32
        %mul3A_370 = vector.broadcast %mul3A_369 : f32 to vector<16xf32>
        %mul3A_371 = arith.mulf %get3A_368, %mul3A_370 : vector<16xf32>
        %swap3A_372 = arith.index_cast %scan3A_234 : i32 to index
        %swap3A_373 = arith.constant 176 : index
        %swap3A_374 = tpu.vector_load %arg7[%swap3A_372, %swap3A_373] {strides = array<i32>} : memref<32x512xf32, #tpu.memory_space<vmem>>, vector<1x16xf32>,
        %swap3A_375 = vector.shape_cast %swap3A_374 : vector<1x16xf32> to vector<16xf32>
        %swap3A_376 = vector.shape_cast %mul3A_371 : vector<16xf32> to vector<1x16xf32>
        tpu.vector_store %arg7[%swap3A_372, %swap3A_373], %swap3A_376 {strides = array<i32>} : memref<32x512xf32, #tpu.memory_space<vmem>>, vector<1x16xf32>,
        %get3A_377 = arith.index_cast %scan3A_234 : i32 to index
        %get3A_378 = arith.constant 192 : index
        %get3A_379 = tpu.vector_load %arg7[%get3A_377, %get3A_378] {strides = array<i32>} : memref<32x512xf32, #tpu.memory_space<vmem>>, vector<1x16xf32>,
        %get3A_380 = vector.shape_cast %get3A_379 : vector<1x16xf32> to vector<16xf32>
        %mul3A_381 = arith.constant 22.6274166 : f32
        %mul3A_382 = vector.broadcast %mul3A_381 : f32 to vector<16xf32>
        %mul3A_383 = arith.mulf %get3A_380, %mul3A_382 : vector<16xf32>
        %swap3A_384 = arith.index_cast %scan3A_234 : i32 to index
        %swap3A_385 = arith.constant 192 : index
        %swap3A_386 = tpu.vector_load %arg7[%swap3A_384, %swap3A_385] {strides = array<i32>} : memref<32x512xf32, #tpu.memory_space<vmem>>, vector<1x16xf32>,
        %swap3A_387 = vector.shape_cast %swap3A_386 : vector<1x16xf32> to vector<16xf32>
        %swap3A_388 = vector.shape_cast %mul3A_383 : vector<16xf32> to vector<1x16xf32>
        tpu.vector_store %arg7[%swap3A_384, %swap3A_385], %swap3A_388 {strides = array<i32>} : memref<32x512xf32, #tpu.memory_space<vmem>>, vector<1x16xf32>,
        %get3A_389 = arith.index_cast %scan3A_234 : i32 to index
        %get3A_390 = arith.constant 208 : index
        %get3A_391 = tpu.vector_load %arg7[%get3A_389, %get3A_390] {strides = array<i32>} : memref<32x512xf32, #tpu.memory_space<vmem>>, vector<1x16xf32>,
        %get3A_392 = vector.shape_cast %get3A_391 : vector<1x16xf32> to vector<16xf32>
        %mul3A_393 = arith.constant 22.6274166 : f32
        %mul3A_394 = vector.broadcast %mul3A_393 : f32 to vector<16xf32>
        %mul3A_395 = arith.mulf %get3A_392, %mul3A_394 : vector<16xf32>
        %swap3A_396 = arith.index_cast %scan3A_234 : i32 to index
        %swap3A_397 = arith.constant 208 : index
        %swap3A_398 = tpu.vector_load %arg7[%swap3A_396, %swap3A_397] {strides = array<i32>} : memref<32x512xf32, #tpu.memory_space<vmem>>, vector<1x16xf32>,
        %swap3A_399 = vector.shape_cast %swap3A_398 : vector<1x16xf32> to vector<16xf32>
        %swap3A_400 = vector.shape_cast %mul3A_395 : vector<16xf32> to vector<1x16xf32>
        tpu.vector_store %arg7[%swap3A_396, %swap3A_397], %swap3A_400 {strides = array<i32>} : memref<32x512xf32, #tpu.memory_space<vmem>>, vector<1x16xf32>,
        %get3A_401 = arith.index_cast %scan3A_234 : i32 to index
        %get3A_402 = arith.constant 224 : index
        %get3A_403 = tpu.vector_load %arg7[%get3A_401, %get3A_402] {strides = array<i32>} : memref<32x512xf32, #tpu.memory_space<vmem>>, vector<1x16xf32>,
        %get3A_404 = vector.shape_cast %get3A_403 : vector<1x16xf32> to vector<16xf32>
        %mul3A_405 = arith.constant 22.6274166 : f32
        %mul3A_406 = vector.broadcast %mul3A_405 : f32 to vector<16xf32>
        %mul3A_407 = arith.mulf %get3A_404, %mul3A_406 : vector<16xf32>
        %swap3A_408 = arith.index_cast %scan3A_234 : i32 to index
        %swap3A_409 = arith.constant 224 : index
        %swap3A_410 = tpu.vector_load %arg7[%swap3A_408, %swap3A_409] {strides = array<i32>} : memref<32x512xf32, #tpu.memory_space<vmem>>, vector<1x16xf32>,
        %swap3A_411 = vector.shape_cast %swap3A_410 : vector<1x16xf32> to vector<16xf32>
        %swap3A_412 = vector.shape_cast %mul3A_407 : vector<16xf32> to vector<1x16xf32>
        tpu.vector_store %arg7[%swap3A_408, %swap3A_409], %swap3A_412 {strides = array<i32>} : memref<32x512xf32, #tpu.memory_space<vmem>>, vector<1x16xf32>,
        %get3A_413 = arith.index_cast %scan3A_234 : i32 to index
        %get3A_414 = arith.constant 240 : index
        %get3A_415 = tpu.vector_load %arg7[%get3A_413, %get3A_414] {strides = array<i32>} : memref<32x512xf32, #tpu.memory_space<vmem>>, vector<1x16xf32>,
        %get3A_416 = vector.shape_cast %get3A_415 : vector<1x16xf32> to vector<16xf32>
        %mul3A_417 = arith.constant 22.6274166 : f32
        %mul3A_418 = vector.broadcast %mul3A_417 : f32 to vector<16xf32>
        %mul3A_419 = arith.mulf %get3A_416, %mul3A_418 : vector<16xf32>
        %swap3A_420 = arith.index_cast %scan3A_234 : i32 to index
        %swap3A_421 = arith.constant 240 : index
        %swap3A_422 = tpu.vector_load %arg7[%swap3A_420, %swap3A_421] {strides = array<i32>} : memref<32x512xf32, #tpu.memory_space<vmem>>, vector<1x16xf32>,
        %swap3A_423 = vector.shape_cast %swap3A_422 : vector<1x16xf32> to vector<16xf32>
        %swap3A_424 = vector.shape_cast %mul3A_419 : vector<16xf32> to vector<1x16xf32>
        tpu.vector_store %arg7[%swap3A_420, %swap3A_421], %swap3A_424 {strides = array<i32>} : memref<32x512xf32, #tpu.memory_space<vmem>>, vector<1x16xf32>,
        %get3A_425 = arith.index_cast %scan3A_234 : i32 to index
        %get3A_426 = arith.constant 256 : index
        %get3A_427 = tpu.vector_load %arg7[%get3A_425, %get3A_426] {strides = array<i32>} : memref<32x512xf32, #tpu.memory_space<vmem>>, vector<1x16xf32>,
        %get3A_428 = vector.shape_cast %get3A_427 : vector<1x16xf32> to vector<16xf32>
        %mul3A_429 = arith.constant 22.6274166 : f32
        %mul3A_430 = vector.broadcast %mul3A_429 : f32 to vector<16xf32>
        %mul3A_431 = arith.mulf %get3A_428, %mul3A_430 : vector<16xf32>
        %swap3A_432 = arith.index_cast %scan3A_234 : i32 to index
        %swap3A_433 = arith.constant 256 : index
        %swap3A_434 = tpu.vector_load %arg7[%swap3A_432, %swap3A_433] {strides = array<i32>} : memref<32x512xf32, #tpu.memory_space<vmem>>, vector<1x16xf32>,
        %swap3A_435 = vector.shape_cast %swap3A_434 : vector<1x16xf32> to vector<16xf32>
        %swap3A_436 = vector.shape_cast %mul3A_431 : vector<16xf32> to vector<1x16xf32>
        tpu.vector_store %arg7[%swap3A_432, %swap3A_433], %swap3A_436 {strides = array<i32>} : memref<32x512xf32, #tpu.memory_space<vmem>>, vector<1x16xf32>,
        %get3A_437 = arith.index_cast %scan3A_234 : i32 to index
        %get3A_438 = arith.constant 272 : index
        %get3A_439 = tpu.vector_load %arg7[%get3A_437, %get3A_438] {strides = array<i32>} : memref<32x512xf32, #tpu.memory_space<vmem>>, vector<1x16xf32>,
        %get3A_440 = vector.shape_cast %get3A_439 : vector<1x16xf32> to vector<16xf32>
        %mul3A_441 = arith.constant 22.6274166 : f32
        %mul3A_442 = vector.broadcast %mul3A_441 : f32 to vector<16xf32>
        %mul3A_443 = arith.mulf %get3A_440, %mul3A_442 : vector<16xf32>
        %swap3A_444 = arith.index_cast %scan3A_234 : i32 to index
        %swap3A_445 = arith.constant 272 : index
        %swap3A_446 = tpu.vector_load %arg7[%swap3A_444, %swap3A_445] {strides = array<i32>} : memref<32x512xf32, #tpu.memory_space<vmem>>, vector<1x16xf32>,
        %swap3A_447 = vector.shape_cast %swap3A_446 : vector<1x16xf32> to vector<16xf32>
        %swap3A_448 = vector.shape_cast %mul3A_443 : vector<16xf32> to vector<1x16xf32>
        tpu.vector_store %arg7[%swap3A_444, %swap3A_445], %swap3A_448 {strides = array<i32>} : memref<32x512xf32, #tpu.memory_space<vmem>>, vector<1x16xf32>,
        %get3A_449 = arith.index_cast %scan3A_234 : i32 to index
        %get3A_450 = arith.constant 288 : index
        %get3A_451 = tpu.vector_load %arg7[%get3A_449, %get3A_450] {strides = array<i32>} : memref<32x512xf32, #tpu.memory_space<vmem>>, vector<1x16xf32>,
        %get3A_452 = vector.shape_cast %get3A_451 : vector<1x16xf32> to vector<16xf32>
        %mul3A_453 = arith.constant 22.6274166 : f32
        %mul3A_454 = vector.broadcast %mul3A_453 : f32 to vector<16xf32>
        %mul3A_455 = arith.mulf %get3A_452, %mul3A_454 : vector<16xf32>
        %swap3A_456 = arith.index_cast %scan3A_234 : i32 to index
        %swap3A_457 = arith.constant 288 : index
        %swap3A_458 = tpu.vector_load %arg7[%swap3A_456, %swap3A_457] {strides = array<i32>} : memref<32x512xf32, #tpu.memory_space<vmem>>, vector<1x16xf32>,
        %swap3A_459 = vector.shape_cast %swap3A_458 : vector<1x16xf32> to vector<16xf32>
        %swap3A_460 = vector.shape_cast %mul3A_455 : vector<16xf32> to vector<1x16xf32>
        tpu.vector_store %arg7[%swap3A_456, %swap3A_457], %swap3A_460 {strides = array<i32>} : memref<32x512xf32, #tpu.memory_space<vmem>>, vector<1x16xf32>,
        %get3A_461 = arith.index_cast %scan3A_234 : i32 to index
        %get3A_462 = arith.constant 304 : index
        %get3A_463 = tpu.vector_load %arg7[%get3A_461, %get3A_462] {strides = array<i32>} : memref<32x512xf32, #tpu.memory_space<vmem>>, vector<1x16xf32>,
        %get3A_464 = vector.shape_cast %get3A_463 : vector<1x16xf32> to vector<16xf32>
        %mul3A_465 = arith.constant 22.6274166 : f32
        %mul3A_466 = vector.broadcast %mul3A_465 : f32 to vector<16xf32>
        %mul3A_467 = arith.mulf %get3A_464, %mul3A_466 : vector<16xf32>
        %swap3A_468 = arith.index_cast %scan3A_234 : i32 to index
        %swap3A_469 = arith.constant 304 : index
        %swap3A_470 = tpu.vector_load %arg7[%swap3A_468, %swap3A_469] {strides = array<i32>} : memref<32x512xf32, #tpu.memory_space<vmem>>, vector<1x16xf32>,
        %swap3A_471 = vector.shape_cast %swap3A_470 : vector<1x16xf32> to vector<16xf32>
        %swap3A_472 = vector.shape_cast %mul3A_467 : vector<16xf32> to vector<1x16xf32>
        tpu.vector_store %arg7[%swap3A_468, %swap3A_469], %swap3A_472 {strides = array<i32>} : memref<32x512xf32, #tpu.memory_space<vmem>>, vector<1x16xf32>,
        %get3A_473 = arith.index_cast %scan3A_234 : i32 to index
        %get3A_474 = arith.constant 320 : index
        %get3A_475 = tpu.vector_load %arg7[%get3A_473, %get3A_474] {strides = array<i32>} : memref<32x512xf32, #tpu.memory_space<vmem>>, vector<1x16xf32>,
        %get3A_476 = vector.shape_cast %get3A_475 : vector<1x16xf32> to vector<16xf32>
        %mul3A_477 = arith.constant 22.6274166 : f32
        %mul3A_478 = vector.broadcast %mul3A_477 : f32 to vector<16xf32>
        %mul3A_479 = arith.mulf %get3A_476, %mul3A_478 : vector<16xf32>
        %swap3A_480 = arith.index_cast %scan3A_234 : i32 to index
        %swap3A_481 = arith.constant 320 : index
        %swap3A_482 = tpu.vector_load %arg7[%swap3A_480, %swap3A_481] {strides = array<i32>} : memref<32x512xf32, #tpu.memory_space<vmem>>, vector<1x16xf32>,
        %swap3A_483 = vector.shape_cast %swap3A_482 : vector<1x16xf32> to vector<16xf32>
        %swap3A_484 = vector.shape_cast %mul3A_479 : vector<16xf32> to vector<1x16xf32>
        tpu.vector_store %arg7[%swap3A_480, %swap3A_481], %swap3A_484 {strides = array<i32>} : memref<32x512xf32, #tpu.memory_space<vmem>>, vector<1x16xf32>,
        %get3A_485 = arith.index_cast %scan3A_234 : i32 to index
        %get3A_486 = arith.constant 336 : index
        %get3A_487 = tpu.vector_load %arg7[%get3A_485, %get3A_486] {strides = array<i32>} : memref<32x512xf32, #tpu.memory_space<vmem>>, vector<1x16xf32>,
        %get3A_488 = vector.shape_cast %get3A_487 : vector<1x16xf32> to vector<16xf32>
        %mul3A_489 = arith.constant 22.6274166 : f32
        %mul3A_490 = vector.broadcast %mul3A_489 : f32 to vector<16xf32>
        %mul3A_491 = arith.mulf %get3A_488, %mul3A_490 : vector<16xf32>
        %swap3A_492 = arith.index_cast %scan3A_234 : i32 to index
        %swap3A_493 = arith.constant 336 : index
        %swap3A_494 = tpu.vector_load %arg7[%swap3A_492, %swap3A_493] {strides = array<i32>} : memref<32x512xf32, #tpu.memory_space<vmem>>, vector<1x16xf32>,
        %swap3A_495 = vector.shape_cast %swap3A_494 : vector<1x16xf32> to vector<16xf32>
        %swap3A_496 = vector.shape_cast %mul3A_491 : vector<16xf32> to vector<1x16xf32>
        tpu.vector_store %arg7[%swap3A_492, %swap3A_493], %swap3A_496 {strides = array<i32>} : memref<32x512xf32, #tpu.memory_space<vmem>>, vector<1x16xf32>,
        %get3A_497 = arith.index_cast %scan3A_234 : i32 to index
        %get3A_498 = arith.constant 352 : index
        %get3A_499 = tpu.vector_load %arg7[%get3A_497, %get3A_498] {strides = array<i32>} : memref<32x512xf32, #tpu.memory_space<vmem>>, vector<1x16xf32>,
        %get3A_500 = vector.shape_cast %get3A_499 : vector<1x16xf32> to vector<16xf32>
        %mul3A_501 = arith.constant 22.6274166 : f32
        %mul3A_502 = vector.broadcast %mul3A_501 : f32 to vector<16xf32>
        %mul3A_503 = arith.mulf %get3A_500, %mul3A_502 : vector<16xf32>
        %swap3A_504 = arith.index_cast %scan3A_234 : i32 to index
        %swap3A_505 = arith.constant 352 : index
        %swap3A_506 = tpu.vector_load %arg7[%swap3A_504, %swap3A_505] {strides = array<i32>} : memref<32x512xf32, #tpu.memory_space<vmem>>, vector<1x16xf32>,
        %swap3A_507 = vector.shape_cast %swap3A_506 : vector<1x16xf32> to vector<16xf32>
        %swap3A_508 = vector.shape_cast %mul3A_503 : vector<16xf32> to vector<1x16xf32>
        tpu.vector_store %arg7[%swap3A_504, %swap3A_505], %swap3A_508 {strides = array<i32>} : memref<32x512xf32, #tpu.memory_space<vmem>>, vector<1x16xf32>,
        %get3A_509 = arith.index_cast %scan3A_234 : i32 to index
        %get3A_510 = arith.constant 368 : index
        %get3A_511 = tpu.vector_load %arg7[%get3A_509, %get3A_510] {strides = array<i32>} : memref<32x512xf32, #tpu.memory_space<vmem>>, vector<1x16xf32>,
        %get3A_512 = vector.shape_cast %get3A_511 : vector<1x16xf32> to vector<16xf32>
        %mul3A_513 = arith.constant 22.6274166 : f32
        %mul3A_514 = vector.broadcast %mul3A_513 : f32 to vector<16xf32>
        %mul3A_515 = arith.mulf %get3A_512, %mul3A_514 : vector<16xf32>
        %swap3A_516 = arith.index_cast %scan3A_234 : i32 to index
        %swap3A_517 = arith.constant 368 : index
        %swap3A_518 = tpu.vector_load %arg7[%swap3A_516, %swap3A_517] {strides = array<i32>} : memref<32x512xf32, #tpu.memory_space<vmem>>, vector<1x16xf32>,
        %swap3A_519 = vector.shape_cast %swap3A_518 : vector<1x16xf32> to vector<16xf32>
        %swap3A_520 = vector.shape_cast %mul3A_515 : vector<16xf32> to vector<1x16xf32>
        tpu.vector_store %arg7[%swap3A_516, %swap3A_517], %swap3A_520 {strides = array<i32>} : memref<32x512xf32, #tpu.memory_space<vmem>>, vector<1x16xf32>,
        %get3A_521 = arith.index_cast %scan3A_234 : i32 to index
        %get3A_522 = arith.constant 384 : index
        %get3A_523 = tpu.vector_load %arg7[%get3A_521, %get3A_522] {strides = array<i32>} : memref<32x512xf32, #tpu.memory_space<vmem>>, vector<1x16xf32>,
        %get3A_524 = vector.shape_cast %get3A_523 : vector<1x16xf32> to vector<16xf32>
        %mul3A_525 = arith.constant 22.6274166 : f32
        %mul3A_526 = vector.broadcast %mul3A_525 : f32 to vector<16xf32>
        %mul3A_527 = arith.mulf %get3A_524, %mul3A_526 : vector<16xf32>
        %swap3A_528 = arith.index_cast %scan3A_234 : i32 to index
        %swap3A_529 = arith.constant 384 : index
        %swap3A_530 = tpu.vector_load %arg7[%swap3A_528, %swap3A_529] {strides = array<i32>} : memref<32x512xf32, #tpu.memory_space<vmem>>, vector<1x16xf32>,
        %swap3A_531 = vector.shape_cast %swap3A_530 : vector<1x16xf32> to vector<16xf32>
        %swap3A_532 = vector.shape_cast %mul3A_527 : vector<16xf32> to vector<1x16xf32>
        tpu.vector_store %arg7[%swap3A_528, %swap3A_529], %swap3A_532 {strides = array<i32>} : memref<32x512xf32, #tpu.memory_space<vmem>>, vector<1x16xf32>,
        %get3A_533 = arith.index_cast %scan3A_234 : i32 to index
        %get3A_534 = arith.constant 400 : index
        %get3A_535 = tpu.vector_load %arg7[%get3A_533, %get3A_534] {strides = array<i32>} : memref<32x512xf32, #tpu.memory_space<vmem>>, vector<1x16xf32>,
        %get3A_536 = vector.shape_cast %get3A_535 : vector<1x16xf32> to vector<16xf32>
        %mul3A_537 = arith.constant 22.6274166 : f32
        %mul3A_538 = vector.broadcast %mul3A_537 : f32 to vector<16xf32>
        %mul3A_539 = arith.mulf %get3A_536, %mul3A_538 : vector<16xf32>
        %swap3A_540 = arith.index_cast %scan3A_234 : i32 to index
        %swap3A_541 = arith.constant 400 : index
        %swap3A_542 = tpu.vector_load %arg7[%swap3A_540, %swap3A_541] {strides = array<i32>} : memref<32x512xf32, #tpu.memory_space<vmem>>, vector<1x16xf32>,
        %swap3A_543 = vector.shape_cast %swap3A_542 : vector<1x16xf32> to vector<16xf32>
        %swap3A_544 = vector.shape_cast %mul3A_539 : vector<16xf32> to vector<1x16xf32>
        tpu.vector_store %arg7[%swap3A_540, %swap3A_541], %swap3A_544 {strides = array<i32>} : memref<32x512xf32, #tpu.memory_space<vmem>>, vector<1x16xf32>,
        %get3A_545 = arith.index_cast %scan3A_234 : i32 to index
        %get3A_546 = arith.constant 416 : index
        %get3A_547 = tpu.vector_load %arg7[%get3A_545, %get3A_546] {strides = array<i32>} : memref<32x512xf32, #tpu.memory_space<vmem>>, vector<1x16xf32>,
        %get3A_548 = vector.shape_cast %get3A_547 : vector<1x16xf32> to vector<16xf32>
        %mul3A_549 = arith.constant 22.6274166 : f32
        %mul3A_550 = vector.broadcast %mul3A_549 : f32 to vector<16xf32>
        %mul3A_551 = arith.mulf %get3A_548, %mul3A_550 : vector<16xf32>
        %swap3A_552 = arith.index_cast %scan3A_234 : i32 to index
        %swap3A_553 = arith.constant 416 : index
        %swap3A_554 = tpu.vector_load %arg7[%swap3A_552, %swap3A_553] {strides = array<i32>} : memref<32x512xf32, #tpu.memory_space<vmem>>, vector<1x16xf32>,
        %swap3A_555 = vector.shape_cast %swap3A_554 : vector<1x16xf32> to vector<16xf32>
        %swap3A_556 = vector.shape_cast %mul3A_551 : vector<16xf32> to vector<1x16xf32>
        tpu.vector_store %arg7[%swap3A_552, %swap3A_553], %swap3A_556 {strides = array<i32>} : memref<32x512xf32, #tpu.memory_space<vmem>>, vector<1x16xf32>,
        %get3A_557 = arith.index_cast %scan3A_234 : i32 to index
        %get3A_558 = arith.constant 432 : index
        %get3A_559 = tpu.vector_load %arg7[%get3A_557, %get3A_558] {strides = array<i32>} : memref<32x512xf32, #tpu.memory_space<vmem>>, vector<1x16xf32>,
        %get3A_560 = vector.shape_cast %get3A_559 : vector<1x16xf32> to vector<16xf32>
        %mul3A_561 = arith.constant 22.6274166 : f32
        %mul3A_562 = vector.broadcast %mul3A_561 : f32 to vector<16xf32>
        %mul3A_563 = arith.mulf %get3A_560, %mul3A_562 : vector<16xf32>
        %swap3A_564 = arith.index_cast %scan3A_234 : i32 to index
        %swap3A_565 = arith.constant 432 : index
        %swap3A_566 = tpu.vector_load %arg7[%swap3A_564, %swap3A_565] {strides = array<i32>} : memref<32x512xf32, #tpu.memory_space<vmem>>, vector<1x16xf32>,
        %swap3A_567 = vector.shape_cast %swap3A_566 : vector<1x16xf32> to vector<16xf32>
        %swap3A_568 = vector.shape_cast %mul3A_563 : vector<16xf32> to vector<1x16xf32>
        tpu.vector_store %arg7[%swap3A_564, %swap3A_565], %swap3A_568 {strides = array<i32>} : memref<32x512xf32, #tpu.memory_space<vmem>>, vector<1x16xf32>,
        %get3A_569 = arith.index_cast %scan3A_234 : i32 to index
        %get3A_570 = arith.constant 448 : index
        %get3A_571 = tpu.vector_load %arg7[%get3A_569, %get3A_570] {strides = array<i32>} : memref<32x512xf32, #tpu.memory_space<vmem>>, vector<1x16xf32>,
        %get3A_572 = vector.shape_cast %get3A_571 : vector<1x16xf32> to vector<16xf32>
        %mul3A_573 = arith.constant 22.6274166 : f32
        %mul3A_574 = vector.broadcast %mul3A_573 : f32 to vector<16xf32>
        %mul3A_575 = arith.mulf %get3A_572, %mul3A_574 : vector<16xf32>
        %swap3A_576 = arith.index_cast %scan3A_234 : i32 to index
        %swap3A_577 = arith.constant 448 : index
        %swap3A_578 = tpu.vector_load %arg7[%swap3A_576, %swap3A_577] {strides = array<i32>} : memref<32x512xf32, #tpu.memory_space<vmem>>, vector<1x16xf32>,
        %swap3A_579 = vector.shape_cast %swap3A_578 : vector<1x16xf32> to vector<16xf32>
        %swap3A_580 = vector.shape_cast %mul3A_575 : vector<16xf32> to vector<1x16xf32>
        tpu.vector_store %arg7[%swap3A_576, %swap3A_577], %swap3A_580 {strides = array<i32>} : memref<32x512xf32, #tpu.memory_space<vmem>>, vector<1x16xf32>,
        %get3A_581 = arith.index_cast %scan3A_234 : i32 to index
        %get3A_582 = arith.constant 464 : index
        %get3A_583 = tpu.vector_load %arg7[%get3A_581, %get3A_582] {strides = array<i32>} : memref<32x512xf32, #tpu.memory_space<vmem>>, vector<1x16xf32>,
        %get3A_584 = vector.shape_cast %get3A_583 : vector<1x16xf32> to vector<16xf32>
        %mul3A_585 = arith.constant 22.6274166 : f32
        %mul3A_586 = vector.broadcast %mul3A_585 : f32 to vector<16xf32>
        %mul3A_587 = arith.mulf %get3A_584, %mul3A_586 : vector<16xf32>
        %swap3A_588 = arith.index_cast %scan3A_234 : i32 to index
        %swap3A_589 = arith.constant 464 : index
        %swap3A_590 = tpu.vector_load %arg7[%swap3A_588, %swap3A_589] {strides = array<i32>} : memref<32x512xf32, #tpu.memory_space<vmem>>, vector<1x16xf32>,
        %swap3A_591 = vector.shape_cast %swap3A_590 : vector<1x16xf32> to vector<16xf32>
        %swap3A_592 = vector.shape_cast %mul3A_587 : vector<16xf32> to vector<1x16xf32>
        tpu.vector_store %arg7[%swap3A_588, %swap3A_589], %swap3A_592 {strides = array<i32>} : memref<32x512xf32, #tpu.memory_space<vmem>>, vector<1x16xf32>,
        %get3A_593 = arith.index_cast %scan3A_234 : i32 to index
        %get3A_594 = arith.constant 480 : index
        %get3A_595 = tpu.vector_load %arg7[%get3A_593, %get3A_594] {strides = array<i32>} : memref<32x512xf32, #tpu.memory_space<vmem>>, vector<1x16xf32>,
        %get3A_596 = vector.shape_cast %get3A_595 : vector<1x16xf32> to vector<16xf32>
        %mul3A_597 = arith.constant 22.6274166 : f32
        %mul3A_598 = vector.broadcast %mul3A_597 : f32 to vector<16xf32>
        %mul3A_599 = arith.mulf %get3A_596, %mul3A_598 : vector<16xf32>
        %swap3A_600 = arith.index_cast %scan3A_234 : i32 to index
        %swap3A_601 = arith.constant 480 : index
        %swap3A_602 = tpu.vector_load %arg7[%swap3A_600, %swap3A_601] {strides = array<i32>} : memref<32x512xf32, #tpu.memory_space<vmem>>, vector<1x16xf32>,
        %swap3A_603 = vector.shape_cast %swap3A_602 : vector<1x16xf32> to vector<16xf32>
        %swap3A_604 = vector.shape_cast %mul3A_599 : vector<16xf32> to vector<1x16xf32>
        tpu.vector_store %arg7[%swap3A_600, %swap3A_601], %swap3A_604 {strides = array<i32>} : memref<32x512xf32, #tpu.memory_space<vmem>>, vector<1x16xf32>,
        %get3A_605 = arith.index_cast %scan3A_234 : i32 to index
        %get3A_606 = arith.constant 496 : index
        %get3A_607 = tpu.vector_load %arg7[%get3A_605, %get3A_606] {strides = array<i32>} : memref<32x512xf32, #tpu.memory_space<vmem>>, vector<1x16xf32>,
        %get3A_608 = vector.shape_cast %get3A_607 : vector<1x16xf32> to vector<16xf32>
        %mul3A_609 = arith.constant 22.6274166 : f32
        %mul3A_610 = vector.broadcast %mul3A_609 : f32 to vector<16xf32>
        %mul3A_611 = arith.mulf %get3A_608, %mul3A_610 : vector<16xf32>
        %swap3A_612 = arith.index_cast %scan3A_234 : i32 to index
        %swap3A_613 = arith.constant 496 : index
        %swap3A_614 = tpu.vector_load %arg7[%swap3A_612, %swap3A_613] {strides = array<i32>} : memref<32x512xf32, #tpu.memory_space<vmem>>, vector<1x16xf32>,
        %swap3A_615 = vector.shape_cast %swap3A_614 : vector<1x16xf32> to vector<16xf32>
        %swap3A_616 = vector.shape_cast %mul3A_611 : vector<16xf32> to vector<1x16xf32>
        tpu.vector_store %arg7[%swap3A_612, %swap3A_613], %swap3A_616 {strides = array<i32>} : memref<32x512xf32, #tpu.memory_space<vmem>>, vector<1x16xf32>,
      }
      %scan3A_138 = arith.constant 32 : i32
      %mul3A_139 = arith.constant 32 : i32
      %mul3A_140 = arith.muli %add3A_126, %mul3A_139 : i32
      %add3A_141 = arith.addi %mul3A_32, %mul3A_140 : i32
      %dma_start3A_142 = arith.constant 0 : i32
      %dma_start3A_143 = tpu.memref_slice %arg4[%select_n3A, %add3A_141, %dma_start3A_142] : memref<4x4096x512xf32, #tpu.memory_space<hbm>> -> memref<1x32x512xf32, #tpu.memory_space<hbm>>
      %dma_start3A_144 = tpu.memref_squeeze %dma_start3A_143 : memref<1x32x512xf32, #tpu.memory_space<hbm>> -> memref<32x512xf32, #tpu.memory_space<hbm>>
      %dma_start3A_145 = arith.constant 0 : i32
      %dma_start3A_146 = tpu.memref_slice %arg4[%select_n3A, %add3A_141, %dma_start3A_145] : memref<4x4096x512xf32, #tpu.memory_space<hbm>> -> memref<1x32x512xf32, #tpu.memory_space<hbm>>
      %dma_start3A_147 = tpu.memref_squeeze %dma_start3A_146 : memref<1x32x512xf32, #tpu.memory_space<hbm>> -> memref<32x512xf32, #tpu.memory_space<hbm>>
      tpu.enqueue_dma source(%arg7 : memref<32x512xf32, #tpu.memory_space<vmem>>) target(%dma_start3A_147 : memref<32x512xf32, #tpu.memory_space<hbm>>) target_semaphore(%arg15 : memref<!tpu.dma_semaphore, #tpu.memory_space<semaphore_mem>>)
      %add3A_148 = arith.constant 4 : i32
      %add3A_149 = arith.addi %add3A_126, %add3A_148 : i32
      %sub3A_150 = arith.constant 1 : i32
      %sub3A_151 = arith.subi %add3A_149, %sub3A_150 : i32
      %ge3A_152 = arith.constant 1 : i32
      %ge3A_153 = arith.cmpi sge, %add3A_126, %ge3A_152 : i32
      %lt3A_154 = arith.constant 16 : i32
      %lt3A_155 = arith.cmpi slt, %sub3A_151, %lt3A_154 : i32
      %and3A_156 = arith.andi %ge3A_153, %lt3A_155 : i1
      %convert_element_type3A_157 = arith.extui %and3A_156 : i1 to i32
      %cond3A_158 = arith.constant 0 : i32
      %cond3A_159 = arith.cmpi ne, %convert_element_type3A_157, %cond3A_158 : i32
      scf.if %cond3A_159 {
        %sub3A_234 = arith.constant 1 : i32
        %sub3A_235 = arith.subi %add3A_126, %sub3A_234 : i32
        %mul3A_236 = arith.constant 32 : i32
        %mul3A_237 = arith.muli %sub3A_235, %mul3A_236 : i32
        %add3A_238 = arith.addi %mul3A_32, %mul3A_237 : i32
        %dma_wait3A_239 = arith.constant 0 : i32
        %dma_wait3A_240 = tpu.memref_slice %arg4[%select_n3A, %add3A_238, %dma_wait3A_239] : memref<4x4096x512xf32, #tpu.memory_space<hbm>> -> memref<1x32x512xf32, #tpu.memory_space<hbm>>
        %dma_wait3A_241 = tpu.memref_squeeze %dma_wait3A_240 : memref<1x32x512xf32, #tpu.memory_space<hbm>> -> memref<32x512xf32, #tpu.memory_space<hbm>>
        %dma_wait3A_242 = arith.constant 0 : i32
        %dma_wait3A_243 = tpu.memref_slice %arg4[%select_n3A, %add3A_238, %dma_wait3A_242] : memref<4x4096x512xf32, #tpu.memory_space<hbm>> -> memref<1x32x512xf32, #tpu.memory_space<hbm>>
        %dma_wait3A_244 = tpu.memref_squeeze %dma_wait3A_243 : memref<1x32x512xf32, #tpu.memory_space<hbm>> -> memref<32x512xf32, #tpu.memory_space<hbm>>
        tpu.wait_dma2 semaphore(%arg14 : memref<!tpu.dma_semaphore, #tpu.memory_space<semaphore_mem>>) src(%arg6 : memref<32x512xf32, #tpu.memory_space<vmem>>) dst(%dma_wait3A_244 : memref<32x512xf32, #tpu.memory_space<hbm>>)
        %mul3A_245 = arith.constant 32 : i32
        %mul3A_246 = arith.muli %sub3A_151, %mul3A_245 : i32
        %dma_start3A_247 = tpu.memref_slice %arg5[%mul3A_246] : memref<512xi32, #tpu.memory_space<vmem>> -> memref<32xi32, #tpu.memory_space<vmem>>
        %dma_start3A_248 = arith.constant 0 : i32
        %dma_start3A_249 = arith.constant 0 : i32
        %dma_start3A_250 = tpu.memref_slice %arg3[%dma_start3A_248, %dma_start3A_249] : memref<100000x512xf32, #tpu.memory_space<hbm>> -> memref<100000x512xf32, #tpu.memory_space<hbm>>
        tpu.enqueue_indirect_dma source(%dma_start3A_250 : memref<100000x512xf32, #tpu.memory_space<hbm>>) target(%arg6 : memref<32x512xf32, #tpu.memory_space<vmem>>) offsets(%dma_start3A_247 : memref<32xi32, #tpu.memory_space<vmem>>) semaphore(%arg10 : memref<!tpu.dma_semaphore, #tpu.memory_space<semaphore_mem>>)
      } else {
      }
      %mul3A_160 = arith.constant 4 : i32
      %mul3A_161 = arith.muli %scan3A_88, %mul3A_160 : i32
      %add3A_162 = arith.constant 2 : i32
      %add3A_163 = arith.addi %mul3A_161, %add3A_162 : i32
      %mul3A_164 = arith.constant 32 : i32
      %mul3A_165 = arith.muli %add3A_163, %mul3A_164 : i32
      %dma_wait3A_166 = tpu.memref_slice %arg5[%mul3A_165] : memref<512xi32, #tpu.memory_space<vmem>> -> memref<32xi32, #tpu.memory_space<vmem>>
      %dma_wait3A_167 = arith.constant 0 : i32
      %dma_wait3A_168 = arith.constant 0 : i32
      %dma_wait3A_169 = tpu.memref_slice %arg3[%dma_wait3A_167, %dma_wait3A_168] : memref<100000x512xf32, #tpu.memory_space<hbm>> -> memref<100000x512xf32, #tpu.memory_space<hbm>>
      tpu.wait_indirect_dma semaphore(%arg12 : memref<!tpu.dma_semaphore, #tpu.memory_space<semaphore_mem>>) src(%dma_wait3A_169 : memref<100000x512xf32, #tpu.memory_space<hbm>>) dst(%arg8 : memref<32x512xf32, #tpu.memory_space<vmem>>)
      %scan3A_170 = arith.constant 0 : i32
      %scan3A_171 = arith.constant 0 : i32
      %scan3A_172 = arith.constant 32 : i32
      %scan3A_173 = arith.addi %scan3A_171, %scan3A_172 : i32
      %scan3A_174 = arith.constant 1 : i32
      scf.for %scan3A_234 = %scan3A_171 to %scan3A_173 step %scan3A_174  : i32 {
        %get3A = arith.index_cast %scan3A_234 : i32 to index
        %get3A_235 = arith.constant 0 : index
        %get3A_236 = tpu.vector_load %arg8[%get3A, %get3A_235] {strides = array<i32>} : memref<32x512xf32, #tpu.memory_space<vmem>>, vector<1x16xf32>,
        %get3A_237 = vector.shape_cast %get3A_236 : vector<1x16xf32> to vector<16xf32>
        %mul3A_238 = arith.constant 22.6274166 : f32
        %mul3A_239 = vector.broadcast %mul3A_238 : f32 to vector<16xf32>
        %mul3A_240 = arith.mulf %get3A_237, %mul3A_239 : vector<16xf32>
        %swap3A = arith.index_cast %scan3A_234 : i32 to index
        %swap3A_241 = arith.constant 0 : index
        %swap3A_242 = tpu.vector_load %arg8[%swap3A, %swap3A_241] {strides = array<i32>} : memref<32x512xf32, #tpu.memory_space<vmem>>, vector<1x16xf32>,
        %swap3A_243 = vector.shape_cast %swap3A_242 : vector<1x16xf32> to vector<16xf32>
        %swap3A_244 = vector.shape_cast %mul3A_240 : vector<16xf32> to vector<1x16xf32>
        tpu.vector_store %arg8[%swap3A, %swap3A_241], %swap3A_244 {strides = array<i32>} : memref<32x512xf32, #tpu.memory_space<vmem>>, vector<1x16xf32>,
        %get3A_245 = arith.index_cast %scan3A_234 : i32 to index
        %get3A_246 = arith.constant 16 : index
        %get3A_247 = tpu.vector_load %arg8[%get3A_245, %get3A_246] {strides = array<i32>} : memref<32x512xf32, #tpu.memory_space<vmem>>, vector<1x16xf32>,
        %get3A_248 = vector.shape_cast %get3A_247 : vector<1x16xf32> to vector<16xf32>
        %mul3A_249 = arith.constant 22.6274166 : f32
        %mul3A_250 = vector.broadcast %mul3A_249 : f32 to vector<16xf32>
        %mul3A_251 = arith.mulf %get3A_248, %mul3A_250 : vector<16xf32>
        %swap3A_252 = arith.index_cast %scan3A_234 : i32 to index
        %swap3A_253 = arith.constant 16 : index
        %swap3A_254 = tpu.vector_load %arg8[%swap3A_252, %swap3A_253] {strides = array<i32>} : memref<32x512xf32, #tpu.memory_space<vmem>>, vector<1x16xf32>,
        %swap3A_255 = vector.shape_cast %swap3A_254 : vector<1x16xf32> to vector<16xf32>
        %swap3A_256 = vector.shape_cast %mul3A_251 : vector<16xf32> to vector<1x16xf32>
        tpu.vector_store %arg8[%swap3A_252, %swap3A_253], %swap3A_256 {strides = array<i32>} : memref<32x512xf32, #tpu.memory_space<vmem>>, vector<1x16xf32>,
        %get3A_257 = arith.index_cast %scan3A_234 : i32 to index
        %get3A_258 = arith.constant 32 : index
        %get3A_259 = tpu.vector_load %arg8[%get3A_257, %get3A_258] {strides = array<i32>} : memref<32x512xf32, #tpu.memory_space<vmem>>, vector<1x16xf32>,
        %get3A_260 = vector.shape_cast %get3A_259 : vector<1x16xf32> to vector<16xf32>
        %mul3A_261 = arith.constant 22.6274166 : f32
        %mul3A_262 = vector.broadcast %mul3A_261 : f32 to vector<16xf32>
        %mul3A_263 = arith.mulf %get3A_260, %mul3A_262 : vector<16xf32>
        %swap3A_264 = arith.index_cast %scan3A_234 : i32 to index
        %swap3A_265 = arith.constant 32 : index
        %swap3A_266 = tpu.vector_load %arg8[%swap3A_264, %swap3A_265] {strides = array<i32>} : memref<32x512xf32, #tpu.memory_space<vmem>>, vector<1x16xf32>,
        %swap3A_267 = vector.shape_cast %swap3A_266 : vector<1x16xf32> to vector<16xf32>
        %swap3A_268 = vector.shape_cast %mul3A_263 : vector<16xf32> to vector<1x16xf32>
        tpu.vector_store %arg8[%swap3A_264, %swap3A_265], %swap3A_268 {strides = array<i32>} : memref<32x512xf32, #tpu.memory_space<vmem>>, vector<1x16xf32>,
        %get3A_269 = arith.index_cast %scan3A_234 : i32 to index
        %get3A_270 = arith.constant 48 : index
        %get3A_271 = tpu.vector_load %arg8[%get3A_269, %get3A_270] {strides = array<i32>} : memref<32x512xf32, #tpu.memory_space<vmem>>, vector<1x16xf32>,
        %get3A_272 = vector.shape_cast %get3A_271 : vector<1x16xf32> to vector<16xf32>
        %mul3A_273 = arith.constant 22.6274166 : f32
        %mul3A_274 = vector.broadcast %mul3A_273 : f32 to vector<16xf32>
        %mul3A_275 = arith.mulf %get3A_272, %mul3A_274 : vector<16xf32>
        %swap3A_276 = arith.index_cast %scan3A_234 : i32 to index
        %swap3A_277 = arith.constant 48 : index
        %swap3A_278 = tpu.vector_load %arg8[%swap3A_276, %swap3A_277] {strides = array<i32>} : memref<32x512xf32, #tpu.memory_space<vmem>>, vector<1x16xf32>,
        %swap3A_279 = vector.shape_cast %swap3A_278 : vector<1x16xf32> to vector<16xf32>
        %swap3A_280 = vector.shape_cast %mul3A_275 : vector<16xf32> to vector<1x16xf32>
        tpu.vector_store %arg8[%swap3A_276, %swap3A_277], %swap3A_280 {strides = array<i32>} : memref<32x512xf32, #tpu.memory_space<vmem>>, vector<1x16xf32>,
        %get3A_281 = arith.index_cast %scan3A_234 : i32 to index
        %get3A_282 = arith.constant 64 : index
        %get3A_283 = tpu.vector_load %arg8[%get3A_281, %get3A_282] {strides = array<i32>} : memref<32x512xf32, #tpu.memory_space<vmem>>, vector<1x16xf32>,
        %get3A_284 = vector.shape_cast %get3A_283 : vector<1x16xf32> to vector<16xf32>
        %mul3A_285 = arith.constant 22.6274166 : f32
        %mul3A_286 = vector.broadcast %mul3A_285 : f32 to vector<16xf32>
        %mul3A_287 = arith.mulf %get3A_284, %mul3A_286 : vector<16xf32>
        %swap3A_288 = arith.index_cast %scan3A_234 : i32 to index
        %swap3A_289 = arith.constant 64 : index
        %swap3A_290 = tpu.vector_load %arg8[%swap3A_288, %swap3A_289] {strides = array<i32>} : memref<32x512xf32, #tpu.memory_space<vmem>>, vector<1x16xf32>,
        %swap3A_291 = vector.shape_cast %swap3A_290 : vector<1x16xf32> to vector<16xf32>
        %swap3A_292 = vector.shape_cast %mul3A_287 : vector<16xf32> to vector<1x16xf32>
        tpu.vector_store %arg8[%swap3A_288, %swap3A_289], %swap3A_292 {strides = array<i32>} : memref<32x512xf32, #tpu.memory_space<vmem>>, vector<1x16xf32>,
        %get3A_293 = arith.index_cast %scan3A_234 : i32 to index
        %get3A_294 = arith.constant 80 : index
        %get3A_295 = tpu.vector_load %arg8[%get3A_293, %get3A_294] {strides = array<i32>} : memref<32x512xf32, #tpu.memory_space<vmem>>, vector<1x16xf32>,
        %get3A_296 = vector.shape_cast %get3A_295 : vector<1x16xf32> to vector<16xf32>
        %mul3A_297 = arith.constant 22.6274166 : f32
        %mul3A_298 = vector.broadcast %mul3A_297 : f32 to vector<16xf32>
        %mul3A_299 = arith.mulf %get3A_296, %mul3A_298 : vector<16xf32>
        %swap3A_300 = arith.index_cast %scan3A_234 : i32 to index
        %swap3A_301 = arith.constant 80 : index
        %swap3A_302 = tpu.vector_load %arg8[%swap3A_300, %swap3A_301] {strides = array<i32>} : memref<32x512xf32, #tpu.memory_space<vmem>>, vector<1x16xf32>,
        %swap3A_303 = vector.shape_cast %swap3A_302 : vector<1x16xf32> to vector<16xf32>
        %swap3A_304 = vector.shape_cast %mul3A_299 : vector<16xf32> to vector<1x16xf32>
        tpu.vector_store %arg8[%swap3A_300, %swap3A_301], %swap3A_304 {strides = array<i32>} : memref<32x512xf32, #tpu.memory_space<vmem>>, vector<1x16xf32>,
        %get3A_305 = arith.index_cast %scan3A_234 : i32 to index
        %get3A_306 = arith.constant 96 : index
        %get3A_307 = tpu.vector_load %arg8[%get3A_305, %get3A_306] {strides = array<i32>} : memref<32x512xf32, #tpu.memory_space<vmem>>, vector<1x16xf32>,
        %get3A_308 = vector.shape_cast %get3A_307 : vector<1x16xf32> to vector<16xf32>
        %mul3A_309 = arith.constant 22.6274166 : f32
        %mul3A_310 = vector.broadcast %mul3A_309 : f32 to vector<16xf32>
        %mul3A_311 = arith.mulf %get3A_308, %mul3A_310 : vector<16xf32>
        %swap3A_312 = arith.index_cast %scan3A_234 : i32 to index
        %swap3A_313 = arith.constant 96 : index
        %swap3A_314 = tpu.vector_load %arg8[%swap3A_312, %swap3A_313] {strides = array<i32>} : memref<32x512xf32, #tpu.memory_space<vmem>>, vector<1x16xf32>,
        %swap3A_315 = vector.shape_cast %swap3A_314 : vector<1x16xf32> to vector<16xf32>
        %swap3A_316 = vector.shape_cast %mul3A_311 : vector<16xf32> to vector<1x16xf32>
        tpu.vector_store %arg8[%swap3A_312, %swap3A_313], %swap3A_316 {strides = array<i32>} : memref<32x512xf32, #tpu.memory_space<vmem>>, vector<1x16xf32>,
        %get3A_317 = arith.index_cast %scan3A_234 : i32 to index
        %get3A_318 = arith.constant 112 : index
        %get3A_319 = tpu.vector_load %arg8[%get3A_317, %get3A_318] {strides = array<i32>} : memref<32x512xf32, #tpu.memory_space<vmem>>, vector<1x16xf32>,
        %get3A_320 = vector.shape_cast %get3A_319 : vector<1x16xf32> to vector<16xf32>
        %mul3A_321 = arith.constant 22.6274166 : f32
        %mul3A_322 = vector.broadcast %mul3A_321 : f32 to vector<16xf32>
        %mul3A_323 = arith.mulf %get3A_320, %mul3A_322 : vector<16xf32>
        %swap3A_324 = arith.index_cast %scan3A_234 : i32 to index
        %swap3A_325 = arith.constant 112 : index
        %swap3A_326 = tpu.vector_load %arg8[%swap3A_324, %swap3A_325] {strides = array<i32>} : memref<32x512xf32, #tpu.memory_space<vmem>>, vector<1x16xf32>,
        %swap3A_327 = vector.shape_cast %swap3A_326 : vector<1x16xf32> to vector<16xf32>
        %swap3A_328 = vector.shape_cast %mul3A_323 : vector<16xf32> to vector<1x16xf32>
        tpu.vector_store %arg8[%swap3A_324, %swap3A_325], %swap3A_328 {strides = array<i32>} : memref<32x512xf32, #tpu.memory_space<vmem>>, vector<1x16xf32>,
        %get3A_329 = arith.index_cast %scan3A_234 : i32 to index
        %get3A_330 = arith.constant 128 : index
        %get3A_331 = tpu.vector_load %arg8[%get3A_329, %get3A_330] {strides = array<i32>} : memref<32x512xf32, #tpu.memory_space<vmem>>, vector<1x16xf32>,
        %get3A_332 = vector.shape_cast %get3A_331 : vector<1x16xf32> to vector<16xf32>
        %mul3A_333 = arith.constant 22.6274166 : f32
        %mul3A_334 = vector.broadcast %mul3A_333 : f32 to vector<16xf32>
        %mul3A_335 = arith.mulf %get3A_332, %mul3A_334 : vector<16xf32>
        %swap3A_336 = arith.index_cast %scan3A_234 : i32 to index
        %swap3A_337 = arith.constant 128 : index
        %swap3A_338 = tpu.vector_load %arg8[%swap3A_336, %swap3A_337] {strides = array<i32>} : memref<32x512xf32, #tpu.memory_space<vmem>>, vector<1x16xf32>,
        %swap3A_339 = vector.shape_cast %swap3A_338 : vector<1x16xf32> to vector<16xf32>
        %swap3A_340 = vector.shape_cast %mul3A_335 : vector<16xf32> to vector<1x16xf32>
        tpu.vector_store %arg8[%swap3A_336, %swap3A_337], %swap3A_340 {strides = array<i32>} : memref<32x512xf32, #tpu.memory_space<vmem>>, vector<1x16xf32>,
        %get3A_341 = arith.index_cast %scan3A_234 : i32 to index
        %get3A_342 = arith.constant 144 : index
        %get3A_343 = tpu.vector_load %arg8[%get3A_341, %get3A_342] {strides = array<i32>} : memref<32x512xf32, #tpu.memory_space<vmem>>, vector<1x16xf32>,
        %get3A_344 = vector.shape_cast %get3A_343 : vector<1x16xf32> to vector<16xf32>
        %mul3A_345 = arith.constant 22.6274166 : f32
        %mul3A_346 = vector.broadcast %mul3A_345 : f32 to vector<16xf32>
        %mul3A_347 = arith.mulf %get3A_344, %mul3A_346 : vector<16xf32>
        %swap3A_348 = arith.index_cast %scan3A_234 : i32 to index
        %swap3A_349 = arith.constant 144 : index
        %swap3A_350 = tpu.vector_load %arg8[%swap3A_348, %swap3A_349] {strides = array<i32>} : memref<32x512xf32, #tpu.memory_space<vmem>>, vector<1x16xf32>,
        %swap3A_351 = vector.shape_cast %swap3A_350 : vector<1x16xf32> to vector<16xf32>
        %swap3A_352 = vector.shape_cast %mul3A_347 : vector<16xf32> to vector<1x16xf32>
        tpu.vector_store %arg8[%swap3A_348, %swap3A_349], %swap3A_352 {strides = array<i32>} : memref<32x512xf32, #tpu.memory_space<vmem>>, vector<1x16xf32>,
        %get3A_353 = arith.index_cast %scan3A_234 : i32 to index
        %get3A_354 = arith.constant 160 : index
        %get3A_355 = tpu.vector_load %arg8[%get3A_353, %get3A_354] {strides = array<i32>} : memref<32x512xf32, #tpu.memory_space<vmem>>, vector<1x16xf32>,
        %get3A_356 = vector.shape_cast %get3A_355 : vector<1x16xf32> to vector<16xf32>
        %mul3A_357 = arith.constant 22.6274166 : f32
        %mul3A_358 = vector.broadcast %mul3A_357 : f32 to vector<16xf32>
        %mul3A_359 = arith.mulf %get3A_356, %mul3A_358 : vector<16xf32>
        %swap3A_360 = arith.index_cast %scan3A_234 : i32 to index
        %swap3A_361 = arith.constant 160 : index
        %swap3A_362 = tpu.vector_load %arg8[%swap3A_360, %swap3A_361] {strides = array<i32>} : memref<32x512xf32, #tpu.memory_space<vmem>>, vector<1x16xf32>,
        %swap3A_363 = vector.shape_cast %swap3A_362 : vector<1x16xf32> to vector<16xf32>
        %swap3A_364 = vector.shape_cast %mul3A_359 : vector<16xf32> to vector<1x16xf32>
        tpu.vector_store %arg8[%swap3A_360, %swap3A_361], %swap3A_364 {strides = array<i32>} : memref<32x512xf32, #tpu.memory_space<vmem>>, vector<1x16xf32>,
        %get3A_365 = arith.index_cast %scan3A_234 : i32 to index
        %get3A_366 = arith.constant 176 : index
        %get3A_367 = tpu.vector_load %arg8[%get3A_365, %get3A_366] {strides = array<i32>} : memref<32x512xf32, #tpu.memory_space<vmem>>, vector<1x16xf32>,
        %get3A_368 = vector.shape_cast %get3A_367 : vector<1x16xf32> to vector<16xf32>
        %mul3A_369 = arith.constant 22.6274166 : f32
        %mul3A_370 = vector.broadcast %mul3A_369 : f32 to vector<16xf32>
        %mul3A_371 = arith.mulf %get3A_368, %mul3A_370 : vector<16xf32>
        %swap3A_372 = arith.index_cast %scan3A_234 : i32 to index
        %swap3A_373 = arith.constant 176 : index
        %swap3A_374 = tpu.vector_load %arg8[%swap3A_372, %swap3A_373] {strides = array<i32>} : memref<32x512xf32, #tpu.memory_space<vmem>>, vector<1x16xf32>,
        %swap3A_375 = vector.shape_cast %swap3A_374 : vector<1x16xf32> to vector<16xf32>
        %swap3A_376 = vector.shape_cast %mul3A_371 : vector<16xf32> to vector<1x16xf32>
        tpu.vector_store %arg8[%swap3A_372, %swap3A_373], %swap3A_376 {strides = array<i32>} : memref<32x512xf32, #tpu.memory_space<vmem>>, vector<1x16xf32>,
        %get3A_377 = arith.index_cast %scan3A_234 : i32 to index
        %get3A_378 = arith.constant 192 : index
        %get3A_379 = tpu.vector_load %arg8[%get3A_377, %get3A_378] {strides = array<i32>} : memref<32x512xf32, #tpu.memory_space<vmem>>, vector<1x16xf32>,
        %get3A_380 = vector.shape_cast %get3A_379 : vector<1x16xf32> to vector<16xf32>
        %mul3A_381 = arith.constant 22.6274166 : f32
        %mul3A_382 = vector.broadcast %mul3A_381 : f32 to vector<16xf32>
        %mul3A_383 = arith.mulf %get3A_380, %mul3A_382 : vector<16xf32>
        %swap3A_384 = arith.index_cast %scan3A_234 : i32 to index
        %swap3A_385 = arith.constant 192 : index
        %swap3A_386 = tpu.vector_load %arg8[%swap3A_384, %swap3A_385] {strides = array<i32>} : memref<32x512xf32, #tpu.memory_space<vmem>>, vector<1x16xf32>,
        %swap3A_387 = vector.shape_cast %swap3A_386 : vector<1x16xf32> to vector<16xf32>
        %swap3A_388 = vector.shape_cast %mul3A_383 : vector<16xf32> to vector<1x16xf32>
        tpu.vector_store %arg8[%swap3A_384, %swap3A_385], %swap3A_388 {strides = array<i32>} : memref<32x512xf32, #tpu.memory_space<vmem>>, vector<1x16xf32>,
        %get3A_389 = arith.index_cast %scan3A_234 : i32 to index
        %get3A_390 = arith.constant 208 : index
        %get3A_391 = tpu.vector_load %arg8[%get3A_389, %get3A_390] {strides = array<i32>} : memref<32x512xf32, #tpu.memory_space<vmem>>, vector<1x16xf32>,
        %get3A_392 = vector.shape_cast %get3A_391 : vector<1x16xf32> to vector<16xf32>
        %mul3A_393 = arith.constant 22.6274166 : f32
        %mul3A_394 = vector.broadcast %mul3A_393 : f32 to vector<16xf32>
        %mul3A_395 = arith.mulf %get3A_392, %mul3A_394 : vector<16xf32>
        %swap3A_396 = arith.index_cast %scan3A_234 : i32 to index
        %swap3A_397 = arith.constant 208 : index
        %swap3A_398 = tpu.vector_load %arg8[%swap3A_396, %swap3A_397] {strides = array<i32>} : memref<32x512xf32, #tpu.memory_space<vmem>>, vector<1x16xf32>,
        %swap3A_399 = vector.shape_cast %swap3A_398 : vector<1x16xf32> to vector<16xf32>
        %swap3A_400 = vector.shape_cast %mul3A_395 : vector<16xf32> to vector<1x16xf32>
        tpu.vector_store %arg8[%swap3A_396, %swap3A_397], %swap3A_400 {strides = array<i32>} : memref<32x512xf32, #tpu.memory_space<vmem>>, vector<1x16xf32>,
        %get3A_401 = arith.index_cast %scan3A_234 : i32 to index
        %get3A_402 = arith.constant 224 : index
        %get3A_403 = tpu.vector_load %arg8[%get3A_401, %get3A_402] {strides = array<i32>} : memref<32x512xf32, #tpu.memory_space<vmem>>, vector<1x16xf32>,
        %get3A_404 = vector.shape_cast %get3A_403 : vector<1x16xf32> to vector<16xf32>
        %mul3A_405 = arith.constant 22.6274166 : f32
        %mul3A_406 = vector.broadcast %mul3A_405 : f32 to vector<16xf32>
        %mul3A_407 = arith.mulf %get3A_404, %mul3A_406 : vector<16xf32>
        %swap3A_408 = arith.index_cast %scan3A_234 : i32 to index
        %swap3A_409 = arith.constant 224 : index
        %swap3A_410 = tpu.vector_load %arg8[%swap3A_408, %swap3A_409] {strides = array<i32>} : memref<32x512xf32, #tpu.memory_space<vmem>>, vector<1x16xf32>,
        %swap3A_411 = vector.shape_cast %swap3A_410 : vector<1x16xf32> to vector<16xf32>
        %swap3A_412 = vector.shape_cast %mul3A_407 : vector<16xf32> to vector<1x16xf32>
        tpu.vector_store %arg8[%swap3A_408, %swap3A_409], %swap3A_412 {strides = array<i32>} : memref<32x512xf32, #tpu.memory_space<vmem>>, vector<1x16xf32>,
        %get3A_413 = arith.index_cast %scan3A_234 : i32 to index
        %get3A_414 = arith.constant 240 : index
        %get3A_415 = tpu.vector_load %arg8[%get3A_413, %get3A_414] {strides = array<i32>} : memref<32x512xf32, #tpu.memory_space<vmem>>, vector<1x16xf32>,
        %get3A_416 = vector.shape_cast %get3A_415 : vector<1x16xf32> to vector<16xf32>
        %mul3A_417 = arith.constant 22.6274166 : f32
        %mul3A_418 = vector.broadcast %mul3A_417 : f32 to vector<16xf32>
        %mul3A_419 = arith.mulf %get3A_416, %mul3A_418 : vector<16xf32>
        %swap3A_420 = arith.index_cast %scan3A_234 : i32 to index
        %swap3A_421 = arith.constant 240 : index
        %swap3A_422 = tpu.vector_load %arg8[%swap3A_420, %swap3A_421] {strides = array<i32>} : memref<32x512xf32, #tpu.memory_space<vmem>>, vector<1x16xf32>,
        %swap3A_423 = vector.shape_cast %swap3A_422 : vector<1x16xf32> to vector<16xf32>
        %swap3A_424 = vector.shape_cast %mul3A_419 : vector<16xf32> to vector<1x16xf32>
        tpu.vector_store %arg8[%swap3A_420, %swap3A_421], %swap3A_424 {strides = array<i32>} : memref<32x512xf32, #tpu.memory_space<vmem>>, vector<1x16xf32>,
        %get3A_425 = arith.index_cast %scan3A_234 : i32 to index
        %get3A_426 = arith.constant 256 : index
        %get3A_427 = tpu.vector_load %arg8[%get3A_425, %get3A_426] {strides = array<i32>} : memref<32x512xf32, #tpu.memory_space<vmem>>, vector<1x16xf32>,
        %get3A_428 = vector.shape_cast %get3A_427 : vector<1x16xf32> to vector<16xf32>
        %mul3A_429 = arith.constant 22.6274166 : f32
        %mul3A_430 = vector.broadcast %mul3A_429 : f32 to vector<16xf32>
        %mul3A_431 = arith.mulf %get3A_428, %mul3A_430 : vector<16xf32>
        %swap3A_432 = arith.index_cast %scan3A_234 : i32 to index
        %swap3A_433 = arith.constant 256 : index
        %swap3A_434 = tpu.vector_load %arg8[%swap3A_432, %swap3A_433] {strides = array<i32>} : memref<32x512xf32, #tpu.memory_space<vmem>>, vector<1x16xf32>,
        %swap3A_435 = vector.shape_cast %swap3A_434 : vector<1x16xf32> to vector<16xf32>
        %swap3A_436 = vector.shape_cast %mul3A_431 : vector<16xf32> to vector<1x16xf32>
        tpu.vector_store %arg8[%swap3A_432, %swap3A_433], %swap3A_436 {strides = array<i32>} : memref<32x512xf32, #tpu.memory_space<vmem>>, vector<1x16xf32>,
        %get3A_437 = arith.index_cast %scan3A_234 : i32 to index
        %get3A_438 = arith.constant 272 : index
        %get3A_439 = tpu.vector_load %arg8[%get3A_437, %get3A_438] {strides = array<i32>} : memref<32x512xf32, #tpu.memory_space<vmem>>, vector<1x16xf32>,
        %get3A_440 = vector.shape_cast %get3A_439 : vector<1x16xf32> to vector<16xf32>
        %mul3A_441 = arith.constant 22.6274166 : f32
        %mul3A_442 = vector.broadcast %mul3A_441 : f32 to vector<16xf32>
        %mul3A_443 = arith.mulf %get3A_440, %mul3A_442 : vector<16xf32>
        %swap3A_444 = arith.index_cast %scan3A_234 : i32 to index
        %swap3A_445 = arith.constant 272 : index
        %swap3A_446 = tpu.vector_load %arg8[%swap3A_444, %swap3A_445] {strides = array<i32>} : memref<32x512xf32, #tpu.memory_space<vmem>>, vector<1x16xf32>,
        %swap3A_447 = vector.shape_cast %swap3A_446 : vector<1x16xf32> to vector<16xf32>
        %swap3A_448 = vector.shape_cast %mul3A_443 : vector<16xf32> to vector<1x16xf32>
        tpu.vector_store %arg8[%swap3A_444, %swap3A_445], %swap3A_448 {strides = array<i32>} : memref<32x512xf32, #tpu.memory_space<vmem>>, vector<1x16xf32>,
        %get3A_449 = arith.index_cast %scan3A_234 : i32 to index
        %get3A_450 = arith.constant 288 : index
        %get3A_451 = tpu.vector_load %arg8[%get3A_449, %get3A_450] {strides = array<i32>} : memref<32x512xf32, #tpu.memory_space<vmem>>, vector<1x16xf32>,
        %get3A_452 = vector.shape_cast %get3A_451 : vector<1x16xf32> to vector<16xf32>
        %mul3A_453 = arith.constant 22.6274166 : f32
        %mul3A_454 = vector.broadcast %mul3A_453 : f32 to vector<16xf32>
        %mul3A_455 = arith.mulf %get3A_452, %mul3A_454 : vector<16xf32>
        %swap3A_456 = arith.index_cast %scan3A_234 : i32 to index
        %swap3A_457 = arith.constant 288 : index
        %swap3A_458 = tpu.vector_load %arg8[%swap3A_456, %swap3A_457] {strides = array<i32>} : memref<32x512xf32, #tpu.memory_space<vmem>>, vector<1x16xf32>,
        %swap3A_459 = vector.shape_cast %swap3A_458 : vector<1x16xf32> to vector<16xf32>
        %swap3A_460 = vector.shape_cast %mul3A_455 : vector<16xf32> to vector<1x16xf32>
        tpu.vector_store %arg8[%swap3A_456, %swap3A_457], %swap3A_460 {strides = array<i32>} : memref<32x512xf32, #tpu.memory_space<vmem>>, vector<1x16xf32>,
        %get3A_461 = arith.index_cast %scan3A_234 : i32 to index
        %get3A_462 = arith.constant 304 : index
        %get3A_463 = tpu.vector_load %arg8[%get3A_461, %get3A_462] {strides = array<i32>} : memref<32x512xf32, #tpu.memory_space<vmem>>, vector<1x16xf32>,
        %get3A_464 = vector.shape_cast %get3A_463 : vector<1x16xf32> to vector<16xf32>
        %mul3A_465 = arith.constant 22.6274166 : f32
        %mul3A_466 = vector.broadcast %mul3A_465 : f32 to vector<16xf32>
        %mul3A_467 = arith.mulf %get3A_464, %mul3A_466 : vector<16xf32>
        %swap3A_468 = arith.index_cast %scan3A_234 : i32 to index
        %swap3A_469 = arith.constant 304 : index
        %swap3A_470 = tpu.vector_load %arg8[%swap3A_468, %swap3A_469] {strides = array<i32>} : memref<32x512xf32, #tpu.memory_space<vmem>>, vector<1x16xf32>,
        %swap3A_471 = vector.shape_cast %swap3A_470 : vector<1x16xf32> to vector<16xf32>
        %swap3A_472 = vector.shape_cast %mul3A_467 : vector<16xf32> to vector<1x16xf32>
        tpu.vector_store %arg8[%swap3A_468, %swap3A_469], %swap3A_472 {strides = array<i32>} : memref<32x512xf32, #tpu.memory_space<vmem>>, vector<1x16xf32>,
        %get3A_473 = arith.index_cast %scan3A_234 : i32 to index
        %get3A_474 = arith.constant 320 : index
        %get3A_475 = tpu.vector_load %arg8[%get3A_473, %get3A_474] {strides = array<i32>} : memref<32x512xf32, #tpu.memory_space<vmem>>, vector<1x16xf32>,
        %get3A_476 = vector.shape_cast %get3A_475 : vector<1x16xf32> to vector<16xf32>
        %mul3A_477 = arith.constant 22.6274166 : f32
        %mul3A_478 = vector.broadcast %mul3A_477 : f32 to vector<16xf32>
        %mul3A_479 = arith.mulf %get3A_476, %mul3A_478 : vector<16xf32>
        %swap3A_480 = arith.index_cast %scan3A_234 : i32 to index
        %swap3A_481 = arith.constant 320 : index
        %swap3A_482 = tpu.vector_load %arg8[%swap3A_480, %swap3A_481] {strides = array<i32>} : memref<32x512xf32, #tpu.memory_space<vmem>>, vector<1x16xf32>,
        %swap3A_483 = vector.shape_cast %swap3A_482 : vector<1x16xf32> to vector<16xf32>
        %swap3A_484 = vector.shape_cast %mul3A_479 : vector<16xf32> to vector<1x16xf32>
        tpu.vector_store %arg8[%swap3A_480, %swap3A_481], %swap3A_484 {strides = array<i32>} : memref<32x512xf32, #tpu.memory_space<vmem>>, vector<1x16xf32>,
        %get3A_485 = arith.index_cast %scan3A_234 : i32 to index
        %get3A_486 = arith.constant 336 : index
        %get3A_487 = tpu.vector_load %arg8[%get3A_485, %get3A_486] {strides = array<i32>} : memref<32x512xf32, #tpu.memory_space<vmem>>, vector<1x16xf32>,
        %get3A_488 = vector.shape_cast %get3A_487 : vector<1x16xf32> to vector<16xf32>
        %mul3A_489 = arith.constant 22.6274166 : f32
        %mul3A_490 = vector.broadcast %mul3A_489 : f32 to vector<16xf32>
        %mul3A_491 = arith.mulf %get3A_488, %mul3A_490 : vector<16xf32>
        %swap3A_492 = arith.index_cast %scan3A_234 : i32 to index
        %swap3A_493 = arith.constant 336 : index
        %swap3A_494 = tpu.vector_load %arg8[%swap3A_492, %swap3A_493] {strides = array<i32>} : memref<32x512xf32, #tpu.memory_space<vmem>>, vector<1x16xf32>,
        %swap3A_495 = vector.shape_cast %swap3A_494 : vector<1x16xf32> to vector<16xf32>
        %swap3A_496 = vector.shape_cast %mul3A_491 : vector<16xf32> to vector<1x16xf32>
        tpu.vector_store %arg8[%swap3A_492, %swap3A_493], %swap3A_496 {strides = array<i32>} : memref<32x512xf32, #tpu.memory_space<vmem>>, vector<1x16xf32>,
        %get3A_497 = arith.index_cast %scan3A_234 : i32 to index
        %get3A_498 = arith.constant 352 : index
        %get3A_499 = tpu.vector_load %arg8[%get3A_497, %get3A_498] {strides = array<i32>} : memref<32x512xf32, #tpu.memory_space<vmem>>, vector<1x16xf32>,
        %get3A_500 = vector.shape_cast %get3A_499 : vector<1x16xf32> to vector<16xf32>
        %mul3A_501 = arith.constant 22.6274166 : f32
        %mul3A_502 = vector.broadcast %mul3A_501 : f32 to vector<16xf32>
        %mul3A_503 = arith.mulf %get3A_500, %mul3A_502 : vector<16xf32>
        %swap3A_504 = arith.index_cast %scan3A_234 : i32 to index
        %swap3A_505 = arith.constant 352 : index
        %swap3A_506 = tpu.vector_load %arg8[%swap3A_504, %swap3A_505] {strides = array<i32>} : memref<32x512xf32, #tpu.memory_space<vmem>>, vector<1x16xf32>,
        %swap3A_507 = vector.shape_cast %swap3A_506 : vector<1x16xf32> to vector<16xf32>
        %swap3A_508 = vector.shape_cast %mul3A_503 : vector<16xf32> to vector<1x16xf32>
        tpu.vector_store %arg8[%swap3A_504, %swap3A_505], %swap3A_508 {strides = array<i32>} : memref<32x512xf32, #tpu.memory_space<vmem>>, vector<1x16xf32>,
        %get3A_509 = arith.index_cast %scan3A_234 : i32 to index
        %get3A_510 = arith.constant 368 : index
        %get3A_511 = tpu.vector_load %arg8[%get3A_509, %get3A_510] {strides = array<i32>} : memref<32x512xf32, #tpu.memory_space<vmem>>, vector<1x16xf32>,
        %get3A_512 = vector.shape_cast %get3A_511 : vector<1x16xf32> to vector<16xf32>
        %mul3A_513 = arith.constant 22.6274166 : f32
        %mul3A_514 = vector.broadcast %mul3A_513 : f32 to vector<16xf32>
        %mul3A_515 = arith.mulf %get3A_512, %mul3A_514 : vector<16xf32>
        %swap3A_516 = arith.index_cast %scan3A_234 : i32 to index
        %swap3A_517 = arith.constant 368 : index
        %swap3A_518 = tpu.vector_load %arg8[%swap3A_516, %swap3A_517] {strides = array<i32>} : memref<32x512xf32, #tpu.memory_space<vmem>>, vector<1x16xf32>,
        %swap3A_519 = vector.shape_cast %swap3A_518 : vector<1x16xf32> to vector<16xf32>
        %swap3A_520 = vector.shape_cast %mul3A_515 : vector<16xf32> to vector<1x16xf32>
        tpu.vector_store %arg8[%swap3A_516, %swap3A_517], %swap3A_520 {strides = array<i32>} : memref<32x512xf32, #tpu.memory_space<vmem>>, vector<1x16xf32>,
        %get3A_521 = arith.index_cast %scan3A_234 : i32 to index
        %get3A_522 = arith.constant 384 : index
        %get3A_523 = tpu.vector_load %arg8[%get3A_521, %get3A_522] {strides = array<i32>} : memref<32x512xf32, #tpu.memory_space<vmem>>, vector<1x16xf32>,
        %get3A_524 = vector.shape_cast %get3A_523 : vector<1x16xf32> to vector<16xf32>
        %mul3A_525 = arith.constant 22.6274166 : f32
        %mul3A_526 = vector.broadcast %mul3A_525 : f32 to vector<16xf32>
        %mul3A_527 = arith.mulf %get3A_524, %mul3A_526 : vector<16xf32>
        %swap3A_528 = arith.index_cast %scan3A_234 : i32 to index
        %swap3A_529 = arith.constant 384 : index
        %swap3A_530 = tpu.vector_load %arg8[%swap3A_528, %swap3A_529] {strides = array<i32>} : memref<32x512xf32, #tpu.memory_space<vmem>>, vector<1x16xf32>,
        %swap3A_531 = vector.shape_cast %swap3A_530 : vector<1x16xf32> to vector<16xf32>
        %swap3A_532 = vector.shape_cast %mul3A_527 : vector<16xf32> to vector<1x16xf32>
        tpu.vector_store %arg8[%swap3A_528, %swap3A_529], %swap3A_532 {strides = array<i32>} : memref<32x512xf32, #tpu.memory_space<vmem>>, vector<1x16xf32>,
        %get3A_533 = arith.index_cast %scan3A_234 : i32 to index
        %get3A_534 = arith.constant 400 : index
        %get3A_535 = tpu.vector_load %arg8[%get3A_533, %get3A_534] {strides = array<i32>} : memref<32x512xf32, #tpu.memory_space<vmem>>, vector<1x16xf32>,
        %get3A_536 = vector.shape_cast %get3A_535 : vector<1x16xf32> to vector<16xf32>
        %mul3A_537 = arith.constant 22.6274166 : f32
        %mul3A_538 = vector.broadcast %mul3A_537 : f32 to vector<16xf32>
        %mul3A_539 = arith.mulf %get3A_536, %mul3A_538 : vector<16xf32>
        %swap3A_540 = arith.index_cast %scan3A_234 : i32 to index
        %swap3A_541 = arith.constant 400 : index
        %swap3A_542 = tpu.vector_load %arg8[%swap3A_540, %swap3A_541] {strides = array<i32>} : memref<32x512xf32, #tpu.memory_space<vmem>>, vector<1x16xf32>,
        %swap3A_543 = vector.shape_cast %swap3A_542 : vector<1x16xf32> to vector<16xf32>
        %swap3A_544 = vector.shape_cast %mul3A_539 : vector<16xf32> to vector<1x16xf32>
        tpu.vector_store %arg8[%swap3A_540, %swap3A_541], %swap3A_544 {strides = array<i32>} : memref<32x512xf32, #tpu.memory_space<vmem>>, vector<1x16xf32>,
        %get3A_545 = arith.index_cast %scan3A_234 : i32 to index
        %get3A_546 = arith.constant 416 : index
        %get3A_547 = tpu.vector_load %arg8[%get3A_545, %get3A_546] {strides = array<i32>} : memref<32x512xf32, #tpu.memory_space<vmem>>, vector<1x16xf32>,
        %get3A_548 = vector.shape_cast %get3A_547 : vector<1x16xf32> to vector<16xf32>
        %mul3A_549 = arith.constant 22.6274166 : f32
        %mul3A_550 = vector.broadcast %mul3A_549 : f32 to vector<16xf32>
        %mul3A_551 = arith.mulf %get3A_548, %mul3A_550 : vector<16xf32>
        %swap3A_552 = arith.index_cast %scan3A_234 : i32 to index
        %swap3A_553 = arith.constant 416 : index
        %swap3A_554 = tpu.vector_load %arg8[%swap3A_552, %swap3A_553] {strides = array<i32>} : memref<32x512xf32, #tpu.memory_space<vmem>>, vector<1x16xf32>,
        %swap3A_555 = vector.shape_cast %swap3A_554 : vector<1x16xf32> to vector<16xf32>
        %swap3A_556 = vector.shape_cast %mul3A_551 : vector<16xf32> to vector<1x16xf32>
        tpu.vector_store %arg8[%swap3A_552, %swap3A_553], %swap3A_556 {strides = array<i32>} : memref<32x512xf32, #tpu.memory_space<vmem>>, vector<1x16xf32>,
        %get3A_557 = arith.index_cast %scan3A_234 : i32 to index
        %get3A_558 = arith.constant 432 : index
        %get3A_559 = tpu.vector_load %arg8[%get3A_557, %get3A_558] {strides = array<i32>} : memref<32x512xf32, #tpu.memory_space<vmem>>, vector<1x16xf32>,
        %get3A_560 = vector.shape_cast %get3A_559 : vector<1x16xf32> to vector<16xf32>
        %mul3A_561 = arith.constant 22.6274166 : f32
        %mul3A_562 = vector.broadcast %mul3A_561 : f32 to vector<16xf32>
        %mul3A_563 = arith.mulf %get3A_560, %mul3A_562 : vector<16xf32>
        %swap3A_564 = arith.index_cast %scan3A_234 : i32 to index
        %swap3A_565 = arith.constant 432 : index
        %swap3A_566 = tpu.vector_load %arg8[%swap3A_564, %swap3A_565] {strides = array<i32>} : memref<32x512xf32, #tpu.memory_space<vmem>>, vector<1x16xf32>,
        %swap3A_567 = vector.shape_cast %swap3A_566 : vector<1x16xf32> to vector<16xf32>
        %swap3A_568 = vector.shape_cast %mul3A_563 : vector<16xf32> to vector<1x16xf32>
        tpu.vector_store %arg8[%swap3A_564, %swap3A_565], %swap3A_568 {strides = array<i32>} : memref<32x512xf32, #tpu.memory_space<vmem>>, vector<1x16xf32>,
        %get3A_569 = arith.index_cast %scan3A_234 : i32 to index
        %get3A_570 = arith.constant 448 : index
        %get3A_571 = tpu.vector_load %arg8[%get3A_569, %get3A_570] {strides = array<i32>} : memref<32x512xf32, #tpu.memory_space<vmem>>, vector<1x16xf32>,
        %get3A_572 = vector.shape_cast %get3A_571 : vector<1x16xf32> to vector<16xf32>
        %mul3A_573 = arith.constant 22.6274166 : f32
        %mul3A_574 = vector.broadcast %mul3A_573 : f32 to vector<16xf32>
        %mul3A_575 = arith.mulf %get3A_572, %mul3A_574 : vector<16xf32>
        %swap3A_576 = arith.index_cast %scan3A_234 : i32 to index
        %swap3A_577 = arith.constant 448 : index
        %swap3A_578 = tpu.vector_load %arg8[%swap3A_576, %swap3A_577] {strides = array<i32>} : memref<32x512xf32, #tpu.memory_space<vmem>>, vector<1x16xf32>,
        %swap3A_579 = vector.shape_cast %swap3A_578 : vector<1x16xf32> to vector<16xf32>
        %swap3A_580 = vector.shape_cast %mul3A_575 : vector<16xf32> to vector<1x16xf32>
        tpu.vector_store %arg8[%swap3A_576, %swap3A_577], %swap3A_580 {strides = array<i32>} : memref<32x512xf32, #tpu.memory_space<vmem>>, vector<1x16xf32>,
        %get3A_581 = arith.index_cast %scan3A_234 : i32 to index
        %get3A_582 = arith.constant 464 : index
        %get3A_583 = tpu.vector_load %arg8[%get3A_581, %get3A_582] {strides = array<i32>} : memref<32x512xf32, #tpu.memory_space<vmem>>, vector<1x16xf32>,
        %get3A_584 = vector.shape_cast %get3A_583 : vector<1x16xf32> to vector<16xf32>
        %mul3A_585 = arith.constant 22.6274166 : f32
        %mul3A_586 = vector.broadcast %mul3A_585 : f32 to vector<16xf32>
        %mul3A_587 = arith.mulf %get3A_584, %mul3A_586 : vector<16xf32>
        %swap3A_588 = arith.index_cast %scan3A_234 : i32 to index
        %swap3A_589 = arith.constant 464 : index
        %swap3A_590 = tpu.vector_load %arg8[%swap3A_588, %swap3A_589] {strides = array<i32>} : memref<32x512xf32, #tpu.memory_space<vmem>>, vector<1x16xf32>,
        %swap3A_591 = vector.shape_cast %swap3A_590 : vector<1x16xf32> to vector<16xf32>
        %swap3A_592 = vector.shape_cast %mul3A_587 : vector<16xf32> to vector<1x16xf32>
        tpu.vector_store %arg8[%swap3A_588, %swap3A_589], %swap3A_592 {strides = array<i32>} : memref<32x512xf32, #tpu.memory_space<vmem>>, vector<1x16xf32>,
        %get3A_593 = arith.index_cast %scan3A_234 : i32 to index
        %get3A_594 = arith.constant 480 : index
        %get3A_595 = tpu.vector_load %arg8[%get3A_593, %get3A_594] {strides = array<i32>} : memref<32x512xf32, #tpu.memory_space<vmem>>, vector<1x16xf32>,
        %get3A_596 = vector.shape_cast %get3A_595 : vector<1x16xf32> to vector<16xf32>
        %mul3A_597 = arith.constant 22.6274166 : f32
        %mul3A_598 = vector.broadcast %mul3A_597 : f32 to vector<16xf32>
        %mul3A_599 = arith.mulf %get3A_596, %mul3A_598 : vector<16xf32>
        %swap3A_600 = arith.index_cast %scan3A_234 : i32 to index
        %swap3A_601 = arith.constant 480 : index
        %swap3A_602 = tpu.vector_load %arg8[%swap3A_600, %swap3A_601] {strides = array<i32>} : memref<32x512xf32, #tpu.memory_space<vmem>>, vector<1x16xf32>,
        %swap3A_603 = vector.shape_cast %swap3A_602 : vector<1x16xf32> to vector<16xf32>
        %swap3A_604 = vector.shape_cast %mul3A_599 : vector<16xf32> to vector<1x16xf32>
        tpu.vector_store %arg8[%swap3A_600, %swap3A_601], %swap3A_604 {strides = array<i32>} : memref<32x512xf32, #tpu.memory_space<vmem>>, vector<1x16xf32>,
        %get3A_605 = arith.index_cast %scan3A_234 : i32 to index
        %get3A_606 = arith.constant 496 : index
        %get3A_607 = tpu.vector_load %arg8[%get3A_605, %get3A_606] {strides = array<i32>} : memref<32x512xf32, #tpu.memory_space<vmem>>, vector<1x16xf32>,
        %get3A_608 = vector.shape_cast %get3A_607 : vector<1x16xf32> to vector<16xf32>
        %mul3A_609 = arith.constant 22.6274166 : f32
        %mul3A_610 = vector.broadcast %mul3A_609 : f32 to vector<16xf32>
        %mul3A_611 = arith.mulf %get3A_608, %mul3A_610 : vector<16xf32>
        %swap3A_612 = arith.index_cast %scan3A_234 : i32 to index
        %swap3A_613 = arith.constant 496 : index
        %swap3A_614 = tpu.vector_load %arg8[%swap3A_612, %swap3A_613] {strides = array<i32>} : memref<32x512xf32, #tpu.memory_space<vmem>>, vector<1x16xf32>,
        %swap3A_615 = vector.shape_cast %swap3A_614 : vector<1x16xf32> to vector<16xf32>
        %swap3A_616 = vector.shape_cast %mul3A_611 : vector<16xf32> to vector<1x16xf32>
        tpu.vector_store %arg8[%swap3A_612, %swap3A_613], %swap3A_616 {strides = array<i32>} : memref<32x512xf32, #tpu.memory_space<vmem>>, vector<1x16xf32>,
      }
      %scan3A_175 = arith.constant 32 : i32
      %mul3A_176 = arith.constant 32 : i32
      %mul3A_177 = arith.muli %add3A_163, %mul3A_176 : i32
      %add3A_178 = arith.addi %mul3A_32, %mul3A_177 : i32
      %dma_start3A_179 = arith.constant 0 : i32
      %dma_start3A_180 = tpu.memref_slice %arg4[%select_n3A, %add3A_178, %dma_start3A_179] : memref<4x4096x512xf32, #tpu.memory_space<hbm>> -> memref<1x32x512xf32, #tpu.memory_space<hbm>>
      %dma_start3A_181 = tpu.memref_squeeze %dma_start3A_180 : memref<1x32x512xf32, #tpu.memory_space<hbm>> -> memref<32x512xf32, #tpu.memory_space<hbm>>
      %dma_start3A_182 = arith.constant 0 : i32
      %dma_start3A_183 = tpu.memref_slice %arg4[%select_n3A, %add3A_178, %dma_start3A_182] : memref<4x4096x512xf32, #tpu.memory_space<hbm>> -> memref<1x32x512xf32, #tpu.memory_space<hbm>>
      %dma_start3A_184 = tpu.memref_squeeze %dma_start3A_183 : memref<1x32x512xf32, #tpu.memory_space<hbm>> -> memref<32x512xf32, #tpu.memory_space<hbm>>
      tpu.enqueue_dma source(%arg8 : memref<32x512xf32, #tpu.memory_space<vmem>>) target(%dma_start3A_184 : memref<32x512xf32, #tpu.memory_space<hbm>>) target_semaphore(%arg16 : memref<!tpu.dma_semaphore, #tpu.memory_space<semaphore_mem>>)
      %add3A_185 = arith.constant 4 : i32
      %add3A_186 = arith.addi %add3A_163, %add3A_185 : i32
      %sub3A_187 = arith.constant 1 : i32
      %sub3A_188 = arith.subi %add3A_186, %sub3A_187 : i32
      %ge3A_189 = arith.constant 1 : i32
      %ge3A_190 = arith.cmpi sge, %add3A_163, %ge3A_189 : i32
      %lt3A_191 = arith.constant 16 : i32
      %lt3A_192 = arith.cmpi slt, %sub3A_188, %lt3A_191 : i32
      %and3A_193 = arith.andi %ge3A_190, %lt3A_192 : i1
      %convert_element_type3A_194 = arith.extui %and3A_193 : i1 to i32
      %cond3A_195 = arith.constant 0 : i32
      %cond3A_196 = arith.cmpi ne, %convert_element_type3A_194, %cond3A_195 : i32
      scf.if %cond3A_196 {
        %sub3A_234 = arith.constant 1 : i32
        %sub3A_235 = arith.subi %add3A_163, %sub3A_234 : i32
        %mul3A_236 = arith.constant 32 : i32
        %mul3A_237 = arith.muli %sub3A_235, %mul3A_236 : i32
        %add3A_238 = arith.addi %mul3A_32, %mul3A_237 : i32
        %dma_wait3A_239 = arith.constant 0 : i32
        %dma_wait3A_240 = tpu.memref_slice %arg4[%select_n3A, %add3A_238, %dma_wait3A_239] : memref<4x4096x512xf32, #tpu.memory_space<hbm>> -> memref<1x32x512xf32, #tpu.memory_space<hbm>>
        %dma_wait3A_241 = tpu.memref_squeeze %dma_wait3A_240 : memref<1x32x512xf32, #tpu.memory_space<hbm>> -> memref<32x512xf32, #tpu.memory_space<hbm>>
        %dma_wait3A_242 = arith.constant 0 : i32
        %dma_wait3A_243 = tpu.memref_slice %arg4[%select_n3A, %add3A_238, %dma_wait3A_242] : memref<4x4096x512xf32, #tpu.memory_space<hbm>> -> memref<1x32x512xf32, #tpu.memory_space<hbm>>
        %dma_wait3A_244 = tpu.memref_squeeze %dma_wait3A_243 : memref<1x32x512xf32, #tpu.memory_space<hbm>> -> memref<32x512xf32, #tpu.memory_space<hbm>>
        tpu.wait_dma2 semaphore(%arg15 : memref<!tpu.dma_semaphore, #tpu.memory_space<semaphore_mem>>) src(%arg7 : memref<32x512xf32, #tpu.memory_space<vmem>>) dst(%dma_wait3A_244 : memref<32x512xf32, #tpu.memory_space<hbm>>)
        %mul3A_245 = arith.constant 32 : i32
        %mul3A_246 = arith.muli %sub3A_188, %mul3A_245 : i32
        %dma_start3A_247 = tpu.memref_slice %arg5[%mul3A_246] : memref<512xi32, #tpu.memory_space<vmem>> -> memref<32xi32, #tpu.memory_space<vmem>>
        %dma_start3A_248 = arith.constant 0 : i32
        %dma_start3A_249 = arith.constant 0 : i32
        %dma_start3A_250 = tpu.memref_slice %arg3[%dma_start3A_248, %dma_start3A_249] : memref<100000x512xf32, #tpu.memory_space<hbm>> -> memref<100000x512xf32, #tpu.memory_space<hbm>>
        tpu.enqueue_indirect_dma source(%dma_start3A_250 : memref<100000x512xf32, #tpu.memory_space<hbm>>) target(%arg7 : memref<32x512xf32, #tpu.memory_space<vmem>>) offsets(%dma_start3A_247 : memref<32xi32, #tpu.memory_space<vmem>>) semaphore(%arg11 : memref<!tpu.dma_semaphore, #tpu.memory_space<semaphore_mem>>)
      } else {
      }
      %mul3A_197 = arith.constant 4 : i32
      %mul3A_198 = arith.muli %scan3A_88, %mul3A_197 : i32
      %add3A_199 = arith.constant 3 : i32
      %add3A_200 = arith.addi %mul3A_198, %add3A_199 : i32
      %mul3A_201 = arith.constant 32 : i32
      %mul3A_202 = arith.muli %add3A_200, %mul3A_201 : i32
      %dma_wait3A_203 = tpu.memref_slice %arg5[%mul3A_202] : memref<512xi32, #tpu.memory_space<vmem>> -> memref<32xi32, #tpu.memory_space<vmem>>
      %dma_wait3A_204 = arith.constant 0 : i32
      %dma_wait3A_205 = arith.constant 0 : i32
      %dma_wait3A_206 = tpu.memref_slice %arg3[%dma_wait3A_204, %dma_wait3A_205] : memref<100000x512xf32, #tpu.memory_space<hbm>> -> memref<100000x512xf32, #tpu.memory_space<hbm>>
      tpu.wait_indirect_dma semaphore(%arg13 : memref<!tpu.dma_semaphore, #tpu.memory_space<semaphore_mem>>) src(%dma_wait3A_206 : memref<100000x512xf32, #tpu.memory_space<hbm>>) dst(%arg9 : memref<32x512xf32, #tpu.memory_space<vmem>>)
      %scan3A_207 = arith.constant 0 : i32
      %scan3A_208 = arith.constant 0 : i32
      %scan3A_209 = arith.constant 32 : i32
      %scan3A_210 = arith.addi %scan3A_208, %scan3A_209 : i32
      %scan3A_211 = arith.constant 1 : i32
      scf.for %scan3A_234 = %scan3A_208 to %scan3A_210 step %scan3A_211  : i32 {
        %get3A = arith.index_cast %scan3A_234 : i32 to index
        %get3A_235 = arith.constant 0 : index
        %get3A_236 = tpu.vector_load %arg9[%get3A, %get3A_235] {strides = array<i32>} : memref<32x512xf32, #tpu.memory_space<vmem>>, vector<1x16xf32>,
        %get3A_237 = vector.shape_cast %get3A_236 : vector<1x16xf32> to vector<16xf32>
        %mul3A_238 = arith.constant 22.6274166 : f32
        %mul3A_239 = vector.broadcast %mul3A_238 : f32 to vector<16xf32>
        %mul3A_240 = arith.mulf %get3A_237, %mul3A_239 : vector<16xf32>
        %swap3A = arith.index_cast %scan3A_234 : i32 to index
        %swap3A_241 = arith.constant 0 : index
        %swap3A_242 = tpu.vector_load %arg9[%swap3A, %swap3A_241] {strides = array<i32>} : memref<32x512xf32, #tpu.memory_space<vmem>>, vector<1x16xf32>,
        %swap3A_243 = vector.shape_cast %swap3A_242 : vector<1x16xf32> to vector<16xf32>
        %swap3A_244 = vector.shape_cast %mul3A_240 : vector<16xf32> to vector<1x16xf32>
        tpu.vector_store %arg9[%swap3A, %swap3A_241], %swap3A_244 {strides = array<i32>} : memref<32x512xf32, #tpu.memory_space<vmem>>, vector<1x16xf32>,
        %get3A_245 = arith.index_cast %scan3A_234 : i32 to index
        %get3A_246 = arith.constant 16 : index
        %get3A_247 = tpu.vector_load %arg9[%get3A_245, %get3A_246] {strides = array<i32>} : memref<32x512xf32, #tpu.memory_space<vmem>>, vector<1x16xf32>,
        %get3A_248 = vector.shape_cast %get3A_247 : vector<1x16xf32> to vector<16xf32>
        %mul3A_249 = arith.constant 22.6274166 : f32
        %mul3A_250 = vector.broadcast %mul3A_249 : f32 to vector<16xf32>
        %mul3A_251 = arith.mulf %get3A_248, %mul3A_250 : vector<16xf32>
        %swap3A_252 = arith.index_cast %scan3A_234 : i32 to index
        %swap3A_253 = arith.constant 16 : index
        %swap3A_254 = tpu.vector_load %arg9[%swap3A_252, %swap3A_253] {strides = array<i32>} : memref<32x512xf32, #tpu.memory_space<vmem>>, vector<1x16xf32>,
        %swap3A_255 = vector.shape_cast %swap3A_254 : vector<1x16xf32> to vector<16xf32>
        %swap3A_256 = vector.shape_cast %mul3A_251 : vector<16xf32> to vector<1x16xf32>
        tpu.vector_store %arg9[%swap3A_252, %swap3A_253], %swap3A_256 {strides = array<i32>} : memref<32x512xf32, #tpu.memory_space<vmem>>, vector<1x16xf32>,
        %get3A_257 = arith.index_cast %scan3A_234 : i32 to index
        %get3A_258 = arith.constant 32 : index
        %get3A_259 = tpu.vector_load %arg9[%get3A_257, %get3A_258] {strides = array<i32>} : memref<32x512xf32, #tpu.memory_space<vmem>>, vector<1x16xf32>,
        %get3A_260 = vector.shape_cast %get3A_259 : vector<1x16xf32> to vector<16xf32>
        %mul3A_261 = arith.constant 22.6274166 : f32
        %mul3A_262 = vector.broadcast %mul3A_261 : f32 to vector<16xf32>
        %mul3A_263 = arith.mulf %get3A_260, %mul3A_262 : vector<16xf32>
        %swap3A_264 = arith.index_cast %scan3A_234 : i32 to index
        %swap3A_265 = arith.constant 32 : index
        %swap3A_266 = tpu.vector_load %arg9[%swap3A_264, %swap3A_265] {strides = array<i32>} : memref<32x512xf32, #tpu.memory_space<vmem>>, vector<1x16xf32>,
        %swap3A_267 = vector.shape_cast %swap3A_266 : vector<1x16xf32> to vector<16xf32>
        %swap3A_268 = vector.shape_cast %mul3A_263 : vector<16xf32> to vector<1x16xf32>
        tpu.vector_store %arg9[%swap3A_264, %swap3A_265], %swap3A_268 {strides = array<i32>} : memref<32x512xf32, #tpu.memory_space<vmem>>, vector<1x16xf32>,
        %get3A_269 = arith.index_cast %scan3A_234 : i32 to index
        %get3A_270 = arith.constant 48 : index
        %get3A_271 = tpu.vector_load %arg9[%get3A_269, %get3A_270] {strides = array<i32>} : memref<32x512xf32, #tpu.memory_space<vmem>>, vector<1x16xf32>,
        %get3A_272 = vector.shape_cast %get3A_271 : vector<1x16xf32> to vector<16xf32>
        %mul3A_273 = arith.constant 22.6274166 : f32
        %mul3A_274 = vector.broadcast %mul3A_273 : f32 to vector<16xf32>
        %mul3A_275 = arith.mulf %get3A_272, %mul3A_274 : vector<16xf32>
        %swap3A_276 = arith.index_cast %scan3A_234 : i32 to index
        %swap3A_277 = arith.constant 48 : index
        %swap3A_278 = tpu.vector_load %arg9[%swap3A_276, %swap3A_277] {strides = array<i32>} : memref<32x512xf32, #tpu.memory_space<vmem>>, vector<1x16xf32>,
        %swap3A_279 = vector.shape_cast %swap3A_278 : vector<1x16xf32> to vector<16xf32>
        %swap3A_280 = vector.shape_cast %mul3A_275 : vector<16xf32> to vector<1x16xf32>
        tpu.vector_store %arg9[%swap3A_276, %swap3A_277], %swap3A_280 {strides = array<i32>} : memref<32x512xf32, #tpu.memory_space<vmem>>, vector<1x16xf32>,
        %get3A_281 = arith.index_cast %scan3A_234 : i32 to index
        %get3A_282 = arith.constant 64 : index
        %get3A_283 = tpu.vector_load %arg9[%get3A_281, %get3A_282] {strides = array<i32>} : memref<32x512xf32, #tpu.memory_space<vmem>>, vector<1x16xf32>,
        %get3A_284 = vector.shape_cast %get3A_283 : vector<1x16xf32> to vector<16xf32>
        %mul3A_285 = arith.constant 22.6274166 : f32
        %mul3A_286 = vector.broadcast %mul3A_285 : f32 to vector<16xf32>
        %mul3A_287 = arith.mulf %get3A_284, %mul3A_286 : vector<16xf32>
        %swap3A_288 = arith.index_cast %scan3A_234 : i32 to index
        %swap3A_289 = arith.constant 64 : index
        %swap3A_290 = tpu.vector_load %arg9[%swap3A_288, %swap3A_289] {strides = array<i32>} : memref<32x512xf32, #tpu.memory_space<vmem>>, vector<1x16xf32>,
        %swap3A_291 = vector.shape_cast %swap3A_290 : vector<1x16xf32> to vector<16xf32>
        %swap3A_292 = vector.shape_cast %mul3A_287 : vector<16xf32> to vector<1x16xf32>
        tpu.vector_store %arg9[%swap3A_288, %swap3A_289], %swap3A_292 {strides = array<i32>} : memref<32x512xf32, #tpu.memory_space<vmem>>, vector<1x16xf32>,
        %get3A_293 = arith.index_cast %scan3A_234 : i32 to index
        %get3A_294 = arith.constant 80 : index
        %get3A_295 = tpu.vector_load %arg9[%get3A_293, %get3A_294] {strides = array<i32>} : memref<32x512xf32, #tpu.memory_space<vmem>>, vector<1x16xf32>,
        %get3A_296 = vector.shape_cast %get3A_295 : vector<1x16xf32> to vector<16xf32>
        %mul3A_297 = arith.constant 22.6274166 : f32
        %mul3A_298 = vector.broadcast %mul3A_297 : f32 to vector<16xf32>
        %mul3A_299 = arith.mulf %get3A_296, %mul3A_298 : vector<16xf32>
        %swap3A_300 = arith.index_cast %scan3A_234 : i32 to index
        %swap3A_301 = arith.constant 80 : index
        %swap3A_302 = tpu.vector_load %arg9[%swap3A_300, %swap3A_301] {strides = array<i32>} : memref<32x512xf32, #tpu.memory_space<vmem>>, vector<1x16xf32>,
        %swap3A_303 = vector.shape_cast %swap3A_302 : vector<1x16xf32> to vector<16xf32>
        %swap3A_304 = vector.shape_cast %mul3A_299 : vector<16xf32> to vector<1x16xf32>
        tpu.vector_store %arg9[%swap3A_300, %swap3A_301], %swap3A_304 {strides = array<i32>} : memref<32x512xf32, #tpu.memory_space<vmem>>, vector<1x16xf32>,
        %get3A_305 = arith.index_cast %scan3A_234 : i32 to index
        %get3A_306 = arith.constant 96 : index
        %get3A_307 = tpu.vector_load %arg9[%get3A_305, %get3A_306] {strides = array<i32>} : memref<32x512xf32, #tpu.memory_space<vmem>>, vector<1x16xf32>,
        %get3A_308 = vector.shape_cast %get3A_307 : vector<1x16xf32> to vector<16xf32>
        %mul3A_309 = arith.constant 22.6274166 : f32
        %mul3A_310 = vector.broadcast %mul3A_309 : f32 to vector<16xf32>
        %mul3A_311 = arith.mulf %get3A_308, %mul3A_310 : vector<16xf32>
        %swap3A_312 = arith.index_cast %scan3A_234 : i32 to index
        %swap3A_313 = arith.constant 96 : index
        %swap3A_314 = tpu.vector_load %arg9[%swap3A_312, %swap3A_313] {strides = array<i32>} : memref<32x512xf32, #tpu.memory_space<vmem>>, vector<1x16xf32>,
        %swap3A_315 = vector.shape_cast %swap3A_314 : vector<1x16xf32> to vector<16xf32>
        %swap3A_316 = vector.shape_cast %mul3A_311 : vector<16xf32> to vector<1x16xf32>
        tpu.vector_store %arg9[%swap3A_312, %swap3A_313], %swap3A_316 {strides = array<i32>} : memref<32x512xf32, #tpu.memory_space<vmem>>, vector<1x16xf32>,
        %get3A_317 = arith.index_cast %scan3A_234 : i32 to index
        %get3A_318 = arith.constant 112 : index
        %get3A_319 = tpu.vector_load %arg9[%get3A_317, %get3A_318] {strides = array<i32>} : memref<32x512xf32, #tpu.memory_space<vmem>>, vector<1x16xf32>,
        %get3A_320 = vector.shape_cast %get3A_319 : vector<1x16xf32> to vector<16xf32>
        %mul3A_321 = arith.constant 22.6274166 : f32
        %mul3A_322 = vector.broadcast %mul3A_321 : f32 to vector<16xf32>
        %mul3A_323 = arith.mulf %get3A_320, %mul3A_322 : vector<16xf32>
        %swap3A_324 = arith.index_cast %scan3A_234 : i32 to index
        %swap3A_325 = arith.constant 112 : index
        %swap3A_326 = tpu.vector_load %arg9[%swap3A_324, %swap3A_325] {strides = array<i32>} : memref<32x512xf32, #tpu.memory_space<vmem>>, vector<1x16xf32>,
        %swap3A_327 = vector.shape_cast %swap3A_326 : vector<1x16xf32> to vector<16xf32>
        %swap3A_328 = vector.shape_cast %mul3A_323 : vector<16xf32> to vector<1x16xf32>
        tpu.vector_store %arg9[%swap3A_324, %swap3A_325], %swap3A_328 {strides = array<i32>} : memref<32x512xf32, #tpu.memory_space<vmem>>, vector<1x16xf32>,
        %get3A_329 = arith.index_cast %scan3A_234 : i32 to index
        %get3A_330 = arith.constant 128 : index
        %get3A_331 = tpu.vector_load %arg9[%get3A_329, %get3A_330] {strides = array<i32>} : memref<32x512xf32, #tpu.memory_space<vmem>>, vector<1x16xf32>,
        %get3A_332 = vector.shape_cast %get3A_331 : vector<1x16xf32> to vector<16xf32>
        %mul3A_333 = arith.constant 22.6274166 : f32
        %mul3A_334 = vector.broadcast %mul3A_333 : f32 to vector<16xf32>
        %mul3A_335 = arith.mulf %get3A_332, %mul3A_334 : vector<16xf32>
        %swap3A_336 = arith.index_cast %scan3A_234 : i32 to index
        %swap3A_337 = arith.constant 128 : index
        %swap3A_338 = tpu.vector_load %arg9[%swap3A_336, %swap3A_337] {strides = array<i32>} : memref<32x512xf32, #tpu.memory_space<vmem>>, vector<1x16xf32>,
        %swap3A_339 = vector.shape_cast %swap3A_338 : vector<1x16xf32> to vector<16xf32>
        %swap3A_340 = vector.shape_cast %mul3A_335 : vector<16xf32> to vector<1x16xf32>
        tpu.vector_store %arg9[%swap3A_336, %swap3A_337], %swap3A_340 {strides = array<i32>} : memref<32x512xf32, #tpu.memory_space<vmem>>, vector<1x16xf32>,
        %get3A_341 = arith.index_cast %scan3A_234 : i32 to index
        %get3A_342 = arith.constant 144 : index
        %get3A_343 = tpu.vector_load %arg9[%get3A_341, %get3A_342] {strides = array<i32>} : memref<32x512xf32, #tpu.memory_space<vmem>>, vector<1x16xf32>,
        %get3A_344 = vector.shape_cast %get3A_343 : vector<1x16xf32> to vector<16xf32>
        %mul3A_345 = arith.constant 22.6274166 : f32
        %mul3A_346 = vector.broadcast %mul3A_345 : f32 to vector<16xf32>
        %mul3A_347 = arith.mulf %get3A_344, %mul3A_346 : vector<16xf32>
        %swap3A_348 = arith.index_cast %scan3A_234 : i32 to index
        %swap3A_349 = arith.constant 144 : index
        %swap3A_350 = tpu.vector_load %arg9[%swap3A_348, %swap3A_349] {strides = array<i32>} : memref<32x512xf32, #tpu.memory_space<vmem>>, vector<1x16xf32>,
        %swap3A_351 = vector.shape_cast %swap3A_350 : vector<1x16xf32> to vector<16xf32>
        %swap3A_352 = vector.shape_cast %mul3A_347 : vector<16xf32> to vector<1x16xf32>
        tpu.vector_store %arg9[%swap3A_348, %swap3A_349], %swap3A_352 {strides = array<i32>} : memref<32x512xf32, #tpu.memory_space<vmem>>, vector<1x16xf32>,
        %get3A_353 = arith.index_cast %scan3A_234 : i32 to index
        %get3A_354 = arith.constant 160 : index
        %get3A_355 = tpu.vector_load %arg9[%get3A_353, %get3A_354] {strides = array<i32>} : memref<32x512xf32, #tpu.memory_space<vmem>>, vector<1x16xf32>,
        %get3A_356 = vector.shape_cast %get3A_355 : vector<1x16xf32> to vector<16xf32>
        %mul3A_357 = arith.constant 22.6274166 : f32
        %mul3A_358 = vector.broadcast %mul3A_357 : f32 to vector<16xf32>
        %mul3A_359 = arith.mulf %get3A_356, %mul3A_358 : vector<16xf32>
        %swap3A_360 = arith.index_cast %scan3A_234 : i32 to index
        %swap3A_361 = arith.constant 160 : index
        %swap3A_362 = tpu.vector_load %arg9[%swap3A_360, %swap3A_361] {strides = array<i32>} : memref<32x512xf32, #tpu.memory_space<vmem>>, vector<1x16xf32>,
        %swap3A_363 = vector.shape_cast %swap3A_362 : vector<1x16xf32> to vector<16xf32>
        %swap3A_364 = vector.shape_cast %mul3A_359 : vector<16xf32> to vector<1x16xf32>
        tpu.vector_store %arg9[%swap3A_360, %swap3A_361], %swap3A_364 {strides = array<i32>} : memref<32x512xf32, #tpu.memory_space<vmem>>, vector<1x16xf32>,
        %get3A_365 = arith.index_cast %scan3A_234 : i32 to index
        %get3A_366 = arith.constant 176 : index
        %get3A_367 = tpu.vector_load %arg9[%get3A_365, %get3A_366] {strides = array<i32>} : memref<32x512xf32, #tpu.memory_space<vmem>>, vector<1x16xf32>,
        %get3A_368 = vector.shape_cast %get3A_367 : vector<1x16xf32> to vector<16xf32>
        %mul3A_369 = arith.constant 22.6274166 : f32
        %mul3A_370 = vector.broadcast %mul3A_369 : f32 to vector<16xf32>
        %mul3A_371 = arith.mulf %get3A_368, %mul3A_370 : vector<16xf32>
        %swap3A_372 = arith.index_cast %scan3A_234 : i32 to index
        %swap3A_373 = arith.constant 176 : index
        %swap3A_374 = tpu.vector_load %arg9[%swap3A_372, %swap3A_373] {strides = array<i32>} : memref<32x512xf32, #tpu.memory_space<vmem>>, vector<1x16xf32>,
        %swap3A_375 = vector.shape_cast %swap3A_374 : vector<1x16xf32> to vector<16xf32>
        %swap3A_376 = vector.shape_cast %mul3A_371 : vector<16xf32> to vector<1x16xf32>
        tpu.vector_store %arg9[%swap3A_372, %swap3A_373], %swap3A_376 {strides = array<i32>} : memref<32x512xf32, #tpu.memory_space<vmem>>, vector<1x16xf32>,
        %get3A_377 = arith.index_cast %scan3A_234 : i32 to index
        %get3A_378 = arith.constant 192 : index
        %get3A_379 = tpu.vector_load %arg9[%get3A_377, %get3A_378] {strides = array<i32>} : memref<32x512xf32, #tpu.memory_space<vmem>>, vector<1x16xf32>,
        %get3A_380 = vector.shape_cast %get3A_379 : vector<1x16xf32> to vector<16xf32>
        %mul3A_381 = arith.constant 22.6274166 : f32
        %mul3A_382 = vector.broadcast %mul3A_381 : f32 to vector<16xf32>
        %mul3A_383 = arith.mulf %get3A_380, %mul3A_382 : vector<16xf32>
        %swap3A_384 = arith.index_cast %scan3A_234 : i32 to index
        %swap3A_385 = arith.constant 192 : index
        %swap3A_386 = tpu.vector_load %arg9[%swap3A_384, %swap3A_385] {strides = array<i32>} : memref<32x512xf32, #tpu.memory_space<vmem>>, vector<1x16xf32>,
        %swap3A_387 = vector.shape_cast %swap3A_386 : vector<1x16xf32> to vector<16xf32>
        %swap3A_388 = vector.shape_cast %mul3A_383 : vector<16xf32> to vector<1x16xf32>
        tpu.vector_store %arg9[%swap3A_384, %swap3A_385], %swap3A_388 {strides = array<i32>} : memref<32x512xf32, #tpu.memory_space<vmem>>, vector<1x16xf32>,
        %get3A_389 = arith.index_cast %scan3A_234 : i32 to index
        %get3A_390 = arith.constant 208 : index
        %get3A_391 = tpu.vector_load %arg9[%get3A_389, %get3A_390] {strides = array<i32>} : memref<32x512xf32, #tpu.memory_space<vmem>>, vector<1x16xf32>,
        %get3A_392 = vector.shape_cast %get3A_391 : vector<1x16xf32> to vector<16xf32>
        %mul3A_393 = arith.constant 22.6274166 : f32
        %mul3A_394 = vector.broadcast %mul3A_393 : f32 to vector<16xf32>
        %mul3A_395 = arith.mulf %get3A_392, %mul3A_394 : vector<16xf32>
        %swap3A_396 = arith.index_cast %scan3A_234 : i32 to index
        %swap3A_397 = arith.constant 208 : index
        %swap3A_398 = tpu.vector_load %arg9[%swap3A_396, %swap3A_397] {strides = array<i32>} : memref<32x512xf32, #tpu.memory_space<vmem>>, vector<1x16xf32>,
        %swap3A_399 = vector.shape_cast %swap3A_398 : vector<1x16xf32> to vector<16xf32>
        %swap3A_400 = vector.shape_cast %mul3A_395 : vector<16xf32> to vector<1x16xf32>
        tpu.vector_store %arg9[%swap3A_396, %swap3A_397], %swap3A_400 {strides = array<i32>} : memref<32x512xf32, #tpu.memory_space<vmem>>, vector<1x16xf32>,
        %get3A_401 = arith.index_cast %scan3A_234 : i32 to index
        %get3A_402 = arith.constant 224 : index
        %get3A_403 = tpu.vector_load %arg9[%get3A_401, %get3A_402] {strides = array<i32>} : memref<32x512xf32, #tpu.memory_space<vmem>>, vector<1x16xf32>,
        %get3A_404 = vector.shape_cast %get3A_403 : vector<1x16xf32> to vector<16xf32>
        %mul3A_405 = arith.constant 22.6274166 : f32
        %mul3A_406 = vector.broadcast %mul3A_405 : f32 to vector<16xf32>
        %mul3A_407 = arith.mulf %get3A_404, %mul3A_406 : vector<16xf32>
        %swap3A_408 = arith.index_cast %scan3A_234 : i32 to index
        %swap3A_409 = arith.constant 224 : index
        %swap3A_410 = tpu.vector_load %arg9[%swap3A_408, %swap3A_409] {strides = array<i32>} : memref<32x512xf32, #tpu.memory_space<vmem>>, vector<1x16xf32>,
        %swap3A_411 = vector.shape_cast %swap3A_410 : vector<1x16xf32> to vector<16xf32>
        %swap3A_412 = vector.shape_cast %mul3A_407 : vector<16xf32> to vector<1x16xf32>
        tpu.vector_store %arg9[%swap3A_408, %swap3A_409], %swap3A_412 {strides = array<i32>} : memref<32x512xf32, #tpu.memory_space<vmem>>, vector<1x16xf32>,
        %get3A_413 = arith.index_cast %scan3A_234 : i32 to index
        %get3A_414 = arith.constant 240 : index
        %get3A_415 = tpu.vector_load %arg9[%get3A_413, %get3A_414] {strides = array<i32>} : memref<32x512xf32, #tpu.memory_space<vmem>>, vector<1x16xf32>,
        %get3A_416 = vector.shape_cast %get3A_415 : vector<1x16xf32> to vector<16xf32>
        %mul3A_417 = arith.constant 22.6274166 : f32
        %mul3A_418 = vector.broadcast %mul3A_417 : f32 to vector<16xf32>
        %mul3A_419 = arith.mulf %get3A_416, %mul3A_418 : vector<16xf32>
        %swap3A_420 = arith.index_cast %scan3A_234 : i32 to index
        %swap3A_421 = arith.constant 240 : index
        %swap3A_422 = tpu.vector_load %arg9[%swap3A_420, %swap3A_421] {strides = array<i32>} : memref<32x512xf32, #tpu.memory_space<vmem>>, vector<1x16xf32>,
        %swap3A_423 = vector.shape_cast %swap3A_422 : vector<1x16xf32> to vector<16xf32>
        %swap3A_424 = vector.shape_cast %mul3A_419 : vector<16xf32> to vector<1x16xf32>
        tpu.vector_store %arg9[%swap3A_420, %swap3A_421], %swap3A_424 {strides = array<i32>} : memref<32x512xf32, #tpu.memory_space<vmem>>, vector<1x16xf32>,
        %get3A_425 = arith.index_cast %scan3A_234 : i32 to index
        %get3A_426 = arith.constant 256 : index
        %get3A_427 = tpu.vector_load %arg9[%get3A_425, %get3A_426] {strides = array<i32>} : memref<32x512xf32, #tpu.memory_space<vmem>>, vector<1x16xf32>,
        %get3A_428 = vector.shape_cast %get3A_427 : vector<1x16xf32> to vector<16xf32>
        %mul3A_429 = arith.constant 22.6274166 : f32
        %mul3A_430 = vector.broadcast %mul3A_429 : f32 to vector<16xf32>
        %mul3A_431 = arith.mulf %get3A_428, %mul3A_430 : vector<16xf32>
        %swap3A_432 = arith.index_cast %scan3A_234 : i32 to index
        %swap3A_433 = arith.constant 256 : index
        %swap3A_434 = tpu.vector_load %arg9[%swap3A_432, %swap3A_433] {strides = array<i32>} : memref<32x512xf32, #tpu.memory_space<vmem>>, vector<1x16xf32>,
        %swap3A_435 = vector.shape_cast %swap3A_434 : vector<1x16xf32> to vector<16xf32>
        %swap3A_436 = vector.shape_cast %mul3A_431 : vector<16xf32> to vector<1x16xf32>
        tpu.vector_store %arg9[%swap3A_432, %swap3A_433], %swap3A_436 {strides = array<i32>} : memref<32x512xf32, #tpu.memory_space<vmem>>, vector<1x16xf32>,
        %get3A_437 = arith.index_cast %scan3A_234 : i32 to index
        %get3A_438 = arith.constant 272 : index
        %get3A_439 = tpu.vector_load %arg9[%get3A_437, %get3A_438] {strides = array<i32>} : memref<32x512xf32, #tpu.memory_space<vmem>>, vector<1x16xf32>,
        %get3A_440 = vector.shape_cast %get3A_439 : vector<1x16xf32> to vector<16xf32>
        %mul3A_441 = arith.constant 22.6274166 : f32
        %mul3A_442 = vector.broadcast %mul3A_441 : f32 to vector<16xf32>
        %mul3A_443 = arith.mulf %get3A_440, %mul3A_442 : vector<16xf32>
        %swap3A_444 = arith.index_cast %scan3A_234 : i32 to index
        %swap3A_445 = arith.constant 272 : index
        %swap3A_446 = tpu.vector_load %arg9[%swap3A_444, %swap3A_445] {strides = array<i32>} : memref<32x512xf32, #tpu.memory_space<vmem>>, vector<1x16xf32>,
        %swap3A_447 = vector.shape_cast %swap3A_446 : vector<1x16xf32> to vector<16xf32>
        %swap3A_448 = vector.shape_cast %mul3A_443 : vector<16xf32> to vector<1x16xf32>
        tpu.vector_store %arg9[%swap3A_444, %swap3A_445], %swap3A_448 {strides = array<i32>} : memref<32x512xf32, #tpu.memory_space<vmem>>, vector<1x16xf32>,
        %get3A_449 = arith.index_cast %scan3A_234 : i32 to index
        %get3A_450 = arith.constant 288 : index
        %get3A_451 = tpu.vector_load %arg9[%get3A_449, %get3A_450] {strides = array<i32>} : memref<32x512xf32, #tpu.memory_space<vmem>>, vector<1x16xf32>,
        %get3A_452 = vector.shape_cast %get3A_451 : vector<1x16xf32> to vector<16xf32>
        %mul3A_453 = arith.constant 22.6274166 : f32
        %mul3A_454 = vector.broadcast %mul3A_453 : f32 to vector<16xf32>
        %mul3A_455 = arith.mulf %get3A_452, %mul3A_454 : vector<16xf32>
        %swap3A_456 = arith.index_cast %scan3A_234 : i32 to index
        %swap3A_457 = arith.constant 288 : index
        %swap3A_458 = tpu.vector_load %arg9[%swap3A_456, %swap3A_457] {strides = array<i32>} : memref<32x512xf32, #tpu.memory_space<vmem>>, vector<1x16xf32>,
        %swap3A_459 = vector.shape_cast %swap3A_458 : vector<1x16xf32> to vector<16xf32>
        %swap3A_460 = vector.shape_cast %mul3A_455 : vector<16xf32> to vector<1x16xf32>
        tpu.vector_store %arg9[%swap3A_456, %swap3A_457], %swap3A_460 {strides = array<i32>} : memref<32x512xf32, #tpu.memory_space<vmem>>, vector<1x16xf32>,
        %get3A_461 = arith.index_cast %scan3A_234 : i32 to index
        %get3A_462 = arith.constant 304 : index
        %get3A_463 = tpu.vector_load %arg9[%get3A_461, %get3A_462] {strides = array<i32>} : memref<32x512xf32, #tpu.memory_space<vmem>>, vector<1x16xf32>,
        %get3A_464 = vector.shape_cast %get3A_463 : vector<1x16xf32> to vector<16xf32>
        %mul3A_465 = arith.constant 22.6274166 : f32
        %mul3A_466 = vector.broadcast %mul3A_465 : f32 to vector<16xf32>
        %mul3A_467 = arith.mulf %get3A_464, %mul3A_466 : vector<16xf32>
        %swap3A_468 = arith.index_cast %scan3A_234 : i32 to index
        %swap3A_469 = arith.constant 304 : index
        %swap3A_470 = tpu.vector_load %arg9[%swap3A_468, %swap3A_469] {strides = array<i32>} : memref<32x512xf32, #tpu.memory_space<vmem>>, vector<1x16xf32>,
        %swap3A_471 = vector.shape_cast %swap3A_470 : vector<1x16xf32> to vector<16xf32>
        %swap3A_472 = vector.shape_cast %mul3A_467 : vector<16xf32> to vector<1x16xf32>
        tpu.vector_store %arg9[%swap3A_468, %swap3A_469], %swap3A_472 {strides = array<i32>} : memref<32x512xf32, #tpu.memory_space<vmem>>, vector<1x16xf32>,
        %get3A_473 = arith.index_cast %scan3A_234 : i32 to index
        %get3A_474 = arith.constant 320 : index
        %get3A_475 = tpu.vector_load %arg9[%get3A_473, %get3A_474] {strides = array<i32>} : memref<32x512xf32, #tpu.memory_space<vmem>>, vector<1x16xf32>,
        %get3A_476 = vector.shape_cast %get3A_475 : vector<1x16xf32> to vector<16xf32>
        %mul3A_477 = arith.constant 22.6274166 : f32
        %mul3A_478 = vector.broadcast %mul3A_477 : f32 to vector<16xf32>
        %mul3A_479 = arith.mulf %get3A_476, %mul3A_478 : vector<16xf32>
        %swap3A_480 = arith.index_cast %scan3A_234 : i32 to index
        %swap3A_481 = arith.constant 320 : index
        %swap3A_482 = tpu.vector_load %arg9[%swap3A_480, %swap3A_481] {strides = array<i32>} : memref<32x512xf32, #tpu.memory_space<vmem>>, vector<1x16xf32>,
        %swap3A_483 = vector.shape_cast %swap3A_482 : vector<1x16xf32> to vector<16xf32>
        %swap3A_484 = vector.shape_cast %mul3A_479 : vector<16xf32> to vector<1x16xf32>
        tpu.vector_store %arg9[%swap3A_480, %swap3A_481], %swap3A_484 {strides = array<i32>} : memref<32x512xf32, #tpu.memory_space<vmem>>, vector<1x16xf32>,
        %get3A_485 = arith.index_cast %scan3A_234 : i32 to index
        %get3A_486 = arith.constant 336 : index
        %get3A_487 = tpu.vector_load %arg9[%get3A_485, %get3A_486] {strides = array<i32>} : memref<32x512xf32, #tpu.memory_space<vmem>>, vector<1x16xf32>,
        %get3A_488 = vector.shape_cast %get3A_487 : vector<1x16xf32> to vector<16xf32>
        %mul3A_489 = arith.constant 22.6274166 : f32
        %mul3A_490 = vector.broadcast %mul3A_489 : f32 to vector<16xf32>
        %mul3A_491 = arith.mulf %get3A_488, %mul3A_490 : vector<16xf32>
        %swap3A_492 = arith.index_cast %scan3A_234 : i32 to index
        %swap3A_493 = arith.constant 336 : index
        %swap3A_494 = tpu.vector_load %arg9[%swap3A_492, %swap3A_493] {strides = array<i32>} : memref<32x512xf32, #tpu.memory_space<vmem>>, vector<1x16xf32>,
        %swap3A_495 = vector.shape_cast %swap3A_494 : vector<1x16xf32> to vector<16xf32>
        %swap3A_496 = vector.shape_cast %mul3A_491 : vector<16xf32> to vector<1x16xf32>
        tpu.vector_store %arg9[%swap3A_492, %swap3A_493], %swap3A_496 {strides = array<i32>} : memref<32x512xf32, #tpu.memory_space<vmem>>, vector<1x16xf32>,
        %get3A_497 = arith.index_cast %scan3A_234 : i32 to index
        %get3A_498 = arith.constant 352 : index
        %get3A_499 = tpu.vector_load %arg9[%get3A_497, %get3A_498] {strides = array<i32>} : memref<32x512xf32, #tpu.memory_space<vmem>>, vector<1x16xf32>,
        %get3A_500 = vector.shape_cast %get3A_499 : vector<1x16xf32> to vector<16xf32>
        %mul3A_501 = arith.constant 22.6274166 : f32
        %mul3A_502 = vector.broadcast %mul3A_501 : f32 to vector<16xf32>
        %mul3A_503 = arith.mulf %get3A_500, %mul3A_502 : vector<16xf32>
        %swap3A_504 = arith.index_cast %scan3A_234 : i32 to index
        %swap3A_505 = arith.constant 352 : index
        %swap3A_506 = tpu.vector_load %arg9[%swap3A_504, %swap3A_505] {strides = array<i32>} : memref<32x512xf32, #tpu.memory_space<vmem>>, vector<1x16xf32>,
        %swap3A_507 = vector.shape_cast %swap3A_506 : vector<1x16xf32> to vector<16xf32>
        %swap3A_508 = vector.shape_cast %mul3A_503 : vector<16xf32> to vector<1x16xf32>
        tpu.vector_store %arg9[%swap3A_504, %swap3A_505], %swap3A_508 {strides = array<i32>} : memref<32x512xf32, #tpu.memory_space<vmem>>, vector<1x16xf32>,
        %get3A_509 = arith.index_cast %scan3A_234 : i32 to index
        %get3A_510 = arith.constant 368 : index
        %get3A_511 = tpu.vector_load %arg9[%get3A_509, %get3A_510] {strides = array<i32>} : memref<32x512xf32, #tpu.memory_space<vmem>>, vector<1x16xf32>,
        %get3A_512 = vector.shape_cast %get3A_511 : vector<1x16xf32> to vector<16xf32>
        %mul3A_513 = arith.constant 22.6274166 : f32
        %mul3A_514 = vector.broadcast %mul3A_513 : f32 to vector<16xf32>
        %mul3A_515 = arith.mulf %get3A_512, %mul3A_514 : vector<16xf32>
        %swap3A_516 = arith.index_cast %scan3A_234 : i32 to index
        %swap3A_517 = arith.constant 368 : index
        %swap3A_518 = tpu.vector_load %arg9[%swap3A_516, %swap3A_517] {strides = array<i32>} : memref<32x512xf32, #tpu.memory_space<vmem>>, vector<1x16xf32>,
        %swap3A_519 = vector.shape_cast %swap3A_518 : vector<1x16xf32> to vector<16xf32>
        %swap3A_520 = vector.shape_cast %mul3A_515 : vector<16xf32> to vector<1x16xf32>
        tpu.vector_store %arg9[%swap3A_516, %swap3A_517], %swap3A_520 {strides = array<i32>} : memref<32x512xf32, #tpu.memory_space<vmem>>, vector<1x16xf32>,
        %get3A_521 = arith.index_cast %scan3A_234 : i32 to index
        %get3A_522 = arith.constant 384 : index
        %get3A_523 = tpu.vector_load %arg9[%get3A_521, %get3A_522] {strides = array<i32>} : memref<32x512xf32, #tpu.memory_space<vmem>>, vector<1x16xf32>,
        %get3A_524 = vector.shape_cast %get3A_523 : vector<1x16xf32> to vector<16xf32>
        %mul3A_525 = arith.constant 22.6274166 : f32
        %mul3A_526 = vector.broadcast %mul3A_525 : f32 to vector<16xf32>
        %mul3A_527 = arith.mulf %get3A_524, %mul3A_526 : vector<16xf32>
        %swap3A_528 = arith.index_cast %scan3A_234 : i32 to index
        %swap3A_529 = arith.constant 384 : index
        %swap3A_530 = tpu.vector_load %arg9[%swap3A_528, %swap3A_529] {strides = array<i32>} : memref<32x512xf32, #tpu.memory_space<vmem>>, vector<1x16xf32>,
        %swap3A_531 = vector.shape_cast %swap3A_530 : vector<1x16xf32> to vector<16xf32>
        %swap3A_532 = vector.shape_cast %mul3A_527 : vector<16xf32> to vector<1x16xf32>
        tpu.vector_store %arg9[%swap3A_528, %swap3A_529], %swap3A_532 {strides = array<i32>} : memref<32x512xf32, #tpu.memory_space<vmem>>, vector<1x16xf32>,
        %get3A_533 = arith.index_cast %scan3A_234 : i32 to index
        %get3A_534 = arith.constant 400 : index
        %get3A_535 = tpu.vector_load %arg9[%get3A_533, %get3A_534] {strides = array<i32>} : memref<32x512xf32, #tpu.memory_space<vmem>>, vector<1x16xf32>,
        %get3A_536 = vector.shape_cast %get3A_535 : vector<1x16xf32> to vector<16xf32>
        %mul3A_537 = arith.constant 22.6274166 : f32
        %mul3A_538 = vector.broadcast %mul3A_537 : f32 to vector<16xf32>
        %mul3A_539 = arith.mulf %get3A_536, %mul3A_538 : vector<16xf32>
        %swap3A_540 = arith.index_cast %scan3A_234 : i32 to index
        %swap3A_541 = arith.constant 400 : index
        %swap3A_542 = tpu.vector_load %arg9[%swap3A_540, %swap3A_541] {strides = array<i32>} : memref<32x512xf32, #tpu.memory_space<vmem>>, vector<1x16xf32>,
        %swap3A_543 = vector.shape_cast %swap3A_542 : vector<1x16xf32> to vector<16xf32>
        %swap3A_544 = vector.shape_cast %mul3A_539 : vector<16xf32> to vector<1x16xf32>
        tpu.vector_store %arg9[%swap3A_540, %swap3A_541], %swap3A_544 {strides = array<i32>} : memref<32x512xf32, #tpu.memory_space<vmem>>, vector<1x16xf32>,
        %get3A_545 = arith.index_cast %scan3A_234 : i32 to index
        %get3A_546 = arith.constant 416 : index
        %get3A_547 = tpu.vector_load %arg9[%get3A_545, %get3A_546] {strides = array<i32>} : memref<32x512xf32, #tpu.memory_space<vmem>>, vector<1x16xf32>,
        %get3A_548 = vector.shape_cast %get3A_547 : vector<1x16xf32> to vector<16xf32>
        %mul3A_549 = arith.constant 22.6274166 : f32
        %mul3A_550 = vector.broadcast %mul3A_549 : f32 to vector<16xf32>
        %mul3A_551 = arith.mulf %get3A_548, %mul3A_550 : vector<16xf32>
        %swap3A_552 = arith.index_cast %scan3A_234 : i32 to index
        %swap3A_553 = arith.constant 416 : index
        %swap3A_554 = tpu.vector_load %arg9[%swap3A_552, %swap3A_553] {strides = array<i32>} : memref<32x512xf32, #tpu.memory_space<vmem>>, vector<1x16xf32>,
        %swap3A_555 = vector.shape_cast %swap3A_554 : vector<1x16xf32> to vector<16xf32>
        %swap3A_556 = vector.shape_cast %mul3A_551 : vector<16xf32> to vector<1x16xf32>
        tpu.vector_store %arg9[%swap3A_552, %swap3A_553], %swap3A_556 {strides = array<i32>} : memref<32x512xf32, #tpu.memory_space<vmem>>, vector<1x16xf32>,
        %get3A_557 = arith.index_cast %scan3A_234 : i32 to index
        %get3A_558 = arith.constant 432 : index
        %get3A_559 = tpu.vector_load %arg9[%get3A_557, %get3A_558] {strides = array<i32>} : memref<32x512xf32, #tpu.memory_space<vmem>>, vector<1x16xf32>,
        %get3A_560 = vector.shape_cast %get3A_559 : vector<1x16xf32> to vector<16xf32>
        %mul3A_561 = arith.constant 22.6274166 : f32
        %mul3A_562 = vector.broadcast %mul3A_561 : f32 to vector<16xf32>
        %mul3A_563 = arith.mulf %get3A_560, %mul3A_562 : vector<16xf32>
        %swap3A_564 = arith.index_cast %scan3A_234 : i32 to index
        %swap3A_565 = arith.constant 432 : index
        %swap3A_566 = tpu.vector_load %arg9[%swap3A_564, %swap3A_565] {strides = array<i32>} : memref<32x512xf32, #tpu.memory_space<vmem>>, vector<1x16xf32>,
        %swap3A_567 = vector.shape_cast %swap3A_566 : vector<1x16xf32> to vector<16xf32>
        %swap3A_568 = vector.shape_cast %mul3A_563 : vector<16xf32> to vector<1x16xf32>
        tpu.vector_store %arg9[%swap3A_564, %swap3A_565], %swap3A_568 {strides = array<i32>} : memref<32x512xf32, #tpu.memory_space<vmem>>, vector<1x16xf32>,
        %get3A_569 = arith.index_cast %scan3A_234 : i32 to index
        %get3A_570 = arith.constant 448 : index
        %get3A_571 = tpu.vector_load %arg9[%get3A_569, %get3A_570] {strides = array<i32>} : memref<32x512xf32, #tpu.memory_space<vmem>>, vector<1x16xf32>,
        %get3A_572 = vector.shape_cast %get3A_571 : vector<1x16xf32> to vector<16xf32>
        %mul3A_573 = arith.constant 22.6274166 : f32
        %mul3A_574 = vector.broadcast %mul3A_573 : f32 to vector<16xf32>
        %mul3A_575 = arith.mulf %get3A_572, %mul3A_574 : vector<16xf32>
        %swap3A_576 = arith.index_cast %scan3A_234 : i32 to index
        %swap3A_577 = arith.constant 448 : index
        %swap3A_578 = tpu.vector_load %arg9[%swap3A_576, %swap3A_577] {strides = array<i32>} : memref<32x512xf32, #tpu.memory_space<vmem>>, vector<1x16xf32>,
        %swap3A_579 = vector.shape_cast %swap3A_578 : vector<1x16xf32> to vector<16xf32>
        %swap3A_580 = vector.shape_cast %mul3A_575 : vector<16xf32> to vector<1x16xf32>
        tpu.vector_store %arg9[%swap3A_576, %swap3A_577], %swap3A_580 {strides = array<i32>} : memref<32x512xf32, #tpu.memory_space<vmem>>, vector<1x16xf32>,
        %get3A_581 = arith.index_cast %scan3A_234 : i32 to index
        %get3A_582 = arith.constant 464 : index
        %get3A_583 = tpu.vector_load %arg9[%get3A_581, %get3A_582] {strides = array<i32>} : memref<32x512xf32, #tpu.memory_space<vmem>>, vector<1x16xf32>,
        %get3A_584 = vector.shape_cast %get3A_583 : vector<1x16xf32> to vector<16xf32>
        %mul3A_585 = arith.constant 22.6274166 : f32
        %mul3A_586 = vector.broadcast %mul3A_585 : f32 to vector<16xf32>
        %mul3A_587 = arith.mulf %get3A_584, %mul3A_586 : vector<16xf32>
        %swap3A_588 = arith.index_cast %scan3A_234 : i32 to index
        %swap3A_589 = arith.constant 464 : index
        %swap3A_590 = tpu.vector_load %arg9[%swap3A_588, %swap3A_589] {strides = array<i32>} : memref<32x512xf32, #tpu.memory_space<vmem>>, vector<1x16xf32>,
        %swap3A_591 = vector.shape_cast %swap3A_590 : vector<1x16xf32> to vector<16xf32>
        %swap3A_592 = vector.shape_cast %mul3A_587 : vector<16xf32> to vector<1x16xf32>
        tpu.vector_store %arg9[%swap3A_588, %swap3A_589], %swap3A_592 {strides = array<i32>} : memref<32x512xf32, #tpu.memory_space<vmem>>, vector<1x16xf32>,
        %get3A_593 = arith.index_cast %scan3A_234 : i32 to index
        %get3A_594 = arith.constant 480 : index
        %get3A_595 = tpu.vector_load %arg9[%get3A_593, %get3A_594] {strides = array<i32>} : memref<32x512xf32, #tpu.memory_space<vmem>>, vector<1x16xf32>,
        %get3A_596 = vector.shape_cast %get3A_595 : vector<1x16xf32> to vector<16xf32>
        %mul3A_597 = arith.constant 22.6274166 : f32
        %mul3A_598 = vector.broadcast %mul3A_597 : f32 to vector<16xf32>
        %mul3A_599 = arith.mulf %get3A_596, %mul3A_598 : vector<16xf32>
        %swap3A_600 = arith.index_cast %scan3A_234 : i32 to index
        %swap3A_601 = arith.constant 480 : index
        %swap3A_602 = tpu.vector_load %arg9[%swap3A_600, %swap3A_601] {strides = array<i32>} : memref<32x512xf32, #tpu.memory_space<vmem>>, vector<1x16xf32>,
        %swap3A_603 = vector.shape_cast %swap3A_602 : vector<1x16xf32> to vector<16xf32>
        %swap3A_604 = vector.shape_cast %mul3A_599 : vector<16xf32> to vector<1x16xf32>
        tpu.vector_store %arg9[%swap3A_600, %swap3A_601], %swap3A_604 {strides = array<i32>} : memref<32x512xf32, #tpu.memory_space<vmem>>, vector<1x16xf32>,
        %get3A_605 = arith.index_cast %scan3A_234 : i32 to index
        %get3A_606 = arith.constant 496 : index
        %get3A_607 = tpu.vector_load %arg9[%get3A_605, %get3A_606] {strides = array<i32>} : memref<32x512xf32, #tpu.memory_space<vmem>>, vector<1x16xf32>,
        %get3A_608 = vector.shape_cast %get3A_607 : vector<1x16xf32> to vector<16xf32>
        %mul3A_609 = arith.constant 22.6274166 : f32
        %mul3A_610 = vector.broadcast %mul3A_609 : f32 to vector<16xf32>
        %mul3A_611 = arith.mulf %get3A_608, %mul3A_610 : vector<16xf32>
        %swap3A_612 = arith.index_cast %scan3A_234 : i32 to index
        %swap3A_613 = arith.constant 496 : index
        %swap3A_614 = tpu.vector_load %arg9[%swap3A_612, %swap3A_613] {strides = array<i32>} : memref<32x512xf32, #tpu.memory_space<vmem>>, vector<1x16xf32>,
        %swap3A_615 = vector.shape_cast %swap3A_614 : vector<1x16xf32> to vector<16xf32>
        %swap3A_616 = vector.shape_cast %mul3A_611 : vector<16xf32> to vector<1x16xf32>
        tpu.vector_store %arg9[%swap3A_612, %swap3A_613], %swap3A_616 {strides = array<i32>} : memref<32x512xf32, #tpu.memory_space<vmem>>, vector<1x16xf32>,
      }
      %scan3A_212 = arith.constant 32 : i32
      %mul3A_213 = arith.constant 32 : i32
      %mul3A_214 = arith.muli %add3A_200, %mul3A_213 : i32
      %add3A_215 = arith.addi %mul3A_32, %mul3A_214 : i32
      %dma_start3A_216 = arith.constant 0 : i32
      %dma_start3A_217 = tpu.memref_slice %arg4[%select_n3A, %add3A_215, %dma_start3A_216] : memref<4x4096x512xf32, #tpu.memory_space<hbm>> -> memref<1x32x512xf32, #tpu.memory_space<hbm>>
      %dma_start3A_218 = tpu.memref_squeeze %dma_start3A_217 : memref<1x32x512xf32, #tpu.memory_space<hbm>> -> memref<32x512xf32, #tpu.memory_space<hbm>>
      %dma_start3A_219 = arith.constant 0 : i32
      %dma_start3A_220 = tpu.memref_slice %arg4[%select_n3A, %add3A_215, %dma_start3A_219] : memref<4x4096x512xf32, #tpu.memory_space<hbm>> -> memref<1x32x512xf32, #tpu.memory_space<hbm>>
      %dma_start3A_221 = tpu.memref_squeeze %dma_start3A_220 : memref<1x32x512xf32, #tpu.memory_space<hbm>> -> memref<32x512xf32, #tpu.memory_space<hbm>>
      tpu.enqueue_dma source(%arg9 : memref<32x512xf32, #tpu.memory_space<vmem>>) target(%dma_start3A_221 : memref<32x512xf32, #tpu.memory_space<hbm>>) target_semaphore(%arg17 : memref<!tpu.dma_semaphore, #tpu.memory_space<semaphore_mem>>)
      %add3A_222 = arith.constant 4 : i32
      %add3A_223 = arith.addi %add3A_200, %add3A_222 : i32
      %sub3A_224 = arith.constant 1 : i32
      %sub3A_225 = arith.subi %add3A_223, %sub3A_224 : i32
      %ge3A_226 = arith.constant 1 : i32
      %ge3A_227 = arith.cmpi sge, %add3A_200, %ge3A_226 : i32
      %lt3A_228 = arith.constant 16 : i32
      %lt3A_229 = arith.cmpi slt, %sub3A_225, %lt3A_228 : i32
      %and3A_230 = arith.andi %ge3A_227, %lt3A_229 : i1
      %convert_element_type3A_231 = arith.extui %and3A_230 : i1 to i32
      %cond3A_232 = arith.constant 0 : i32
      %cond3A_233 = arith.cmpi ne, %convert_element_type3A_231, %cond3A_232 : i32
      scf.if %cond3A_233 {
        %sub3A_234 = arith.constant 1 : i32
        %sub3A_235 = arith.subi %add3A_200, %sub3A_234 : i32
        %mul3A_236 = arith.constant 32 : i32
        %mul3A_237 = arith.muli %sub3A_235, %mul3A_236 : i32
        %add3A_238 = arith.addi %mul3A_32, %mul3A_237 : i32
        %dma_wait3A_239 = arith.constant 0 : i32
        %dma_wait3A_240 = tpu.memref_slice %arg4[%select_n3A, %add3A_238, %dma_wait3A_239] : memref<4x4096x512xf32, #tpu.memory_space<hbm>> -> memref<1x32x512xf32, #tpu.memory_space<hbm>>
        %dma_wait3A_241 = tpu.memref_squeeze %dma_wait3A_240 : memref<1x32x512xf32, #tpu.memory_space<hbm>> -> memref<32x512xf32, #tpu.memory_space<hbm>>
        %dma_wait3A_242 = arith.constant 0 : i32
        %dma_wait3A_243 = tpu.memref_slice %arg4[%select_n3A, %add3A_238, %dma_wait3A_242] : memref<4x4096x512xf32, #tpu.memory_space<hbm>> -> memref<1x32x512xf32, #tpu.memory_space<hbm>>
        %dma_wait3A_244 = tpu.memref_squeeze %dma_wait3A_243 : memref<1x32x512xf32, #tpu.memory_space<hbm>> -> memref<32x512xf32, #tpu.memory_space<hbm>>
        tpu.wait_dma2 semaphore(%arg16 : memref<!tpu.dma_semaphore, #tpu.memory_space<semaphore_mem>>) src(%arg8 : memref<32x512xf32, #tpu.memory_space<vmem>>) dst(%dma_wait3A_244 : memref<32x512xf32, #tpu.memory_space<hbm>>)
        %mul3A_245 = arith.constant 32 : i32
        %mul3A_246 = arith.muli %sub3A_225, %mul3A_245 : i32
        %dma_start3A_247 = tpu.memref_slice %arg5[%mul3A_246] : memref<512xi32, #tpu.memory_space<vmem>> -> memref<32xi32, #tpu.memory_space<vmem>>
        %dma_start3A_248 = arith.constant 0 : i32
        %dma_start3A_249 = arith.constant 0 : i32
        %dma_start3A_250 = tpu.memref_slice %arg3[%dma_start3A_248, %dma_start3A_249] : memref<100000x512xf32, #tpu.memory_space<hbm>> -> memref<100000x512xf32, #tpu.memory_space<hbm>>
        tpu.enqueue_indirect_dma source(%dma_start3A_250 : memref<100000x512xf32, #tpu.memory_space<hbm>>) target(%arg8 : memref<32x512xf32, #tpu.memory_space<vmem>>) offsets(%dma_start3A_247 : memref<32xi32, #tpu.memory_space<vmem>>) semaphore(%arg12 : memref<!tpu.dma_semaphore, #tpu.memory_space<semaphore_mem>>)
      } else {
      }
    }
    %scan3A_56 = arith.constant 4 : i32
    %add3A_57 = arith.constant 384 : i32
    %add3A_58 = arith.addi %mul3A_32, %add3A_57 : i32
    %dma_wait3A = arith.constant 0 : i32
    %dma_wait3A_59 = tpu.memref_slice %arg4[%select_n3A, %add3A_58, %dma_wait3A] : memref<4x4096x512xf32, #tpu.memory_space<hbm>> -> memref<1x32x512xf32, #tpu.memory_space<hbm>>
    %dma_wait3A_60 = tpu.memref_squeeze %dma_wait3A_59 : memref<1x32x512xf32, #tpu.memory_space<hbm>> -> memref<32x512xf32, #tpu.memory_space<hbm>>
    %dma_wait3A_61 = arith.constant 0 : i32
    %dma_wait3A_62 = tpu.memref_slice %arg4[%select_n3A, %add3A_58, %dma_wait3A_61] : memref<4x4096x512xf32, #tpu.memory_space<hbm>> -> memref<1x32x512xf32, #tpu.memory_space<hbm>>
    %dma_wait3A_63 = tpu.memref_squeeze %dma_wait3A_62 : memref<1x32x512xf32, #tpu.memory_space<hbm>> -> memref<32x512xf32, #tpu.memory_space<hbm>>
    tpu.wait_dma2 semaphore(%arg14 : memref<!tpu.dma_semaphore, #tpu.memory_space<semaphore_mem>>) src(%arg6 : memref<32x512xf32, #tpu.memory_space<vmem>>) dst(%dma_wait3A_63 : memref<32x512xf32, #tpu.memory_space<hbm>>)
    %add3A_64 = arith.constant 416 : i32
    %add3A_65 = arith.addi %mul3A_32, %add3A_64 : i32
    %dma_wait3A_66 = arith.constant 0 : i32
    %dma_wait3A_67 = tpu.memref_slice %arg4[%select_n3A, %add3A_65, %dma_wait3A_66] : memref<4x4096x512xf32, #tpu.memory_space<hbm>> -> memref<1x32x512xf32, #tpu.memory_space<hbm>>
    %dma_wait3A_68 = tpu.memref_squeeze %dma_wait3A_67 : memref<1x32x512xf32, #tpu.memory_space<hbm>> -> memref<32x512xf32, #tpu.memory_space<hbm>>
    %dma_wait3A_69 = arith.constant 0 : i32
    %dma_wait3A_70 = tpu.memref_slice %arg4[%select_n3A, %add3A_65, %dma_wait3A_69] : memref<4x4096x512xf32, #tpu.memory_space<hbm>> -> memref<1x32x512xf32, #tpu.memory_space<hbm>>
    %dma_wait3A_71 = tpu.memref_squeeze %dma_wait3A_70 : memref<1x32x512xf32, #tpu.memory_space<hbm>> -> memref<32x512xf32, #tpu.memory_space<hbm>>
    tpu.wait_dma2 semaphore(%arg15 : memref<!tpu.dma_semaphore, #tpu.memory_space<semaphore_mem>>) src(%arg7 : memref<32x512xf32, #tpu.memory_space<vmem>>) dst(%dma_wait3A_71 : memref<32x512xf32, #tpu.memory_space<hbm>>)
    %add3A_72 = arith.constant 448 : i32
    %add3A_73 = arith.addi %mul3A_32, %add3A_72 : i32
    %dma_wait3A_74 = arith.constant 0 : i32
    %dma_wait3A_75 = tpu.memref_slice %arg4[%select_n3A, %add3A_73, %dma_wait3A_74] : memref<4x4096x512xf32, #tpu.memory_space<hbm>> -> memref<1x32x512xf32, #tpu.memory_space<hbm>>
    %dma_wait3A_76 = tpu.memref_squeeze %dma_wait3A_75 : memref<1x32x512xf32, #tpu.memory_space<hbm>> -> memref<32x512xf32, #tpu.memory_space<hbm>>
    %dma_wait3A_77 = arith.constant 0 : i32
    %dma_wait3A_78 = tpu.memref_slice %arg4[%select_n3A, %add3A_73, %dma_wait3A_77] : memref<4x4096x512xf32, #tpu.memory_space<hbm>> -> memref<1x32x512xf32, #tpu.memory_space<hbm>>
    %dma_wait3A_79 = tpu.memref_squeeze %dma_wait3A_78 : memref<1x32x512xf32, #tpu.memory_space<hbm>> -> memref<32x512xf32, #tpu.memory_space<hbm>>
    tpu.wait_dma2 semaphore(%arg16 : memref<!tpu.dma_semaphore, #tpu.memory_space<semaphore_mem>>) src(%arg8 : memref<32x512xf32, #tpu.memory_space<vmem>>) dst(%dma_wait3A_79 : memref<32x512xf32, #tpu.memory_space<hbm>>)
    %add3A_80 = arith.constant 480 : i32
    %add3A_81 = arith.addi %mul3A_32, %add3A_80 : i32
    %dma_wait3A_82 = arith.constant 0 : i32
    %dma_wait3A_83 = tpu.memref_slice %arg4[%select_n3A, %add3A_81, %dma_wait3A_82] : memref<4x4096x512xf32, #tpu.memory_space<hbm>> -> memref<1x32x512xf32, #tpu.memory_space<hbm>>
    %dma_wait3A_84 = tpu.memref_squeeze %dma_wait3A_83 : memref<1x32x512xf32, #tpu.memory_space<hbm>> -> memref<32x512xf32, #tpu.memory_space<hbm>>
    %dma_wait3A_85 = arith.constant 0 : i32
    %dma_wait3A_86 = tpu.memref_slice %arg4[%select_n3A, %add3A_81, %dma_wait3A_85] : memref<4x4096x512xf32, #tpu.memory_space<hbm>> -> memref<1x32x512xf32, #tpu.memory_space<hbm>>
    %dma_wait3A_87 = tpu.memref_squeeze %dma_wait3A_86 : memref<1x32x512xf32, #tpu.memory_space<hbm>> -> memref<32x512xf32, #tpu.memory_space<hbm>>
    tpu.wait_dma2 semaphore(%arg17 : memref<!tpu.dma_semaphore, #tpu.memory_space<semaphore_mem>>) src(%arg9 : memref<32x512xf32, #tpu.memory_space<vmem>>) dst(%dma_wait3A_87 : memref<32x512xf32, #tpu.memory_space<hbm>>)
    return
  }
}

</mosaic_0001>

<sc_bundles>
// kernel: kernel.3.cloned.1.call-start
scs
__scs_entry_jumppad:
0x0: {  	(pc) =	sbr.rel $0x88, $3  }
0x1: {  	(tag) =	ssettag $0x0;
	lr =	simm.s32 $0x1  }
0x2: {  	[smem:$0x3F9F] =	sst lr;
	_ =	strace $0xD0000000  }
0x3: {  	_ = 	snop  }
0x4: {  	_ = 	snop  }
0x5: {  	_ = 	snop  }
0x6: {  	_ = 	snop  }
0x7: {  	_ = 	snop  }
__scs_overlays_trampoline_lowered:
0x8: {  	[smem:$0x3FAE] =	sst s0  }
0x9: {  	[smem:$0x3FAF] =	sst s1  }
0xa: {  	[smem:$0x3FB0] =	sst s2  }
0xb: {  	[smem:$0x3FB1] =	sst s3  }
0xc: {  	[smem:$0x3FB2] =	sst s4  }
0xd: {  	[smem:$0x3FB3] =	sst s5  }
0xe: {  	[smem:$0x3FB4] =	sst s6  }
0xf: {  	[smem:$0x3FB5] =	sst s7  }
0x10: {  	[smem:$0x3FB6] =	sst s8  }
0x11: {  	[smem:$0x3FB7] =	sst s9;
	s0 =	simm.s32 @!p0 $0x0  }
0x12: {  	s1 =	sld [smem:$0x3F9D];
	s0 =	simm.s32 @p0 $0x1  }
0x13: {  	[smem:$0x3FB8] =	sst s0;
	s0 =	simm.s32 @!p1 $0x0  }
0x14: {  	s2 =	sld [smem:$0x3F9C];
	s0 =	simm.s32 @p1 $0x1  }
0x15: {  	[smem:$0x3FB9] =	sst s0;
	s0 =	simm.s32 @!p2 $0x0  }
0x16: {  	s3 =	sld [smem:$0x3FDB];
	s0 =	simm.s32 @p2 $0x1  }
0x17: {  	s4 =	simm.s32 $0x1BF5;
	[smem:$0x3FBB] =	sst s0  }
0x18: {  	s0 =	sld [smem:$0x3F9E];
	_ =	swait.ge [sflag:s4], $0x0  }
0x19: {  	s7 =	sld [smem:$0x3F9F]  }
0x1a: {  	s8 =	sadd.s32 $0xFFFFE003, lr  }
0x1b: {  	s9 =	sadd.s32 $0xFFFFFEF7, lr;
	s5 =	simm.s32 $0xFFFFFFFF;
	p2 =	slt.u32 s8, $0xFFFFF086  }
0x1c: {  	p1 =	slt.u32 s9, $0xF7A;
	s5 =	simm.s32 @!p2 $0x0  }
0x1d: {  	s5 =	simm.s32 @p1 $0x1;
	p0 =	seq.s32 s7, s2  }
0x1e: {  	s7 =	smul.u32 @!p0 $0xF7A, s2;
	p2 =	seq.s32 @!p0 s5, $0x0  }
0x1f: {  	s9 =	smul.u32 $0xF7A, s1;
	s8 =	simm.s32 @!p0 $0x1BF5;
	p2 =	por !p2, p0  }
0x20: {  	[sflag:s8] =	ssyncset.s32 @!p0 $0xFFFFF086;
	s6 =	sadd.s32 @!p0 s3, s7;
	s7 =	simm.s32 @!p0 $0x108  }
0x21: {  	s3 =	sadd.s32 s3, s9;
	s6 =	sadd.s32 @!p0 $0x88, s6;
	s7 =	simm.s32 @p2 $0x1082  }
0x22: {  	[simem:s7], [sflag:s8] =	dma.local @!p0 [hbm:s6], $0xF7A  }
0x23: {  	s9 =	sor.u32 $0xD0000000, s2;
	s6 =	simm.s32 $0x108;
	_ =	swait.ge @!p0 [sflag:s8], $0x0  }
0x24: {  	s3 =	sadd.s32 $0x88, s3;
	s6 =	simm.s32 @!p1 $0x1082;
	[sflag:s4] =	ssyncset.s32 $0xFFFFF086  }
0x25: {  	[simem:s6], [sflag:s4] =	dma.local [hbm:s3], $0xF7A  }
0x26: {  	[smem:$0x3F9F] =	sst s1;
	(tag) =	ssettag s2;
	_ =	strace s9  }
0x27: {  	s1 =	sld [smem:$0x3FAF]  }
0x28: {  	s2 =	sld [smem:$0x3FB0]  }
0x29: {  	s4 =	sld [smem:$0x3FB2]  }
0x2a: {  	p0 =	seq.s32 s5, $0x0;
	s5 =	sld [smem:$0x3FB3]  }
0x2b: {  	s6 =	sld [smem:$0x3FB4]  }
0x2c: {  	s7 =	sld [smem:$0x3FB5]  }
0x2d: {  	s3 =	simm.s32 $0x108;
	s8 =	sld [smem:$0x3FB6]  }
0x2e: {  	s3 =	simm.s32 @!p0 $0x1082;
	s9 =	sld [smem:$0x3FB7]  }
0x2f: {  	lr =	sadd.s32 s0, s3;
	s0 =	sld [smem:$0x3FAE]  }
0x30: {  	s3 =	sld [smem:$0x3FB1]  }
0x31: {  	[smem:$0x3FBA] =	sst s10  }
0x32: {  	s10 =	sld [smem:$0x3FB8];
	_ =	sdelay $0x3  }
0x33: {  	p0 =	seq.s32 s10, $0x1;
	s10 =	sld [smem:$0x3FBA];
	_ =	sdelay $0x3  }
0x34: {  	[smem:$0x3FBA] =	sst s10  }
0x35: {  	s10 =	sld [smem:$0x3FB9];
	_ =	sdelay $0x3  }
0x36: {  	p1 =	seq.s32 s10, $0x1;
	s10 =	sld [smem:$0x3FBA];
	_ =	sdelay $0x3  }
0x37: {  	[smem:$0x3FBA] =	sst s10  }
0x38: {  	s10 =	sld [smem:$0x3FBB]  }
0x39: {  	_ = 	snop;
	(pc) =	sbr.ind lr, $3  }
0x3a: {  	_ = 	snop  }
0x3b: {  	_ = 	snop  }
0x3c: {  	p2 =	seq.s32 s10, $0x1;
	s10 =	sld [smem:$0x3FBA]  }
0x3d: {  	_ =	shalt  }
0x3e: {  	_ =	shalt  }
0x3f: {  	_ =	shalt  }
0x40: {  	_ =	shalt  }
0x41: {  	_ =	shalt  }
0x42: {  	_ =	shalt  }
0x43: {  	_ =	shalt  }
0x44: {  	_ =	shalt  }
0x45: {  	_ =	shalt  }
0x46: {  	_ =	shalt  }
0x47: {  	_ =	shalt  }
0x48: {  	_ =	shalt  }
0x49: {  	_ =	shalt  }
0x4a: {  	_ =	shalt  }
0x4b: {  	_ =	shalt  }
0x4c: {  	_ =	shalt  }
0x4d: {  	_ =	shalt  }
0x4e: {  	_ =	shalt  }
0x4f: {  	_ =	shalt  }
0x50: {  	_ =	shalt  }
0x51: {  	_ =	shalt  }
0x52: {  	_ =	shalt  }
0x53: {  	_ =	shalt  }
0x54: {  	_ =	shalt  }
0x55: {  	_ =	shalt  }
0x56: {  	_ =	shalt  }
0x57: {  	_ =	shalt  }
0x58: {  	_ =	shalt  }
0x59: {  	_ =	shalt  }
0x5a: {  	_ =	shalt  }
0x5b: {  	_ =	shalt  }
0x5c: {  	_ =	shalt  }
0x5d: {  	_ =	shalt  }
0x5e: {  	_ =	shalt  }
0x5f: {  	_ =	shalt  }
0x60: {  	_ =	shalt  }
0x61: {  	_ =	shalt  }
0x62: {  	_ =	shalt  }
0x63: {  	_ =	shalt  }
0x64: {  	_ =	shalt  }
0x65: {  	_ =	shalt  }
0x66: {  	_ =	shalt  }
0x67: {  	_ =	shalt  }
0x68: {  	_ =	shalt  }
0x69: {  	_ =	shalt  }
0x6a: {  	_ =	shalt  }
0x6b: {  	_ =	shalt  }
0x6c: {  	_ =	shalt  }
0x6d: {  	_ =	shalt  }
0x6e: {  	_ =	shalt  }
0x6f: {  	_ =	shalt  }
0x70: {  	_ =	shalt  }
0x71: {  	_ =	shalt  }
0x72: {  	_ =	shalt  }
0x73: {  	_ =	shalt  }
0x74: {  	_ =	shalt  }
0x75: {  	_ =	shalt  }
0x76: {  	_ =	shalt  }
0x77: {  	_ =	shalt  }
0x78: {  	_ =	shalt  }
0x79: {  	_ =	shalt  }
0x7a: {  	_ =	shalt  }
0x7b: {  	_ =	shalt  }
0x7c: {  	_ =	shalt  }
0x7d: {  	_ =	shalt  }
0x7e: {  	_ =	shalt  }
0x7f: {  	_ =	shalt  }
0x80: {  	_ =	shalt  }
0x81: {  	_ =	shalt  }
0x82: {  	_ =	shalt  }
0x83: {  	_ =	shalt  }
0x84: {  	_ =	shalt  }
0x85: {  	_ =	shalt  }
0x86: {  	_ =	shalt  }
0x87: {  	_ =	shalt  }
.Lfunc_end0:
.L_simem_size_0:
called_computation_lowered:
.L_overlay_start_0:
0x88: {  	s2 =	sld [smem:$0x3FD9]  }
0x89: {  	s3 =	sld [smem:$0x3FFE];
	_ =	sdelay $0x1  }
0x8a: {  	s1 =	srdreg.scid  }
0x8b: {  	s0 =	sand.u32 $0x1, s1  }
0x8c: {  	s18 =	sshll.u32 s0, $0xA;
	s2 =	sadd.s32 s3, s2  }
0x8d: {  	s2 =	sadd.s32 s2, s18  }
0x8e: {  	[smem:$0x3FC6] =	sst s2  }
0x8f: {  	_ = 	snop  }
0x90: {  	s2 =	sld [smem:$0x3FC9]  }
0x91: {  	s19 =	sld [smem:$0x3FC8]  }
0x92: {  	s4 =	sld [smem:$0x3FD0];
	(tm) =	ssettm $0x1  }
0x93: {  	s5 =	sld [smem:$0x3FFB];
	_ =	sdelay $0x3  }
0x94: {  	_ =	strace s5  }
0x95: {  	s5 =	sld [smem:$0x3FFC];
	_ =	sdelay $0x3  }
0x96: {  	_ =	strace s5  }
0x97: {  	s5 =	sld [smem:$0x3FFD];
	_ =	sdelay $0x3  }
0x98: {  	_ =	strace s5  }
0x99: {  	_ =	strace $0x8FFFFFFF  }
0x9a: {  	s20 =	sld [smem:$0x3FDB];
	_ =	sdelay $0x1  }
0x9b: {  	s6 =	simm.s32 $_scs_section_size  }
0x9c: {  	s7 =	simm.s32 $_size__tile_overlayer_lowered;
	s8 =	simm.s32 $_tile_overlayer_lowered  }
0x9d: {  	s23 =	simm.s32 $0x1BFF;
	s22 =	sshll.u32 s8, $0x1;
	s5 =	sadd.s32 s6, s20  }
0x9e: {  	s9 =	simm.s32 $0x0;
	s21 =	sshll.u32 s7, $0x1;
	s7 =	sadd.s32 s22, s5  }
0x9f: {  	[timem:s9], [sflag:s23] =	dma.local [hbm:s7], s21  }
0xa0: {  	_ =	swait.ge [sflag:s23], s21  }
0xa1: {  	s6 =	ssub.s32 $0x0, s21;
	[sflag:s23] =	ssyncset.done $0x0  }
0xa2: {  	[sflag:s23] =	ssyncadd.s32 s6;
	_ =	sdelay $0x1  }
0xa3: {  	s24 =	simm.s32 $0x1B8B  }
0xa4: {  	_ =	swait.ge [sflag:s24], $0x1  }
0xa5: {  	[sflag:s24] =	ssyncset.done $0x0  }
0xa6: {  	s25 =	simm.s32 $0x1B8E;
	[sflag:s24] =	ssyncadd.s32 $0xFFFFFFFF  }
0xa7: {  	s26 =	simm.s32 $execute0_lowered;
	[smem:$0x3FD2] =	sst s25  }
0xa8: {  	s6 =	sshll.u32 s26, $0x1;
	_ =	strace $0x80000046;
	[dreg:$0x1] =	wrdreg $0xFFFFFFFF  }
0xa9: {  	s28 =	simm.s32 $_size_execute0_lowered;
	s5 =	sadd.s32 s5, s6;
	[dreg:$0x0] =	wrdreg $0x0  }
0xaa: {  	s6 =	sshll.u32 s28, $0x1;
	[dreg:$0x2] =	wrdreg s5  }
0xab: {  	[dreg:$0x3] =	wrdreg s6  }
0xac: {  	[dreg:$0x4] =	wrdreg $0xC0  }
0xad: {  	_ =	task [dreg:s9], $0x5FFFF  }
0xae: {  	[dreg:$0x1] =	wrdreg $0xFFFFFFFF  }
0xaf: {  	[dreg:$0x0] =	wrdreg $0x60  }
0xb0: {  	[dreg:$0x2] =	wrdreg s2  }
0xb1: {  	[dreg:$0x3] =	wrdreg s19  }
0xb2: {  	[dreg:$0x4] =	wrdreg s4  }
0xb3: {  	[dreg:$0x5] =	wrdreg $0x9  }
0xb4: {  	_ =	task.clear_ibuf [dreg:s9], $0x6FFFF;
	_ =	strace $0x90000046  }
0xb5: {  	s29 =	simm.s32 $0x9;
	_ =	strace $0x80000048  }
0xb6: {  	_ =	swait.ge [sflag:s29], $0x1  }
0xb7: {  	[sflag:s29] =	ssyncadd.s32 $0xFFFFFFFF  }
0xb8: {  	_ =	strace $0x90000048  }
0xb9: {  	_ =	sfence  }
0xba: {  	s30 =	sld [smem:$0x0];
	_ =	sdelay $0x2  }
0xbb: {  	s31 =	sshll.u32 s1, $0xD;
	s1 =	sshrl.u32 s1, $0x2  }
0xbc: {  	s3 =	sand.u32 $0x4000, s31;
	s1 =	sadd.s32 s1, s30  }
0xbd: {  	s0 =	sor.u32 s3, s0;
	s1 =	sshll.u32 s1, $0x11  }
0xbe: {  	s0 =	sor.u32 s1, s0  }
0xbf: {  	s0 =	sadd.s32 $0x8F2B, s0  }
0xc0: {  	[sflag:s0] =	ssyncadd.remote.s32 $0x1  }
0xc1: {  	_ =	sfence.sel $0xFFFF  }
0xc2: {  	[dreg:$0x0] =	wrdreg $0xFFFFFFFF;
	(pc) =	sbr.abs _section_cstart, $3  }
0xc3: {  	[dreg:$0x1] =	wrdreg $0xFFFFFFFF  }
0xc4: {  	_ =	task.clear_ibuf [dreg:s9], $0x2FFFF;
	_ =	strace $0x9FFFFFFF  }
0xc5: {  	(tm) =	ssettm $0x7FFFFFFF  }
tec
execute0_lowered:
.L_overlay_start_1:
0x0: {  	(tag) =	ssettag $0x1  }
0x1: {  	s0 =	rddreg [dreg:$0x0]  }
0x2: {  	s1 =	rddreg [dreg:$0x1]  }
0x3: {  	s2 =	rddreg [dreg:$0x2];
	s4 =	simm.s32 $0x0;
	s3 =	srdreg.scid  }
0x4: {  	s8 =	stileid.u32;
	s12 =	simm.s32 $0x200;
	s21 =	simm.s32 $0x4200  }
0x5: {  	s30 =	simm.s32 $0x8200;
	s11 =	simm.s32 $0xA200;
	s14 =	simm.s32 $0xAA00  }
0x6: {  	s15 =	simm.s32 $0xB200;
	s16 =	simm.s32 $0xBA00;
	s17 =	simm.s32 $0xC200  }
0x7: {  	s28 =	simm.s32 $0x2;
	s29 =	simm.s32 $0x3;
	s18 =	simm.s32 $0x4  }
0x8: {  	s22 =	simm.s32 $0x7;
	s13 =	simm.s32 $0x0;
	[smem:$0x7FF] =	sst s4  }
0x9: {  	s3 =	sand.u32 $0x1, s3;
	s6 =	sshll.u32 s8, $0x1;
	s8 =	sshrl.u32 s8, $0x2  }
0xa: {  	_ =	strace $0x80000047;
	s5 =	ssub.s32 $0x2, s3;
	s6 =	sand.u32 $0x6, s6  }
0xb: {  	s26 =	sshll.u32 s8, $0x4;
	s8 =	sshll.u32 s8, $0x15;
	s7 =	sshrl.u32 s5, $0x1  }
.Ltmp0:
0xc: {  	s3 =	sor.u32 s3, s6;
	s0 =	sadd.s32 s0, s26;
	(pc) =	sbr.rel .LBB2_1-.Ltmp0, $4  }
0xd: {  	s10 =	ssub.s32 s5, s7;
	s5 =	sshll.u32 s3, $0x12;
	s3 =	sshll.u32 s3, $0x8  }
0xe: {  	v2 =	vlaneseq.u32;
	s26 =	simm.s32 $0x1;
	s7 =	sadd.s32 $0x100, s1;
	s0 =	sadd.s32 s3, s0  }
0xf: {  	vm0 =	vmmov $0xffff;
	v1 =	vshrl.u32 v2, $0x3;
	s9 =	sor.u32 s8, s5;
	s31 =	smax.u32 s10, $0x1;
	[dreg:$0x4] =	wrdreg s0  }
0x10: {  	v0 =	vand.u32 $0x7, v2;
	v2 =	vor.u32 $0x8, v2;
	v1 =	vmul.u32 $0x8, v1;
	s3 =	simm.s32 $0x9A00;
	[dreg:$0x5] =	wrdreg s31;
	s0 =	simm.s32 $0x9200  }
.LBB2_12:
0x11: {  	s6 =	simm.s32 $0x5  }
0x12: {  	_ =	swait.ge [sflag:s6], $0x4000  }
0x13: {  	[sflag:s6] =	ssyncset.done $0x0  }
0x14: {  	s25 =	simm.s32 $0x6;
	[sflag:s6] =	ssyncadd.s32 $0xFFFFC000  }
0x15: {  	_ =	swait.ge [sflag:s25], $0x4000  }
0x16: {  	[sflag:s25] =	ssyncset.done $0x0  }
0x17: {  	[sflag:s25] =	ssyncadd.s32 $0xFFFFC000  }
0x18: {  	_ =	swait.ge [sflag:s22], $0x4000  }
0x19: {  	[sflag:s22] =	ssyncset.done $0x0  }
0x1a: {  	s10 =	simm.s32 $0x8;
	[sflag:s22] =	ssyncadd.s32 $0xFFFFC000  }
0x1b: {  	_ =	swait.ge [sflag:s10], $0x4000  }
0x1c: {  	s13 =	rddreg [dreg:$0x6]  }
0x1d: {  	s31 =	rddreg [dreg:$0x5];
	s13 =	sadd.s32 $0x1, s13  }
0x1e: {  	p0 =	sne.s32 s13, s31  }
.Ltmp1:
0x1f: {  	_ = 	snop;
	(pc) =	sbr.rel @!p0 .LBB2_13-.Ltmp1, $3  }
0x20: {  	_ =	sdelay $0x1  }
0x21: {  	[sflag:s10] =	ssyncset.done $0x0  }
0x22: {  	[sflag:s10] =	ssyncadd.s32 $0xFFFFC000  }
.LBB2_1:
0x23: {  	[dreg:$0x6] =	wrdreg s13  }
0x24: {  	s6 =	rddreg [dreg:$0x4];
	s10 =	simm.s32 $0x80;
	s13 =	simm.s32 $0x9  }
0x25: {  	[tilespmem:s4], [sflag:$0x9] =	stream.strided.gather [hbm4b:s6+s10], $0x200, s12, s10, $0x38;
	[tilespmem:$0x10200] =	vst v63  }
0x26: {  	_ =	swait.ge [sflag:s13], $0x200  }
0x27: {  	[sflag:s13] =	ssyncset.done $0x0  }
0x28: {  	[sflag:s13] =	ssyncadd.s32 $0xFFFFFE00  }
0x29: {  	v3 =	vld [tilespmem:$0x0];
	_ =	sdelay $0x4  }
0x2a: {  	v4 =	vshll.u32 v3, $0x2  }
0x2b: {  	v3 =	vand.u32 $0x7, v3;
	v4 =	vand.u32 $0xFFFFFFE0, v4  }
0x2c: {  	v3 =	vor.u32 v3, v4  }
0x2d: {  	v4 =	vperm.xlane v3, v0;
	_ =	sdelay $0x1  }
0x2e: {  	v4 =	vadd.s32 v1, v4;
	_ =	sdelay $0x1  }
0x2f: {  	v3 =	vperm.xlane v3, v2;
	_ =	sdelay $0x1  }
0x30: {  	v3 =	vadd.s32 v1, v3  }
0x31: {  	[tilespmem:s12], [sflag:$0x1] =	stream.indirect_vreg.gather [hbm4b:s1+s4], $0x80, v4, vm0, $0xb8;
	[tilespmem:$0x10200] =	vst v63  }
0x32: {  	s19 =	simm.s32 $0xA00  }
0x33: {  	[tilespmem:s19], [sflag:$0x1] =	stream.indirect_vreg.gather [hbm4b:s7+s4], $0x80, v4, vm0, $0xb8;
	[tilespmem:$0x10200] =	vst v63  }
0x34: {  	s20 =	simm.s32 $0x1200  }
0x35: {  	[tilespmem:s20], [sflag:$0x1] =	stream.indirect_vreg.gather [hbm4b:s1+s4], $0x80, v3, vm0, $0xb8;
	[tilespmem:$0x10200] =	vst v63  }
0x36: {  	s23 =	simm.s32 $0x1A00  }
0x37: {  	[tilespmem:s23], [sflag:$0x1] =	stream.indirect_vreg.gather [hbm4b:s7+s4], $0x80, v3, vm0, $0xb8;
	[tilespmem:$0x10200] =	vst v63  }
0x38: {  	v3 =	vld [tilespmem:$0x10];
	_ =	sdelay $0x4  }
0x39: {  	v57 =	vshll.u32 v3, $0x2  }
0x3a: {  	v3 =	vand.u32 $0x7, v3;
	v4 =	vand.u32 $0xFFFFFFE0, v57  }
0x3b: {  	v3 =	vor.u32 v3, v4  }
0x3c: {  	v4 =	vperm.xlane v3, v0;
	_ =	sdelay $0x1  }
0x3d: {  	v4 =	vadd.s32 v1, v4;
	_ =	sdelay $0x1  }
0x3e: {  	v3 =	vperm.xlane v3, v2;
	_ =	sdelay $0x1  }
0x3f: {  	s24 =	simm.s32 $0x2200;
	v3 =	vadd.s32 v1, v3  }
0x40: {  	[tilespmem:s24], [sflag:$0x1] =	stream.indirect_vreg.gather [hbm4b:s1+s4], $0x80, v4, vm0, $0xb8;
	[tilespmem:$0x10200] =	vst v63  }
0x41: {  	s25 =	simm.s32 $0x2A00  }
0x42: {  	[tilespmem:s25], [sflag:$0x1] =	stream.indirect_vreg.gather [hbm4b:s7+s4], $0x80, v4, vm0, $0xb8;
	[tilespmem:$0x10200] =	vst v63  }
0x43: {  	s31 =	simm.s32 $0x3200  }
0x44: {  	[tilespmem:s31], [sflag:$0x1] =	stream.indirect_vreg.gather [hbm4b:s1+s4], $0x80, v3, vm0, $0xb8;
	[tilespmem:$0x10200] =	vst v63  }
0x45: {  	s10 =	simm.s32 $0x3A00  }
0x46: {  	[tilespmem:s10], [sflag:$0x1] =	stream.indirect_vreg.gather [hbm4b:s7+s4], $0x80, v3, vm0, $0xb8;
	[tilespmem:$0x10200] =	vst v63  }
0x47: {  	v3 =	vld [tilespmem:$0x20];
	_ =	sdelay $0x4  }
0x48: {  	v58 =	vshll.u32 v3, $0x2  }
0x49: {  	v3 =	vand.u32 $0x7, v3;
	v4 =	vand.u32 $0xFFFFFFE0, v58  }
0x4a: {  	v3 =	vor.u32 v3, v4  }
0x4b: {  	v4 =	vperm.xlane v3, v0;
	_ =	sdelay $0x1  }
0x4c: {  	v4 =	vadd.s32 v1, v4;
	_ =	sdelay $0x1  }
0x4d: {  	v3 =	vperm.xlane v3, v2;
	_ =	sdelay $0x1  }
0x4e: {  	v3 =	vadd.s32 v1, v3  }
0x4f: {  	[tilespmem:s21], [sflag:$0x2] =	stream.indirect_vreg.gather [hbm4b:s1+s4], $0x80, v4, vm0, $0xb8;
	[tilespmem:$0x10200] =	vst v63  }
0x50: {  	s13 =	simm.s32 $0x4A00  }
0x51: {  	[tilespmem:s13], [sflag:$0x2] =	stream.indirect_vreg.gather [hbm4b:s7+s4], $0x80, v4, vm0, $0xb8;
	[tilespmem:$0x10200] =	vst v63  }
0x52: {  	s19 =	simm.s32 $0x5200  }
0x53: {  	[tilespmem:s19], [sflag:$0x2] =	stream.indirect_vreg.gather [hbm4b:s1+s4], $0x80, v3, vm0, $0xb8;
	[tilespmem:$0x10200] =	vst v63  }
0x54: {  	s20 =	simm.s32 $0x5A00  }
0x55: {  	[tilespmem:s20], [sflag:$0x2] =	stream.indirect_vreg.gather [hbm4b:s7+s4], $0x80, v3, vm0, $0xb8;
	[tilespmem:$0x10200] =	vst v63  }
0x56: {  	v3 =	vld [tilespmem:$0x30];
	_ =	sdelay $0x4  }
0x57: {  	v59 =	vshll.u32 v3, $0x2  }
0x58: {  	v3 =	vand.u32 $0x7, v3;
	v4 =	vand.u32 $0xFFFFFFE0, v59  }
0x59: {  	v3 =	vor.u32 v3, v4  }
0x5a: {  	v4 =	vperm.xlane v3, v0;
	_ =	sdelay $0x1  }
0x5b: {  	v4 =	vadd.s32 v1, v4;
	_ =	sdelay $0x1  }
0x5c: {  	v3 =	vperm.xlane v3, v2;
	_ =	sdelay $0x1  }
0x5d: {  	s23 =	simm.s32 $0x6200;
	v3 =	vadd.s32 v1, v3  }
0x5e: {  	[tilespmem:s23], [sflag:$0x2] =	stream.indirect_vreg.gather [hbm4b:s1+s4], $0x80, v4, vm0, $0xb8;
	[tilespmem:$0x10200] =	vst v63  }
0x5f: {  	s24 =	simm.s32 $0x6A00  }
0x60: {  	[tilespmem:s24], [sflag:$0x2] =	stream.indirect_vreg.gather [hbm4b:s7+s4], $0x80, v4, vm0, $0xb8;
	[tilespmem:$0x10200] =	vst v63  }
0x61: {  	s25 =	simm.s32 $0x7200  }
0x62: {  	[tilespmem:s25], [sflag:$0x2] =	stream.indirect_vreg.gather [hbm4b:s1+s4], $0x80, v3, vm0, $0xb8;
	[tilespmem:$0x10200] =	vst v63  }
0x63: {  	s31 =	simm.s32 $0x7A00  }
0x64: {  	[tilespmem:s31], [sflag:$0x2] =	stream.indirect_vreg.gather [hbm4b:s7+s4], $0x80, v3, vm0, $0xb8;
	[tilespmem:$0x10200] =	vst v63  }
0x65: {  	v3 =	vld [tilespmem:$0x40];
	_ =	sdelay $0x4  }
0x66: {  	v60 =	vshll.u32 v3, $0x2  }
0x67: {  	v3 =	vand.u32 $0x7, v3;
	v4 =	vand.u32 $0xFFFFFFE0, v60  }
0x68: {  	v3 =	vor.u32 v3, v4  }
0x69: {  	v4 =	vperm.xlane v3, v0;
	_ =	sdelay $0x1  }
0x6a: {  	v4 =	vadd.s32 v1, v4;
	_ =	sdelay $0x1  }
0x6b: {  	v3 =	vperm.xlane v3, v2;
	_ =	sdelay $0x1  }
0x6c: {  	v3 =	vadd.s32 v1, v3  }
0x6d: {  	[tilespmem:s30], [sflag:$0x3] =	stream.indirect_vreg.gather [hbm4b:s1+s4], $0x80, v4, vm0, $0xb8;
	[tilespmem:$0x10200] =	vst v63  }
0x6e: {  	s10 =	simm.s32 $0x8A00  }
0x6f: {  	[tilespmem:s10], [sflag:$0x3] =	stream.indirect_vreg.gather [hbm4b:s7+s4], $0x80, v4, vm0, $0xb8;
	[tilespmem:$0x10200] =	vst v63  }
0x70: {  	_ = 	snop  }
0x71: {  	[tilespmem:s0], [sflag:$0x3] =	stream.indirect_vreg.gather [hbm4b:s1+s4], $0x80, v3, vm0, $0xb8;
	[tilespmem:$0x10200] =	vst v63  }
0x72: {  	_ = 	snop  }
0x73: {  	[tilespmem:s3], [sflag:$0x3] =	stream.indirect_vreg.gather [hbm4b:s7+s4], $0x80, v3, vm0, $0xb8;
	[tilespmem:$0x10200] =	vst v63  }
0x74: {  	v3 =	vld [tilespmem:$0x50];
	_ =	sdelay $0x4  }
0x75: {  	v61 =	vshll.u32 v3, $0x2  }
0x76: {  	v3 =	vand.u32 $0x7, v3;
	v4 =	vand.u32 $0xFFFFFFE0, v61  }
0x77: {  	v3 =	vor.u32 v3, v4  }
0x78: {  	v4 =	vperm.xlane v3, v0;
	_ =	sdelay $0x1  }
0x79: {  	v4 =	vadd.s32 v1, v4;
	_ =	sdelay $0x1  }
0x7a: {  	v3 =	vperm.xlane v3, v2;
	_ =	sdelay $0x1  }
0x7b: {  	v3 =	vadd.s32 v1, v3  }
0x7c: {  	[tilespmem:s11], [sflag:$0x3] =	stream.indirect_vreg.gather [hbm4b:s1+s4], $0x80, v4, vm0, $0xb8;
	[tilespmem:$0x10200] =	vst v63  }
0x7d: {  	_ = 	snop  }
0x7e: {  	[tilespmem:s14], [sflag:$0x3] =	stream.indirect_vreg.gather [hbm4b:s7+s4], $0x80, v4, vm0, $0xb8;
	[tilespmem:$0x10200] =	vst v63  }
0x7f: {  	_ = 	snop  }
0x80: {  	[tilespmem:s15], [sflag:$0x3] =	stream.indirect_vreg.gather [hbm4b:s1+s4], $0x80, v3, vm0, $0xb8;
	[tilespmem:$0x10200] =	vst v63  }
0x81: {  	_ = 	snop  }
0x82: {  	[tilespmem:s16], [sflag:$0x3] =	stream.indirect_vreg.gather [hbm4b:s7+s4], $0x80, v3, vm0, $0xb8;
	[tilespmem:$0x10200] =	vst v63  }
0x83: {  	v3 =	vld [tilespmem:$0x60];
	_ =	sdelay $0x4  }
0x84: {  	v62 =	vshll.u32 v3, $0x2  }
0x85: {  	v3 =	vand.u32 $0x7, v3;
	v4 =	vand.u32 $0xFFFFFFE0, v62  }
0x86: {  	v3 =	vor.u32 v3, v4  }
0x87: {  	v4 =	vperm.xlane v3, v0;
	_ =	sdelay $0x1  }
0x88: {  	v4 =	vadd.s32 v1, v4;
	_ =	sdelay $0x1  }
0x89: {  	v3 =	vperm.xlane v3, v2;
	_ =	sdelay $0x1  }
0x8a: {  	v3 =	vadd.s32 v1, v3  }
0x8b: {  	[tilespmem:s17], [sflag:$0x4] =	stream.indirect_vreg.gather [hbm4b:s1+s4], $0x80, v4, vm0, $0xb8;
	[tilespmem:$0x10200] =	vst v63  }
0x8c: {  	s13 =	simm.s32 $0xCA00  }
0x8d: {  	[tilespmem:s13], [sflag:$0x4] =	stream.indirect_vreg.gather [hbm4b:s7+s4], $0x80, v4, vm0, $0xb8;
	[tilespmem:$0x10200] =	vst v63  }
0x8e: {  	s19 =	simm.s32 $0xD200  }
0x8f: {  	[tilespmem:s19], [sflag:$0x4] =	stream.indirect_vreg.gather [hbm4b:s1+s4], $0x80, v3, vm0, $0xb8;
	[tilespmem:$0x10200] =	vst v63  }
0x90: {  	s20 =	simm.s32 $0xDA00  }
0x91: {  	[tilespmem:s20], [sflag:$0x4] =	stream.indirect_vreg.gather [hbm4b:s7+s4], $0x80, v3, vm0, $0xb8;
	[tilespmem:$0x10200] =	vst v63  }
0x92: {  	v3 =	vld [tilespmem:$0x70];
	_ =	sdelay $0x4  }
0x93: {  	v63 =	vshll.u32 v3, $0x2  }
0x94: {  	v3 =	vand.u32 $0x7, v3;
	v4 =	vand.u32 $0xFFFFFFE0, v63  }
0x95: {  	v3 =	vor.u32 v3, v4  }
0x96: {  	v4 =	vperm.xlane v3, v0;
	_ =	sdelay $0x1  }
0x97: {  	v4 =	vadd.s32 v1, v4;
	_ =	sdelay $0x1  }
0x98: {  	v3 =	vperm.xlane v3, v2;
	_ =	sdelay $0x1  }
0x99: {  	s23 =	simm.s32 $0xE200;
	v3 =	vadd.s32 v1, v3  }
0x9a: {  	[tilespmem:s23], [sflag:$0x4] =	stream.indirect_vreg.gather [hbm4b:s1+s4], $0x80, v4, vm0, $0xb8;
	[tilespmem:$0x10200] =	vst v63  }
0x9b: {  	s24 =	simm.s32 $0xEA00  }
0x9c: {  	[tilespmem:s24], [sflag:$0x4] =	stream.indirect_vreg.gather [hbm4b:s7+s4], $0x80, v4, vm0, $0xb8;
	[tilespmem:$0x10200] =	vst v63  }
0x9d: {  	s25 =	simm.s32 $0xF200  }
0x9e: {  	[tilespmem:s25], [sflag:$0x4] =	stream.indirect_vreg.gather [hbm4b:s1+s4], $0x80, v3, vm0, $0xb8;
	[tilespmem:$0x10200] =	vst v63  }
0x9f: {  	s31 =	simm.s32 $0xFA00;
	s25 =	simm.s32 $0x0  }
0xa0: {  	[tilespmem:s31], [sflag:$0x4] =	stream.indirect_vreg.gather [hbm4b:s7+s4], $0x80, v3, vm0, $0xb8;
	[tilespmem:$0x10200] =	vst v63  }
.LBB2_2:
0xa1: {  	_ =	swait.ge [sflag:s26], $0x4000;
	s6 =	simm.s32 $0x0  }
0xa2: {  	[sflag:s26] =	ssyncset.done $0x0;
	s10 =	sand.u32 $0x3000, s6;
	s6 =	sand.u32 $0x380, s6  }
0xa3: {  	[sflag:s26] =	ssyncadd.s32 $0xFFFFC000;
	s6 =	sor.u32 s6, s10  }
0xa4: {  	v3 =	vld [tilespmem:s6+$0x670]  }
0xa5: {  	v4 =	vld [tilespmem:s6+$0xA00]  }
0xa6: {  	v5 =	vld [tilespmem:s6+$0xA10]  }
0xa7: {  	v6 =	vld [tilespmem:s6+$0x660]  }
0xa8: {  	v7 =	vld [tilespmem:s6+$0x650]  }
0xa9: {  	v8 =	vld [tilespmem:s6+$0xA20]  }
0xaa: {  	v9 =	vld [tilespmem:s6+$0x640]  }
0xab: {  	v10 =	vld [tilespmem:s6+$0xE70]  }
0xac: {  	v11 =	vld [tilespmem:s6+$0xE10]  }
0xad: {  	v12 =	vld [tilespmem:s6+$0xE50]  }
0xae: {  	v16 =	vld [tilespmem:s6+$0xA30]  }
0xaf: {  	v17 =	vld [tilespmem:s6+$0xA40]  }
0xb0: {  	v14 =	vld [tilespmem:s6+$0xE00]  }
0xb1: {  	v13 =	vld [tilespmem:s6+$0xE40]  }
0xb2: {  	v15 =	vld [tilespmem:s6+$0x630];
	v11 =	vmul.f32 $2.262741660e+01, v11  }
0xb3: {  	v18 =	vld [tilespmem:s6+$0x620];
	v10 =	vmul.f32 $2.262741660e+01, v10  }
0xb4: {  	v19 =	vld [tilespmem:s6+$0x610];
	v12 =	vmul.f32 $2.262741660e+01, v12;
	[tilespmem:s6+$0xE10] =	vst v11  }
0xb5: {  	v20 =	vld [tilespmem:s6+$0x260];
	v14 =	vmul.f32 $2.262741660e+01, v14;
	[tilespmem:s6+$0xE70] =	vst v10  }
0xb6: {  	v24 =	vld [tilespmem:s6+$0x200];
	v11 =	vmul.f32 $2.262741660e+01, v13;
	[tilespmem:s6+$0xE50] =	vst v12  }
0xb7: {  	v15 =	vmul.f32 $2.262741660e+01, v15;
	v10 =	vld [tilespmem:s6+$0xE20];
	[tilespmem:s6+$0xE00] =	vst v14  }
0xb8: {  	v13 =	vld [tilespmem:s6+$0x600];
	[tilespmem:s6+$0xE40] =	vst v11;
	v11 =	vmul.f32 $2.262741660e+01, v18  }
0xb9: {  	v12 =	vld [tilespmem:s6+$0x270];
	[tilespmem:s6+$0x630] =	vst v15;
	v18 =	vmul.f32 $2.262741660e+01, v9;
	v9 =	vmul.f32 $2.262741660e+01, v19  }
0xba: {  	v22 =	vld [tilespmem:s6+$0xA60];
	v21 =	vmul.f32 $2.262741660e+01, v7;
	v20 =	vmul.f32 $2.262741660e+01, v20;
	[tilespmem:s6+$0x620] =	vst v11  }
0xbb: {  	v23 =	vld [tilespmem:s6+$0xA70];
	v11 =	vmul.f32 $2.262741660e+01, v6;
	[tilespmem:s6+$0x610] =	vst v9;
	v9 =	vmul.f32 $2.262741660e+01, v8  }
0xbc: {  	[tilespmem:s6+$0x260] =	vst v20;
	v19 =	vld [tilespmem:s6+$0xA50];
	v8 =	vmul.f32 $2.262741660e+01, v24;
	v7 =	vmul.f32 $2.262741660e+01, v10  }
0xbd: {  	v14 =	vld [tilespmem:s6+$0x210];
	[tilespmem:s6+$0x650] =	vst v21;
	v6 =	vmul.f32 $2.262741660e+01, v13;
	v10 =	vmul.f32 $2.262741660e+01, v3  }
0xbe: {  	v15 =	vld [tilespmem:s6+$0x240];
	[tilespmem:s6+$0x640] =	vst v18;
	v3 =	vmul.f32 $2.262741660e+01, v12;
	v12 =	vmul.f32 $2.262741660e+01, v4  }
0xbf: {  	v13 =	vmul.f32 $2.262741660e+01, v5;
	v4 =	vmul.f32 $2.262741660e+01, v16;
	v16 =	vld [tilespmem:s6+$0x220];
	[tilespmem:s6+$0xE20] =	vst v7  }
0xc0: {  	v5 =	vmul.f32 $2.262741660e+01, v22;
	[tilespmem:s6+$0x600] =	vst v6;
	v7 =	vmul.f32 $2.262741660e+01, v17;
	v17 =	vld [tilespmem:s6+$0x230]  }
0xc1: {  	s13 =	simm.s32 $0x80;
	s10 =	simm.s32 $0x200;
	v18 =	vld [tilespmem:s6+$0xE30];
	[tilespmem:s6+$0x270] =	vst v3;
	v6 =	vmul.f32 $2.262741660e+01, v19;
	v3 =	vmul.f32 $2.262741660e+01, v23  }
.LBB2_3:
0xc2: {  	s19 =	sand.u32 $0x3000, s10;
	s20 =	sand.u32 $0x380, s13;
	v14 =	vmul.f32 $2.262741660e+01, v14;
	[tilespmem:s6+$0x660] =	vst v11;
	v11 =	vld [tilespmem:s6+$0xE60]  }
0xc3: {  	p0 =	sne.s32 s10, $0x3E00;
	s10 =	sadd.s32 $0x200, s10;
	s19 =	sor.u32 s20, s19;
	v15 =	vmul.f32 $2.262741660e+01, v15;
	v19 =	vld [tilespmem:s6+$0x250];
	[tilespmem:s6+$0x670] =	vst v10  }
0xc4: {  	v10 =	vld [tilespmem:s19+$0x670];
	v16 =	vmul.f32 $2.262741660e+01, v16;
	[tilespmem:s6+$0xA00] =	vst v12  }
0xc5: {  	v12 =	vld [tilespmem:s19+$0xA00];
	v17 =	vmul.f32 $2.262741660e+01, v17;
	[tilespmem:s6+$0xA10] =	vst v13  }
0xc6: {  	v13 =	vld [tilespmem:s19+$0xA10];
	[tilespmem:s6+$0x220] =	vst v16;
	v16 =	vmul.f32 $2.262741660e+01, v18  }
0xc7: {  	v18 =	vld [tilespmem:s19+$0x660];
	[tilespmem:s6+$0x230] =	vst v17;
	v11 =	vmul.f32 $2.262741660e+01, v11  }
0xc8: {  	v17 =	vld [tilespmem:s19+$0x650];
	v19 =	vmul.f32 $2.262741660e+01, v19;
	[tilespmem:s6+$0xA20] =	vst v9  }
0xc9: {  	v9 =	vld [tilespmem:s19+$0xA20];
	[tilespmem:s6+$0xE30] =	vst v16  }
0xca: {  	v16 =	vld [tilespmem:s19+$0x640];
	[tilespmem:s6+$0x250] =	vst v19  }
0xcb: {  	v19 =	vld [tilespmem:s19+$0xE70];
	[tilespmem:s6+$0x240] =	vst v15  }
0xcc: {  	v15 =	vld [tilespmem:s19+$0xE10];
	[tilespmem:s6+$0xE60] =	vst v11  }
0xcd: {  	v11 =	vld [tilespmem:s19+$0xE50];
	[tilespmem:s6+$0xA30] =	vst v4  }
0xce: {  	v4 =	vld [tilespmem:s19+$0xA30];
	[tilespmem:s6+$0xA40] =	vst v7  }
0xcf: {  	v7 =	vld [tilespmem:s19+$0xA40];
	[tilespmem:s6+$0x210] =	vst v14  }
0xd0: {  	v14 =	vld [tilespmem:s19+$0xE40];
	[tilespmem:s6+$0xA50] =	vst v6  }
0xd1: {  	v19 =	vmul.f32 $2.262741660e+01, v19;
	v6 =	vld [tilespmem:s19+$0xE00];
	[tilespmem:s6+$0xA60] =	vst v5  }
0xd2: {  	v5 =	vld [tilespmem:s19+$0x630];
	[tilespmem:s6+$0x200] =	vst v8  }
0xd3: {  	v15 =	vmul.f32 $2.262741660e+01, v15;
	v8 =	vld [tilespmem:s19+$0x620];
	[tilespmem:s6+$0xA70] =	vst v3;
	s6 =	smov.u32 s19  }
0xd4: {  	v11 =	vmul.f32 $2.262741660e+01, v11;
	v3 =	vld [tilespmem:s6+$0x610];
	[tilespmem:s6+$0xE70] =	vst v19  }
0xd5: {  	v19 =	vmul.f32 $2.262741660e+01, v16;
	[tilespmem:s6+$0xE10] =	vst v15;
	v15 =	vld [tilespmem:s6+$0xE20];
	v14 =	vmul.f32 $2.262741660e+01, v14  }
0xd6: {  	v20 =	vmul.f32 $2.262741660e+01, v17;
	v16 =	vld [tilespmem:s6+$0x600];
	v6 =	vmul.f32 $2.262741660e+01, v6;
	[tilespmem:s6+$0xE50] =	vst v11  }
0xd7: {  	v11 =	vmul.f32 $2.262741660e+01, v18;
	v17 =	vld [tilespmem:s6+$0x270];
	v5 =	vmul.f32 $2.262741660e+01, v5;
	[tilespmem:s6+$0xE40] =	vst v14  }
0xd8: {  	v10 =	vmul.f32 $2.262741660e+01, v10;
	v18 =	vld [tilespmem:s6+$0x260];
	v8 =	vmul.f32 $2.262741660e+01, v8;
	[tilespmem:s6+$0xE00] =	vst v6  }
0xd9: {  	v12 =	vmul.f32 $2.262741660e+01, v12;
	v3 =	vmul.f32 $2.262741660e+01, v3;
	[tilespmem:s6+$0x630] =	vst v5;
	v5 =	vld [tilespmem:s6+$0xA50]  }
0xda: {  	v13 =	vmul.f32 $2.262741660e+01, v13;
	[tilespmem:s6+$0x620] =	vst v8;
	v8 =	vld [tilespmem:s6+$0xA60];
	v6 =	vmul.f32 $2.262741660e+01, v15  }
0xdb: {  	v9 =	vmul.f32 $2.262741660e+01, v9;
	v15 =	vmul.f32 $2.262741660e+01, v16;
	[tilespmem:s6+$0x610] =	vst v3;
	v3 =	vld [tilespmem:s6+$0xA70]  }
0xdc: {  	v4 =	vmul.f32 $2.262741660e+01, v4;
	v21 =	vld [tilespmem:s6+$0x200];
	v16 =	vmul.f32 $2.262741660e+01, v17;
	[tilespmem:s6+$0xE20] =	vst v6  }
.Ltmp2:
0xdd: {  	v7 =	vmul.f32 $2.262741660e+01, v7;
	v14 =	vld [tilespmem:s6+$0x210];
	v17 =	vmul.f32 $2.262741660e+01, v18;
	[tilespmem:s6+$0x600] =	vst v15;
	(pc) =	sbr.rel @p0 .LBB2_3-.Ltmp2, $4  }
0xde: {  	v15 =	vld [tilespmem:s6+$0x240];
	[tilespmem:s6+$0x270] =	vst v16;
	v6 =	vmul.f32 $2.262741660e+01, v5  }
0xdf: {  	v16 =	vld [tilespmem:s6+$0x220];
	[tilespmem:s6+$0x260] =	vst v17;
	v5 =	vmul.f32 $2.262741660e+01, v8  }
0xe0: {  	v17 =	vld [tilespmem:s6+$0x230];
	[tilespmem:s6+$0x640] =	vst v19;
	v3 =	vmul.f32 $2.262741660e+01, v3  }
0xe1: {  	s13 =	sadd.s32 $0x80, s13;
	v8 =	vmul.f32 $2.262741660e+01, v21;
	[tilespmem:s6+$0x650] =	vst v20;
	v18 =	vld [tilespmem:s6+$0xE30]  }
0xe2: {  	[tilespmem:s6+$0x660] =	vst v11  }
0xe3: {  	[tilespmem:s6+$0x670] =	vst v10  }
0xe4: {  	[tilespmem:s6+$0xA00] =	vst v12  }
0xe5: {  	[tilespmem:s6+$0xA10] =	vst v13  }
0xe6: {  	[tilespmem:s6+$0xA20] =	vst v9  }
0xe7: {  	[tilespmem:s6+$0xA30] =	vst v4  }
0xe8: {  	[tilespmem:s6+$0xA40] =	vst v7  }
0xe9: {  	[tilespmem:s6+$0xA50] =	vst v6  }
0xea: {  	[tilespmem:s6+$0xA60] =	vst v5  }
0xeb: {  	v11 =	vld [tilespmem:s6+$0x250];
	[tilespmem:s6+$0xA70] =	vst v3;
	v9 =	vmul.f32 $2.262741660e+01, v15  }
0xec: {  	v12 =	vld [tilespmem:s6+$0xE60];
	[tilespmem:s6+$0x200] =	vst v8;
	v10 =	vmul.f32 $2.262741660e+01, v16  }
0xed: {  	v16 =	vmul.f32 $2.262741660e+01, v17;
	[tilespmem:s6+$0x240] =	vst v9  }
0xee: {  	v9 =	vmul.f32 $2.262741660e+01, v14;
	[tilespmem:s6+$0x220] =	vst v10  }
0xef: {  	s10 =	sshll.u32 s25, $0x10;
	v10 =	vmul.f32 $2.262741660e+01, v18;
	[tilespmem:s6+$0x230] =	vst v16  }
0xf0: {  	s10 =	sadd.s32 s5, s10;
	v11 =	vmul.f32 $2.262741660e+01, v11;
	[tilespmem:s6+$0x210] =	vst v9  }
0xf1: {  	s10 =	sor.u32 s8, s10;
	[tilespmem:s6+$0xE30] =	vst v10;
	v10 =	vmul.f32 $2.262741660e+01, v12  }
0xf2: {  	p0 =	seq.s32 s25, $0x0;
	s10 =	sshrl.u32 s10, $0x3;
	[tilespmem:s6+$0x250] =	vst v11  }
0xf3: {  	s13 =	simm.s32 @!p0 $0x8;
	s23 =	sadd.s32 s2, s10;
	[tilespmem:s6+$0xE60] =	vst v10  }
0xf4: {  	[hbm4b:s23+s4] =	stream.linear.scatter [tilespmem:s12], [sflag:$0x5], $0x4000, $0x38;
	[tilespmem:$0x10200] =	vst v63  }
0xf5: {  	s6 =	sshllo.u32 s25, $0x2;
	_ =	swait.ge @!p0 [sflag:s13], $0x4000  }
0xf6: {  	s19 =	sshll.u32 @!p0 s6, $0x5;
	[sflag:s13] =	ssyncset.done @!p0 $0x0  }
0xf7: {  	[sflag:s13] =	ssyncadd.s32 @!p0 $0xFFFFC000;
	s13 =	sand.u32 @!p0 $0x3FFFFFE0, s19  }
0xf8: {  	v3 =	vld @!p0 [tilespmem:s13+$0x0];
	_ =	sdelay $0x4  }
0xf9: {  	v4 =	vshll.u32 @!p0 v3, $0x2  }
0xfa: {  	v5 =	vlaneseq.u32 @!p0;
	v3 =	vand.u32 @!p0 $0x7, v3;
	v4 =	vand.u32 @!p0 $0xFFFFFFE0, v4  }
0xfb: {  	v6 =	vshrl.u32 @!p0 v5, $0x3;
	v3 =	vor.u32 @!p0 v3, v4;
	v4 =	vand.u32 @!p0 $0x7, v5  }
0xfc: {  	v6 =	vmul.u32 @!p0 $0x8, v6;
	v7 =	vperm.xlane @!p0 v3, v4;
	_ =	sdelay $0x1  }
0xfd: {  	v7 =	vadd.s32 @!p0 v6, v7  }
0xfe: {  	v5 =	vor.u32 @!p0 $0x8, v5  }
0xff: {  	v3 =	vperm.xlane @!p0 v3, v5;
	_ =	sdelay $0x1  }
0x100: {  	vm1 =	vmmov @!p0 $0xffff;
	s20 =	simm.s32 @!p0 $0xC200;
	s19 =	simm.s32 @!p0 $0x0;
	v3 =	vadd.s32 @!p0 v6, v3  }
0x101: {  	[tilespmem:s20], [sflag:$0x4] =	stream.indirect_vreg.gather @!p0 [hbm4b:s1+s19], $0x80, v7, vm1, $0xb8;
	[tilespmem:$0x10200] =	vst v63  }
0x102: {  	s20 =	simm.s32 @!p0 $0xCA00  }
0x103: {  	[tilespmem:s20], [sflag:$0x4] =	stream.indirect_vreg.gather @!p0 [hbm4b:s7+s19], $0x80, v7, vm1, $0xb8;
	[tilespmem:$0x10200] =	vst v63  }
0x104: {  	s20 =	simm.s32 @!p0 $0xD200  }
0x105: {  	[tilespmem:s20], [sflag:$0x4] =	stream.indirect_vreg.gather @!p0 [hbm4b:s1+s19], $0x80, v3, vm1, $0xb8;
	[tilespmem:$0x10200] =	vst v63  }
0x106: {  	s20 =	simm.s32 @!p0 $0xDA00  }
0x107: {  	[tilespmem:s20], [sflag:$0x4] =	stream.indirect_vreg.gather @!p0 [hbm4b:s7+s19], $0x80, v3, vm1, $0xb8;
	[tilespmem:$0x10200] =	vst v63  }
0x108: {  	v3 =	vld @!p0 [tilespmem:s13+$0x10];
	_ =	sdelay $0x4  }
0x109: {  	v7 =	vshll.u32 @!p0 v3, $0x2  }
0x10a: {  	v3 =	vand.u32 @!p0 $0x7, v3;
	v7 =	vand.u32 @!p0 $0xFFFFFFE0, v7  }
0x10b: {  	v3 =	vor.u32 @!p0 v3, v7  }
0x10c: {  	v4 =	vperm.xlane @!p0 v3, v4;
	_ =	sdelay $0x1  }
0x10d: {  	v4 =	vadd.s32 @!p0 v6, v4;
	_ =	sdelay $0x1  }
0x10e: {  	v3 =	vperm.xlane @!p0 v3, v5;
	_ =	sdelay $0x1  }
0x10f: {  	s13 =	simm.s32 @!p0 $0xE200;
	v3 =	vadd.s32 @!p0 v6, v3  }
0x110: {  	[tilespmem:s13], [sflag:$0x4] =	stream.indirect_vreg.gather @!p0 [hbm4b:s1+s19], $0x80, v4, vm1, $0xb8;
	[tilespmem:$0x10200] =	vst v63  }
0x111: {  	s13 =	simm.s32 @!p0 $0xEA00  }
0x112: {  	[tilespmem:s13], [sflag:$0x4] =	stream.indirect_vreg.gather @!p0 [hbm4b:s7+s19], $0x80, v4, vm1, $0xb8;
	[tilespmem:$0x10200] =	vst v63  }
0x113: {  	s13 =	simm.s32 @!p0 $0xF200  }
0x114: {  	[tilespmem:s13], [sflag:$0x4] =	stream.indirect_vreg.gather @!p0 [hbm4b:s1+s19], $0x80, v3, vm1, $0xb8;
	[tilespmem:$0x10200] =	vst v63  }
0x115: {  	s13 =	simm.s32 @!p0 $0xFA00  }
0x116: {  	[tilespmem:s13], [sflag:$0x4] =	stream.indirect_vreg.gather @!p0 [hbm4b:s7+s19], $0x80, v3, vm1, $0xb8;
	[tilespmem:$0x10200] =	vst v63  }
0x117: {  	s24 =	simm.s32 $0x0;
	_ =	swait.ge [sflag:s28], $0x4000  }
0x118: {  	s31 =	sand.u32 $0x3000, s24;
	s13 =	sand.u32 $0x380, s24;
	[sflag:s28] =	ssyncset.done $0x0  }
0x119: {  	s19 =	sor.u32 s13, s31;
	[sflag:s28] =	ssyncadd.s32 $0xFFFFC000  }
0x11a: {  	v3 =	vld [tilespmem:s19+$0x4670]  }
0x11b: {  	v4 =	vld [tilespmem:s19+$0x4A00]  }
0x11c: {  	v5 =	vld [tilespmem:s19+$0x4A10]  }
0x11d: {  	v6 =	vld [tilespmem:s19+$0x4660]  }
0x11e: {  	v7 =	vld [tilespmem:s19+$0x4650]  }
0x11f: {  	v8 =	vld [tilespmem:s19+$0x4A20]  }
0x120: {  	v9 =	vld [tilespmem:s19+$0x4640]  }
0x121: {  	v10 =	vld [tilespmem:s19+$0x4E70]  }
0x122: {  	v11 =	vld [tilespmem:s19+$0x4E10]  }
0x123: {  	v12 =	vld [tilespmem:s19+$0x4E50]  }
0x124: {  	v16 =	vld [tilespmem:s19+$0x4A30]  }
0x125: {  	v17 =	vld [tilespmem:s19+$0x4A40]  }
0x126: {  	v14 =	vld [tilespmem:s19+$0x4E00]  }
0x127: {  	v13 =	vld [tilespmem:s19+$0x4E40]  }
0x128: {  	v15 =	vld [tilespmem:s19+$0x4630];
	v11 =	vmul.f32 $2.262741660e+01, v11  }
0x129: {  	v18 =	vld [tilespmem:s19+$0x4620];
	v10 =	vmul.f32 $2.262741660e+01, v10  }
0x12a: {  	v19 =	vld [tilespmem:s19+$0x4610];
	v12 =	vmul.f32 $2.262741660e+01, v12;
	[tilespmem:s19+$0x4E10] =	vst v11  }
0x12b: {  	v24 =	vld [tilespmem:s19+$0x4200];
	v14 =	vmul.f32 $2.262741660e+01, v14;
	[tilespmem:s19+$0x4E70] =	vst v10  }
0x12c: {  	v10 =	vld [tilespmem:s19+$0x4E20];
	v11 =	vmul.f32 $2.262741660e+01, v13;
	[tilespmem:s19+$0x4E50] =	vst v12  }
0x12d: {  	v15 =	vmul.f32 $2.262741660e+01, v15;
	v13 =	vld [tilespmem:s19+$0x4600];
	[tilespmem:s19+$0x4E00] =	vst v14  }
0x12e: {  	v12 =	vld [tilespmem:s19+$0x4270];
	[tilespmem:s19+$0x4E40] =	vst v11;
	v11 =	vmul.f32 $2.262741660e+01, v18  }
0x12f: {  	v20 =	vld [tilespmem:s19+$0x4260];
	[tilespmem:s19+$0x4630] =	vst v15;
	v18 =	vmul.f32 $2.262741660e+01, v9;
	v9 =	vmul.f32 $2.262741660e+01, v19  }
0x130: {  	v22 =	vld [tilespmem:s19+$0x4A60];
	v21 =	vmul.f32 $2.262741660e+01, v7;
	[tilespmem:s19+$0x4620] =	vst v11;
	v11 =	vmul.f32 $2.262741660e+01, v6  }
0x131: {  	v19 =	vld [tilespmem:s19+$0x4A50];
	[tilespmem:s19+$0x4610] =	vst v9;
	v9 =	vmul.f32 $2.262741660e+01, v8;
	v8 =	vmul.f32 $2.262741660e+01, v24  }
0x132: {  	v23 =	vld [tilespmem:s19+$0x4A70];
	[tilespmem:s19+$0x4650] =	vst v21;
	v7 =	vmul.f32 $2.262741660e+01, v10;
	v6 =	vmul.f32 $2.262741660e+01, v13  }
0x133: {  	v14 =	vld [tilespmem:s19+$0x4210];
	[tilespmem:s19+$0x4640] =	vst v18;
	v10 =	vmul.f32 $2.262741660e+01, v3;
	v3 =	vmul.f32 $2.262741660e+01, v12  }
0x134: {  	v15 =	vld [tilespmem:s19+$0x4240];
	v12 =	vmul.f32 $2.262741660e+01, v4;
	v4 =	vmul.f32 $2.262741660e+01, v20;
	[tilespmem:s19+$0x4E20] =	vst v7  }
0x135: {  	v13 =	vmul.f32 $2.262741660e+01, v5;
	[tilespmem:s19+$0x4270] =	vst v3;
	v3 =	vmul.f32 $2.262741660e+01, v16;
	v16 =	vld [tilespmem:s19+$0x4220]  }
0x136: {  	[tilespmem:s19+$0x4600] =	vst v6;
	v7 =	vmul.f32 $2.262741660e+01, v17;
	v5 =	vmul.f32 $2.262741660e+01, v19;
	v17 =	vld [tilespmem:s19+$0x4230]  }
0x137: {  	s20 =	simm.s32 $0x80;
	s13 =	simm.s32 $0x200;
	v18 =	vld [tilespmem:s19+$0x4E30];
	[tilespmem:s19+$0x4260] =	vst v4;
	v6 =	vmul.f32 $2.262741660e+01, v22;
	v4 =	vmul.f32 $2.262741660e+01, v23  }
.LBB2_5:
0x138: {  	s23 =	sand.u32 $0x3000, s13;
	s24 =	sand.u32 $0x380, s20;
	v14 =	vmul.f32 $2.262741660e+01, v14;
	[tilespmem:s19+$0x4660] =	vst v11;
	v11 =	vld [tilespmem:s19+$0x4E60]  }
0x139: {  	p0 =	sne.s32 s13, $0x3E00;
	s13 =	sadd.s32 $0x200, s13;
	s23 =	sor.u32 s24, s23;
	v15 =	vmul.f32 $2.262741660e+01, v15;
	v19 =	vld [tilespmem:s19+$0x4250];
	[tilespmem:s19+$0x4670] =	vst v10  }
0x13a: {  	v10 =	vld [tilespmem:s23+$0x4670];
	v16 =	vmul.f32 $2.262741660e+01, v16;
	[tilespmem:s19+$0x4A00] =	vst v12  }
0x13b: {  	v12 =	vld [tilespmem:s23+$0x4A00];
	v17 =	vmul.f32 $2.262741660e+01, v17;
	[tilespmem:s19+$0x4A10] =	vst v13  }
0x13c: {  	v13 =	vld [tilespmem:s23+$0x4A10];
	[tilespmem:s19+$0x4220] =	vst v16;
	v16 =	vmul.f32 $2.262741660e+01, v18  }
0x13d: {  	v18 =	vld [tilespmem:s23+$0x4660];
	[tilespmem:s19+$0x4230] =	vst v17;
	v11 =	vmul.f32 $2.262741660e+01, v11  }
0x13e: {  	v17 =	vld [tilespmem:s23+$0x4650];
	v19 =	vmul.f32 $2.262741660e+01, v19;
	[tilespmem:s19+$0x4A20] =	vst v9  }
0x13f: {  	v9 =	vld [tilespmem:s23+$0x4A20];
	[tilespmem:s19+$0x4E30] =	vst v16  }
0x140: {  	v16 =	vld [tilespmem:s23+$0x4640];
	[tilespmem:s19+$0x4250] =	vst v19  }
0x141: {  	v19 =	vld [tilespmem:s23+$0x4E70];
	[tilespmem:s19+$0x4240] =	vst v15  }
0x142: {  	v15 =	vld [tilespmem:s23+$0x4E10];
	[tilespmem:s19+$0x4E60] =	vst v11  }
0x143: {  	v11 =	vld [tilespmem:s23+$0x4E50];
	[tilespmem:s19+$0x4A30] =	vst v3  }
0x144: {  	v3 =	vld [tilespmem:s23+$0x4A30];
	[tilespmem:s19+$0x4A40] =	vst v7  }
0x145: {  	v7 =	vld [tilespmem:s23+$0x4A40];
	[tilespmem:s19+$0x4210] =	vst v14  }
0x146: {  	v14 =	vld [tilespmem:s23+$0x4E40];
	[tilespmem:s19+$0x4A50] =	vst v5  }
0x147: {  	v19 =	vmul.f32 $2.262741660e+01, v19;
	v5 =	vld [tilespmem:s23+$0x4E00];
	[tilespmem:s19+$0x4A60] =	vst v6  }
0x148: {  	v6 =	vld [tilespmem:s23+$0x4630];
	[tilespmem:s19+$0x4200] =	vst v8  }
0x149: {  	v15 =	vmul.f32 $2.262741660e+01, v15;
	v8 =	vld [tilespmem:s23+$0x4620];
	[tilespmem:s19+$0x4A70] =	vst v4;
	s19 =	smov.u32 s23  }
0x14a: {  	v11 =	vmul.f32 $2.262741660e+01, v11;
	v4 =	vld [tilespmem:s19+$0x4610];
	[tilespmem:s19+$0x4E70] =	vst v19  }
0x14b: {  	v19 =	vmul.f32 $2.262741660e+01, v16;
	[tilespmem:s19+$0x4E10] =	vst v15;
	v15 =	vld [tilespmem:s19+$0x4E20];
	v14 =	vmul.f32 $2.262741660e+01, v14  }
0x14c: {  	v20 =	vmul.f32 $2.262741660e+01, v17;
	v16 =	vld [tilespmem:s19+$0x4600];
	v5 =	vmul.f32 $2.262741660e+01, v5;
	[tilespmem:s19+$0x4E50] =	vst v11  }
0x14d: {  	v11 =	vmul.f32 $2.262741660e+01, v18;
	v17 =	vld [tilespmem:s19+$0x4270];
	v6 =	vmul.f32 $2.262741660e+01, v6;
	[tilespmem:s19+$0x4E40] =	vst v14  }
0x14e: {  	v10 =	vmul.f32 $2.262741660e+01, v10;
	v18 =	vld [tilespmem:s19+$0x4260];
	v8 =	vmul.f32 $2.262741660e+01, v8;
	[tilespmem:s19+$0x4E00] =	vst v5  }
0x14f: {  	v12 =	vmul.f32 $2.262741660e+01, v12;
	v4 =	vmul.f32 $2.262741660e+01, v4;
	[tilespmem:s19+$0x4630] =	vst v6;
	v5 =	vld [tilespmem:s19+$0x4A50]  }
0x150: {  	v13 =	vmul.f32 $2.262741660e+01, v13;
	[tilespmem:s19+$0x4620] =	vst v8;
	v6 =	vld [tilespmem:s19+$0x4A60];
	v8 =	vmul.f32 $2.262741660e+01, v15  }
0x151: {  	v9 =	vmul.f32 $2.262741660e+01, v9;
	v15 =	vmul.f32 $2.262741660e+01, v16;
	[tilespmem:s19+$0x4610] =	vst v4;
	v4 =	vld [tilespmem:s19+$0x4A70]  }
0x152: {  	v3 =	vmul.f32 $2.262741660e+01, v3;
	v21 =	vld [tilespmem:s19+$0x4200];
	v16 =	vmul.f32 $2.262741660e+01, v17;
	[tilespmem:s19+$0x4E20] =	vst v8  }
.Ltmp3:
0x153: {  	v7 =	vmul.f32 $2.262741660e+01, v7;
	v14 =	vld [tilespmem:s19+$0x4210];
	v8 =	vmul.f32 $2.262741660e+01, v18;
	[tilespmem:s19+$0x4600] =	vst v15;
	(pc) =	sbr.rel @p0 .LBB2_5-.Ltmp3, $4  }
0x154: {  	v15 =	vld [tilespmem:s19+$0x4240];
	[tilespmem:s19+$0x4270] =	vst v16;
	v5 =	vmul.f32 $2.262741660e+01, v5  }
0x155: {  	v16 =	vld [tilespmem:s19+$0x4220];
	[tilespmem:s19+$0x4260] =	vst v8;
	v6 =	vmul.f32 $2.262741660e+01, v6  }
0x156: {  	v17 =	vld [tilespmem:s19+$0x4230];
	[tilespmem:s19+$0x4640] =	vst v19;
	v4 =	vmul.f32 $2.262741660e+01, v4  }
0x157: {  	s20 =	sadd.s32 $0x80, s20;
	v8 =	vmul.f32 $2.262741660e+01, v21;
	[tilespmem:s19+$0x4650] =	vst v20;
	v18 =	vld [tilespmem:s19+$0x4E30]  }
0x158: {  	[tilespmem:s19+$0x4660] =	vst v11  }
0x159: {  	[tilespmem:s19+$0x4670] =	vst v10  }
0x15a: {  	[tilespmem:s19+$0x4A00] =	vst v12  }
0x15b: {  	[tilespmem:s19+$0x4A10] =	vst v13  }
0x15c: {  	[tilespmem:s19+$0x4A20] =	vst v9  }
0x15d: {  	[tilespmem:s19+$0x4A30] =	vst v3  }
0x15e: {  	[tilespmem:s19+$0x4A40] =	vst v7  }
0x15f: {  	[tilespmem:s19+$0x4A50] =	vst v5  }
0x160: {  	[tilespmem:s19+$0x4A60] =	vst v6  }
0x161: {  	v11 =	vld [tilespmem:s19+$0x4250];
	[tilespmem:s19+$0x4A70] =	vst v4;
	v9 =	vmul.f32 $2.262741660e+01, v15  }
0x162: {  	v12 =	vld [tilespmem:s19+$0x4E60];
	[tilespmem:s19+$0x4200] =	vst v8;
	v10 =	vmul.f32 $2.262741660e+01, v16  }
0x163: {  	v16 =	vmul.f32 $2.262741660e+01, v17;
	[tilespmem:s19+$0x4240] =	vst v9  }
0x164: {  	v9 =	vmul.f32 $2.262741660e+01, v14;
	[tilespmem:s19+$0x4220] =	vst v10  }
0x165: {  	v10 =	vmul.f32 $2.262741660e+01, v18;
	[tilespmem:s19+$0x4230] =	vst v16  }
0x166: {  	v11 =	vmul.f32 $2.262741660e+01, v11;
	[tilespmem:s19+$0x4210] =	vst v9  }
0x167: {  	[tilespmem:s19+$0x4E30] =	vst v10;
	v10 =	vmul.f32 $2.262741660e+01, v12  }
0x168: {  	s13 =	sadd.s32 s10, s2;
	[tilespmem:s19+$0x4250] =	vst v11  }
0x169: {  	p0 =	seq.s32 s25, $0x3;
	s10 =	sadd.s32 $0x800, s13;
	[tilespmem:s19+$0x4E60] =	vst v10  }
0x16a: {  	[hbm4b:s10+s4] =	stream.linear.scatter [tilespmem:s21], [sflag:$0x6], $0x4000, $0x38;
	[tilespmem:$0x10200] =	vst v63  }
0x16b: {  	s10 =	simm.s32 @!p0 $0x5  }
0x16c: {  	_ =	swait.ge @!p0 [sflag:s10], $0x4000  }
0x16d: {  	s19 =	sshll.u32 @!p0 s25, $0x7;
	[sflag:s10] =	ssyncset.done @!p0 $0x0  }
0x16e: {  	[sflag:s10] =	ssyncadd.s32 @!p0 $0xFFFFC000;
	s10 =	sand.u32 @!p0 $0x3FFFFF80, s19  }
0x16f: {  	v3 =	vld @!p0 [tilespmem:s10+$0x80];
	_ =	sdelay $0x4  }
0x170: {  	v4 =	vshll.u32 @!p0 v3, $0x2  }
0x171: {  	v5 =	vlaneseq.u32 @!p0;
	v3 =	vand.u32 @!p0 $0x7, v3;
	v4 =	vand.u32 @!p0 $0xFFFFFFE0, v4  }
0x172: {  	v6 =	vshrl.u32 @!p0 v5, $0x3;
	v3 =	vor.u32 @!p0 v3, v4;
	v4 =	vand.u32 @!p0 $0x7, v5  }
0x173: {  	v6 =	vmul.u32 @!p0 $0x8, v6;
	v7 =	vperm.xlane @!p0 v3, v4;
	_ =	sdelay $0x1  }
0x174: {  	v7 =	vadd.s32 @!p0 v6, v7  }
0x175: {  	v5 =	vor.u32 @!p0 $0x8, v5  }
0x176: {  	v3 =	vperm.xlane @!p0 v3, v5;
	_ =	sdelay $0x1  }
0x177: {  	vm1 =	vmmov @!p0 $0xffff;
	s20 =	simm.s32 @!p0 $0x200;
	s19 =	simm.s32 @!p0 $0x0;
	v3 =	vadd.s32 @!p0 v6, v3  }
0x178: {  	[tilespmem:s20], [sflag:$0x1] =	stream.indirect_vreg.gather @!p0 [hbm4b:s1+s19], $0x80, v7, vm1, $0xb8;
	[tilespmem:$0x10200] =	vst v63  }
0x179: {  	s20 =	simm.s32 @!p0 $0xA00  }
0x17a: {  	[tilespmem:s20], [sflag:$0x1] =	stream.indirect_vreg.gather @!p0 [hbm4b:s7+s19], $0x80, v7, vm1, $0xb8;
	[tilespmem:$0x10200] =	vst v63  }
0x17b: {  	s20 =	simm.s32 @!p0 $0x1200  }
0x17c: {  	[tilespmem:s20], [sflag:$0x1] =	stream.indirect_vreg.gather @!p0 [hbm4b:s1+s19], $0x80, v3, vm1, $0xb8;
	[tilespmem:$0x10200] =	vst v63  }
0x17d: {  	s20 =	simm.s32 @!p0 $0x1A00  }
0x17e: {  	[tilespmem:s20], [sflag:$0x1] =	stream.indirect_vreg.gather @!p0 [hbm4b:s7+s19], $0x80, v3, vm1, $0xb8;
	[tilespmem:$0x10200] =	vst v63  }
0x17f: {  	v3 =	vld @!p0 [tilespmem:s10+$0x90];
	_ =	sdelay $0x4  }
0x180: {  	v7 =	vshll.u32 @!p0 v3, $0x2  }
0x181: {  	v3 =	vand.u32 @!p0 $0x7, v3;
	v7 =	vand.u32 @!p0 $0xFFFFFFE0, v7  }
0x182: {  	v3 =	vor.u32 @!p0 v3, v7  }
0x183: {  	v4 =	vperm.xlane @!p0 v3, v4;
	_ =	sdelay $0x1  }
0x184: {  	v4 =	vadd.s32 @!p0 v6, v4;
	_ =	sdelay $0x1  }
0x185: {  	v3 =	vperm.xlane @!p0 v3, v5;
	_ =	sdelay $0x1  }
0x186: {  	s20 =	simm.s32 @!p0 $0x2200;
	v3 =	vadd.s32 @!p0 v6, v3  }
0x187: {  	[tilespmem:s20], [sflag:$0x1] =	stream.indirect_vreg.gather @!p0 [hbm4b:s1+s19], $0x80, v4, vm1, $0xb8;
	[tilespmem:$0x10200] =	vst v63  }
0x188: {  	s20 =	simm.s32 @!p0 $0x2A00  }
0x189: {  	[tilespmem:s20], [sflag:$0x1] =	stream.indirect_vreg.gather @!p0 [hbm4b:s7+s19], $0x80, v4, vm1, $0xb8;
	[tilespmem:$0x10200] =	vst v63  }
0x18a: {  	s20 =	simm.s32 @!p0 $0x3200  }
0x18b: {  	[tilespmem:s20], [sflag:$0x1] =	stream.indirect_vreg.gather @!p0 [hbm4b:s1+s19], $0x80, v3, vm1, $0xb8;
	[tilespmem:$0x10200] =	vst v63  }
0x18c: {  	s20 =	simm.s32 @!p0 $0x3A00  }
0x18d: {  	[tilespmem:s20], [sflag:$0x1] =	stream.indirect_vreg.gather @!p0 [hbm4b:s7+s19], $0x80, v3, vm1, $0xb8;
	[tilespmem:$0x10200] =	vst v63  }
0x18e: {  	s24 =	simm.s32 $0x0;
	_ =	swait.ge [sflag:s29], $0x4000  }
0x18f: {  	s31 =	sand.u32 $0x3000, s24;
	s19 =	sand.u32 $0x380, s24;
	[sflag:s29] =	ssyncset.done $0x0  }
0x190: {  	s19 =	sor.u32 s19, s31;
	[sflag:s29] =	ssyncadd.s32 $0xFFFFC000  }
0x191: {  	v3 =	vld [tilespmem:s19+$0x8670]  }
0x192: {  	v4 =	vld [tilespmem:s19+$0x8A00]  }
0x193: {  	v5 =	vld [tilespmem:s19+$0x8A10]  }
0x194: {  	v6 =	vld [tilespmem:s19+$0x8660]  }
0x195: {  	v7 =	vld [tilespmem:s19+$0x8650]  }
0x196: {  	v8 =	vld [tilespmem:s19+$0x8A20]  }
0x197: {  	v9 =	vld [tilespmem:s19+$0x8640]  }
0x198: {  	v10 =	vld [tilespmem:s19+$0x8E70]  }
0x199: {  	v11 =	vld [tilespmem:s19+$0x8E10]  }
0x19a: {  	v12 =	vld [tilespmem:s19+$0x8E50]  }
0x19b: {  	v16 =	vld [tilespmem:s19+$0x8A30]  }
0x19c: {  	v17 =	vld [tilespmem:s19+$0x8A40]  }
0x19d: {  	v14 =	vld [tilespmem:s19+$0x8E00]  }
0x19e: {  	v13 =	vld [tilespmem:s19+$0x8E40]  }
0x19f: {  	v15 =	vld [tilespmem:s19+$0x8630];
	v11 =	vmul.f32 $2.262741660e+01, v11  }
0x1a0: {  	v18 =	vld [tilespmem:s19+$0x8620];
	v10 =	vmul.f32 $2.262741660e+01, v10  }
0x1a1: {  	v19 =	vld [tilespmem:s19+$0x8610];
	v12 =	vmul.f32 $2.262741660e+01, v12;
	[tilespmem:s19+$0x8E10] =	vst v11  }
0x1a2: {  	v24 =	vld [tilespmem:s19+$0x8200];
	v14 =	vmul.f32 $2.262741660e+01, v14;
	[tilespmem:s19+$0x8E70] =	vst v10  }
0x1a3: {  	v10 =	vld [tilespmem:s19+$0x8E20];
	v11 =	vmul.f32 $2.262741660e+01, v13;
	[tilespmem:s19+$0x8E50] =	vst v12  }
0x1a4: {  	v15 =	vmul.f32 $2.262741660e+01, v15;
	v13 =	vld [tilespmem:s19+$0x8600];
	[tilespmem:s19+$0x8E00] =	vst v14  }
0x1a5: {  	v12 =	vld [tilespmem:s19+$0x8270];
	[tilespmem:s19+$0x8E40] =	vst v11;
	v11 =	vmul.f32 $2.262741660e+01, v18  }
0x1a6: {  	v20 =	vld [tilespmem:s19+$0x8260];
	[tilespmem:s19+$0x8630] =	vst v15;
	v18 =	vmul.f32 $2.262741660e+01, v9;
	v9 =	vmul.f32 $2.262741660e+01, v19  }
0x1a7: {  	v22 =	vld [tilespmem:s19+$0x8A60];
	v21 =	vmul.f32 $2.262741660e+01, v7;
	[tilespmem:s19+$0x8620] =	vst v11;
	v11 =	vmul.f32 $2.262741660e+01, v6  }
0x1a8: {  	v19 =	vld [tilespmem:s19+$0x8A50];
	[tilespmem:s19+$0x8610] =	vst v9;
	v9 =	vmul.f32 $2.262741660e+01, v8;
	v8 =	vmul.f32 $2.262741660e+01, v24  }
0x1a9: {  	v23 =	vld [tilespmem:s19+$0x8A70];
	[tilespmem:s19+$0x8650] =	vst v21;
	v7 =	vmul.f32 $2.262741660e+01, v10;
	v6 =	vmul.f32 $2.262741660e+01, v13  }
0x1aa: {  	v14 =	vld [tilespmem:s19+$0x8210];
	[tilespmem:s19+$0x8640] =	vst v18;
	v10 =	vmul.f32 $2.262741660e+01, v3;
	v3 =	vmul.f32 $2.262741660e+01, v12  }
0x1ab: {  	v15 =	vld [tilespmem:s19+$0x8240];
	v12 =	vmul.f32 $2.262741660e+01, v4;
	v4 =	vmul.f32 $2.262741660e+01, v20;
	[tilespmem:s19+$0x8E20] =	vst v7  }
0x1ac: {  	v13 =	vmul.f32 $2.262741660e+01, v5;
	[tilespmem:s19+$0x8270] =	vst v3;
	v3 =	vmul.f32 $2.262741660e+01, v16;
	v16 =	vld [tilespmem:s19+$0x8220]  }
0x1ad: {  	[tilespmem:s19+$0x8600] =	vst v6;
	v7 =	vmul.f32 $2.262741660e+01, v17;
	v5 =	vmul.f32 $2.262741660e+01, v19;
	v17 =	vld [tilespmem:s19+$0x8230]  }
0x1ae: {  	s23 =	simm.s32 $0x80;
	s20 =	simm.s32 $0x200;
	v18 =	vld [tilespmem:s19+$0x8E30];
	[tilespmem:s19+$0x8260] =	vst v4;
	v6 =	vmul.f32 $2.262741660e+01, v22;
	v4 =	vmul.f32 $2.262741660e+01, v23  }
.LBB2_7:
0x1af: {  	s24 =	sand.u32 $0x3000, s20;
	s31 =	sand.u32 $0x380, s23;
	v14 =	vmul.f32 $2.262741660e+01, v14;
	[tilespmem:s19+$0x8660] =	vst v11;
	v11 =	vld [tilespmem:s19+$0x8E60]  }
0x1b0: {  	p1 =	sne.s32 s20, $0x3E00;
	s20 =	sadd.s32 $0x200, s20;
	s24 =	sor.u32 s31, s24;
	v15 =	vmul.f32 $2.262741660e+01, v15;
	v19 =	vld [tilespmem:s19+$0x8250];
	[tilespmem:s19+$0x8670] =	vst v10  }
0x1b1: {  	v10 =	vld [tilespmem:s24+$0x8670];
	v16 =	vmul.f32 $2.262741660e+01, v16;
	[tilespmem:s19+$0x8A00] =	vst v12  }
0x1b2: {  	v12 =	vld [tilespmem:s24+$0x8A00];
	v17 =	vmul.f32 $2.262741660e+01, v17;
	[tilespmem:s19+$0x8A10] =	vst v13  }
0x1b3: {  	v13 =	vld [tilespmem:s24+$0x8A10];
	[tilespmem:s19+$0x8220] =	vst v16;
	v16 =	vmul.f32 $2.262741660e+01, v18  }
0x1b4: {  	v18 =	vld [tilespmem:s24+$0x8660];
	[tilespmem:s19+$0x8230] =	vst v17;
	v11 =	vmul.f32 $2.262741660e+01, v11  }
0x1b5: {  	v17 =	vld [tilespmem:s24+$0x8650];
	v19 =	vmul.f32 $2.262741660e+01, v19;
	[tilespmem:s19+$0x8A20] =	vst v9  }
0x1b6: {  	v9 =	vld [tilespmem:s24+$0x8A20];
	[tilespmem:s19+$0x8E30] =	vst v16  }
0x1b7: {  	v16 =	vld [tilespmem:s24+$0x8640];
	[tilespmem:s19+$0x8250] =	vst v19  }
0x1b8: {  	v19 =	vld [tilespmem:s24+$0x8E70];
	[tilespmem:s19+$0x8240] =	vst v15  }
0x1b9: {  	v15 =	vld [tilespmem:s24+$0x8E10];
	[tilespmem:s19+$0x8E60] =	vst v11  }
0x1ba: {  	v11 =	vld [tilespmem:s24+$0x8E50];
	[tilespmem:s19+$0x8A30] =	vst v3  }
0x1bb: {  	v3 =	vld [tilespmem:s24+$0x8A30];
	[tilespmem:s19+$0x8A40] =	vst v7  }
0x1bc: {  	v7 =	vld [tilespmem:s24+$0x8A40];
	[tilespmem:s19+$0x8210] =	vst v14  }
0x1bd: {  	v14 =	vld [tilespmem:s24+$0x8E40];
	[tilespmem:s19+$0x8A50] =	vst v5  }
0x1be: {  	v19 =	vmul.f32 $2.262741660e+01, v19;
	v5 =	vld [tilespmem:s24+$0x8E00];
	[tilespmem:s19+$0x8A60] =	vst v6  }
0x1bf: {  	v6 =	vld [tilespmem:s24+$0x8630];
	[tilespmem:s19+$0x8200] =	vst v8  }
0x1c0: {  	v15 =	vmul.f32 $2.262741660e+01, v15;
	v8 =	vld [tilespmem:s24+$0x8620];
	[tilespmem:s19+$0x8A70] =	vst v4;
	s19 =	smov.u32 s24  }
0x1c1: {  	v11 =	vmul.f32 $2.262741660e+01, v11;
	v4 =	vld [tilespmem:s19+$0x8610];
	[tilespmem:s19+$0x8E70] =	vst v19  }
0x1c2: {  	v19 =	vmul.f32 $2.262741660e+01, v16;
	[tilespmem:s19+$0x8E10] =	vst v15;
	v15 =	vld [tilespmem:s19+$0x8E20];
	v14 =	vmul.f32 $2.262741660e+01, v14  }
0x1c3: {  	v20 =	vmul.f32 $2.262741660e+01, v17;
	v16 =	vld [tilespmem:s19+$0x8600];
	v5 =	vmul.f32 $2.262741660e+01, v5;
	[tilespmem:s19+$0x8E50] =	vst v11  }
0x1c4: {  	v11 =	vmul.f32 $2.262741660e+01, v18;
	v17 =	vld [tilespmem:s19+$0x8270];
	v6 =	vmul.f32 $2.262741660e+01, v6;
	[tilespmem:s19+$0x8E40] =	vst v14  }
0x1c5: {  	v10 =	vmul.f32 $2.262741660e+01, v10;
	v18 =	vld [tilespmem:s19+$0x8260];
	v8 =	vmul.f32 $2.262741660e+01, v8;
	[tilespmem:s19+$0x8E00] =	vst v5  }
0x1c6: {  	v12 =	vmul.f32 $2.262741660e+01, v12;
	v4 =	vmul.f32 $2.262741660e+01, v4;
	[tilespmem:s19+$0x8630] =	vst v6;
	v5 =	vld [tilespmem:s19+$0x8A50]  }
0x1c7: {  	v13 =	vmul.f32 $2.262741660e+01, v13;
	[tilespmem:s19+$0x8620] =	vst v8;
	v6 =	vld [tilespmem:s19+$0x8A60];
	v8 =	vmul.f32 $2.262741660e+01, v15  }
0x1c8: {  	v9 =	vmul.f32 $2.262741660e+01, v9;
	v15 =	vmul.f32 $2.262741660e+01, v16;
	[tilespmem:s19+$0x8610] =	vst v4;
	v4 =	vld [tilespmem:s19+$0x8A70]  }
0x1c9: {  	v3 =	vmul.f32 $2.262741660e+01, v3;
	v21 =	vld [tilespmem:s19+$0x8200];
	v16 =	vmul.f32 $2.262741660e+01, v17;
	[tilespmem:s19+$0x8E20] =	vst v8  }
.Ltmp4:
0x1ca: {  	v7 =	vmul.f32 $2.262741660e+01, v7;
	v14 =	vld [tilespmem:s19+$0x8210];
	v8 =	vmul.f32 $2.262741660e+01, v18;
	[tilespmem:s19+$0x8600] =	vst v15;
	(pc) =	sbr.rel @p1 .LBB2_7-.Ltmp4, $4  }
0x1cb: {  	v15 =	vld [tilespmem:s19+$0x8240];
	[tilespmem:s19+$0x8270] =	vst v16;
	v5 =	vmul.f32 $2.262741660e+01, v5  }
0x1cc: {  	v16 =	vld [tilespmem:s19+$0x8220];
	[tilespmem:s19+$0x8260] =	vst v8;
	v6 =	vmul.f32 $2.262741660e+01, v6  }
0x1cd: {  	v17 =	vld [tilespmem:s19+$0x8230];
	[tilespmem:s19+$0x8640] =	vst v19;
	v4 =	vmul.f32 $2.262741660e+01, v4  }
0x1ce: {  	s23 =	sadd.s32 $0x80, s23;
	v8 =	vmul.f32 $2.262741660e+01, v21;
	[tilespmem:s19+$0x8650] =	vst v20;
	v18 =	vld [tilespmem:s19+$0x8E30]  }
0x1cf: {  	[tilespmem:s19+$0x8660] =	vst v11  }
0x1d0: {  	[tilespmem:s19+$0x8670] =	vst v10  }
0x1d1: {  	[tilespmem:s19+$0x8A00] =	vst v12  }
0x1d2: {  	[tilespmem:s19+$0x8A10] =	vst v13  }
0x1d3: {  	[tilespmem:s19+$0x8A20] =	vst v9  }
0x1d4: {  	[tilespmem:s19+$0x8A30] =	vst v3  }
0x1d5: {  	[tilespmem:s19+$0x8A40] =	vst v7  }
0x1d6: {  	[tilespmem:s19+$0x8A50] =	vst v5  }
0x1d7: {  	[tilespmem:s19+$0x8A60] =	vst v6  }
0x1d8: {  	v11 =	vld [tilespmem:s19+$0x8250];
	[tilespmem:s19+$0x8A70] =	vst v4;
	v9 =	vmul.f32 $2.262741660e+01, v15  }
0x1d9: {  	v12 =	vld [tilespmem:s19+$0x8E60];
	[tilespmem:s19+$0x8200] =	vst v8;
	v10 =	vmul.f32 $2.262741660e+01, v16  }
0x1da: {  	v16 =	vmul.f32 $2.262741660e+01, v17;
	[tilespmem:s19+$0x8240] =	vst v9  }
0x1db: {  	v9 =	vmul.f32 $2.262741660e+01, v14;
	[tilespmem:s19+$0x8220] =	vst v10  }
0x1dc: {  	v10 =	vmul.f32 $2.262741660e+01, v18;
	[tilespmem:s19+$0x8230] =	vst v16  }
0x1dd: {  	v11 =	vmul.f32 $2.262741660e+01, v11;
	[tilespmem:s19+$0x8210] =	vst v9  }
0x1de: {  	[tilespmem:s19+$0x8E30] =	vst v10;
	v10 =	vmul.f32 $2.262741660e+01, v12  }
0x1df: {  	[tilespmem:s19+$0x8250] =	vst v11  }
0x1e0: {  	s13 =	sadd.s32 $0x1000, s13;
	[tilespmem:s19+$0x8E60] =	vst v10  }
0x1e1: {  	[hbm4b:s13+s4] =	stream.linear.scatter [tilespmem:s30], [sflag:$0x7], $0x4000, $0x38;
	[tilespmem:$0x10200] =	vst v63  }
0x1e2: {  	s13 =	simm.s32 @!p0 $0x6  }
0x1e3: {  	_ =	swait.ge @!p0 [sflag:s13], $0x4000  }
0x1e4: {  	[sflag:s13] =	ssyncset.done @!p0 $0x0  }
0x1e5: {  	[sflag:s13] =	ssyncadd.s32 @!p0 $0xFFFFC000  }
0x1e6: {  	v3 =	vld @!p0 [tilespmem:s10+$0xA0];
	_ =	sdelay $0x4  }
0x1e7: {  	v4 =	vshll.u32 @!p0 v3, $0x2  }
0x1e8: {  	v5 =	vlaneseq.u32 @!p0;
	v3 =	vand.u32 @!p0 $0x7, v3;
	v4 =	vand.u32 @!p0 $0xFFFFFFE0, v4  }
0x1e9: {  	v6 =	vshrl.u32 @!p0 v5, $0x3;
	v3 =	vor.u32 @!p0 v3, v4;
	v4 =	vand.u32 @!p0 $0x7, v5  }
0x1ea: {  	v6 =	vmul.u32 @!p0 $0x8, v6;
	v7 =	vperm.xlane @!p0 v3, v4;
	_ =	sdelay $0x1  }
0x1eb: {  	v7 =	vadd.s32 @!p0 v6, v7  }
0x1ec: {  	v5 =	vor.u32 @!p0 $0x8, v5  }
0x1ed: {  	v3 =	vperm.xlane @!p0 v3, v5;
	_ =	sdelay $0x1  }
0x1ee: {  	s19 =	simm.s32 @!p0 $0x4200;
	s13 =	simm.s32 @!p0 $0x0;
	v3 =	vadd.s32 @!p0 v6, v3  }
0x1ef: {  	[tilespmem:s19], [sflag:$0x2] =	stream.indirect_vreg.gather @!p0 [hbm4b:s1+s13], $0x80, v7, vm1, $0xb8;
	[tilespmem:$0x10200] =	vst v63  }
0x1f0: {  	s19 =	simm.s32 @!p0 $0x4A00  }
0x1f1: {  	[tilespmem:s19], [sflag:$0x2] =	stream.indirect_vreg.gather @!p0 [hbm4b:s7+s13], $0x80, v7, vm1, $0xb8;
	[tilespmem:$0x10200] =	vst v63  }
0x1f2: {  	s19 =	simm.s32 @!p0 $0x5200  }
0x1f3: {  	[tilespmem:s19], [sflag:$0x2] =	stream.indirect_vreg.gather @!p0 [hbm4b:s1+s13], $0x80, v3, vm1, $0xb8;
	[tilespmem:$0x10200] =	vst v63  }
0x1f4: {  	s19 =	simm.s32 @!p0 $0x5A00  }
0x1f5: {  	[tilespmem:s19], [sflag:$0x2] =	stream.indirect_vreg.gather @!p0 [hbm4b:s7+s13], $0x80, v3, vm1, $0xb8;
	[tilespmem:$0x10200] =	vst v63  }
0x1f6: {  	v3 =	vld @!p0 [tilespmem:s10+$0xB0];
	_ =	sdelay $0x4  }
0x1f7: {  	v7 =	vshll.u32 @!p0 v3, $0x2  }
0x1f8: {  	v3 =	vand.u32 @!p0 $0x7, v3;
	v7 =	vand.u32 @!p0 $0xFFFFFFE0, v7  }
0x1f9: {  	v3 =	vor.u32 @!p0 v3, v7  }
0x1fa: {  	v4 =	vperm.xlane @!p0 v3, v4;
	_ =	sdelay $0x1  }
0x1fb: {  	v4 =	vadd.s32 @!p0 v6, v4;
	_ =	sdelay $0x1  }
0x1fc: {  	v3 =	vperm.xlane @!p0 v3, v5;
	_ =	sdelay $0x1  }
0x1fd: {  	s10 =	simm.s32 @!p0 $0x6200;
	v3 =	vadd.s32 @!p0 v6, v3  }
0x1fe: {  	[tilespmem:s10], [sflag:$0x2] =	stream.indirect_vreg.gather @!p0 [hbm4b:s1+s13], $0x80, v4, vm1, $0xb8;
	[tilespmem:$0x10200] =	vst v63  }
0x1ff: {  	s10 =	simm.s32 @!p0 $0x6A00  }
0x200: {  	[tilespmem:s10], [sflag:$0x2] =	stream.indirect_vreg.gather @!p0 [hbm4b:s7+s13], $0x80, v4, vm1, $0xb8;
	[tilespmem:$0x10200] =	vst v63  }
0x201: {  	s10 =	simm.s32 @!p0 $0x7200  }
0x202: {  	[tilespmem:s10], [sflag:$0x2] =	stream.indirect_vreg.gather @!p0 [hbm4b:s1+s13], $0x80, v3, vm1, $0xb8;
	[tilespmem:$0x10200] =	vst v63  }
0x203: {  	s10 =	simm.s32 @!p0 $0x7A00  }
0x204: {  	[tilespmem:s10], [sflag:$0x2] =	stream.indirect_vreg.gather @!p0 [hbm4b:s7+s13], $0x80, v3, vm1, $0xb8;
	[tilespmem:$0x10200] =	vst v63  }
0x205: {  	s24 =	simm.s32 $0x0;
	_ =	swait.ge [sflag:s18], $0x4000  }
0x206: {  	s31 =	sand.u32 $0x3000, s24;
	s10 =	sand.u32 $0x380, s24;
	[sflag:s18] =	ssyncset.done $0x0  }
0x207: {  	s10 =	sor.u32 s10, s31;
	[sflag:s18] =	ssyncadd.s32 $0xFFFFC000  }
0x208: {  	v3 =	vld [tilespmem:s10+$0xC670]  }
0x209: {  	v4 =	vld [tilespmem:s10+$0xCA00]  }
0x20a: {  	v5 =	vld [tilespmem:s10+$0xCA10]  }
0x20b: {  	v6 =	vld [tilespmem:s10+$0xC660]  }
0x20c: {  	v7 =	vld [tilespmem:s10+$0xC650]  }
0x20d: {  	v8 =	vld [tilespmem:s10+$0xCA20]  }
0x20e: {  	v9 =	vld [tilespmem:s10+$0xC640]  }
0x20f: {  	v10 =	vld [tilespmem:s10+$0xCE70]  }
0x210: {  	v11 =	vld [tilespmem:s10+$0xCE10]  }
0x211: {  	v12 =	vld [tilespmem:s10+$0xCE50]  }
0x212: {  	v16 =	vld [tilespmem:s10+$0xCA30]  }
0x213: {  	v17 =	vld [tilespmem:s10+$0xCA40]  }
0x214: {  	v14 =	vld [tilespmem:s10+$0xCE00]  }
0x215: {  	v13 =	vld [tilespmem:s10+$0xCE40]  }
0x216: {  	v15 =	vld [tilespmem:s10+$0xC630];
	v11 =	vmul.f32 $2.262741660e+01, v11  }
0x217: {  	v18 =	vld [tilespmem:s10+$0xC620];
	v10 =	vmul.f32 $2.262741660e+01, v10  }
0x218: {  	v19 =	vld [tilespmem:s10+$0xC610];
	v12 =	vmul.f32 $2.262741660e+01, v12;
	[tilespmem:s10+$0xCE10] =	vst v11  }
0x219: {  	v20 =	vld [tilespmem:s10+$0xC260];
	v14 =	vmul.f32 $2.262741660e+01, v14;
	[tilespmem:s10+$0xCE70] =	vst v10  }
0x21a: {  	v24 =	vld [tilespmem:s10+$0xC200];
	v11 =	vmul.f32 $2.262741660e+01, v13;
	[tilespmem:s10+$0xCE50] =	vst v12  }
0x21b: {  	v15 =	vmul.f32 $2.262741660e+01, v15;
	v10 =	vld [tilespmem:s10+$0xCE20];
	[tilespmem:s10+$0xCE00] =	vst v14  }
0x21c: {  	v13 =	vld [tilespmem:s10+$0xC600];
	[tilespmem:s10+$0xCE40] =	vst v11;
	v11 =	vmul.f32 $2.262741660e+01, v18  }
0x21d: {  	v12 =	vld [tilespmem:s10+$0xC270];
	[tilespmem:s10+$0xC630] =	vst v15;
	v18 =	vmul.f32 $2.262741660e+01, v9;
	v9 =	vmul.f32 $2.262741660e+01, v19  }
0x21e: {  	v22 =	vld [tilespmem:s10+$0xCA60];
	v21 =	vmul.f32 $2.262741660e+01, v7;
	v20 =	vmul.f32 $2.262741660e+01, v20;
	[tilespmem:s10+$0xC620] =	vst v11  }
0x21f: {  	v23 =	vld [tilespmem:s10+$0xCA70];
	v11 =	vmul.f32 $2.262741660e+01, v6;
	[tilespmem:s10+$0xC610] =	vst v9;
	v9 =	vmul.f32 $2.262741660e+01, v8  }
0x220: {  	[tilespmem:s10+$0xC260] =	vst v20;
	v19 =	vld [tilespmem:s10+$0xCA50];
	v8 =	vmul.f32 $2.262741660e+01, v24;
	v7 =	vmul.f32 $2.262741660e+01, v10  }
0x221: {  	v14 =	vld [tilespmem:s10+$0xC210];
	[tilespmem:s10+$0xC650] =	vst v21;
	v6 =	vmul.f32 $2.262741660e+01, v13;
	v10 =	vmul.f32 $2.262741660e+01, v3  }
0x222: {  	v15 =	vld [tilespmem:s10+$0xC240];
	[tilespmem:s10+$0xC640] =	vst v18;
	v3 =	vmul.f32 $2.262741660e+01, v12;
	v12 =	vmul.f32 $2.262741660e+01, v4  }
0x223: {  	v13 =	vmul.f32 $2.262741660e+01, v5;
	v4 =	vmul.f32 $2.262741660e+01, v16;
	v16 =	vld [tilespmem:s10+$0xC220];
	[tilespmem:s10+$0xCE20] =	vst v7  }
0x224: {  	v5 =	vmul.f32 $2.262741660e+01, v22;
	[tilespmem:s10+$0xC600] =	vst v6;
	v7 =	vmul.f32 $2.262741660e+01, v17;
	v17 =	vld [tilespmem:s10+$0xC230]  }
0x225: {  	s19 =	simm.s32 $0x80;
	s13 =	simm.s32 $0x200;
	v18 =	vld [tilespmem:s10+$0xCE30];
	[tilespmem:s10+$0xC270] =	vst v3;
	v6 =	vmul.f32 $2.262741660e+01, v19;
	v3 =	vmul.f32 $2.262741660e+01, v23  }
.LBB2_9:
0x226: {  	s20 =	sand.u32 $0x3000, s13;
	s23 =	sand.u32 $0x380, s19;
	v14 =	vmul.f32 $2.262741660e+01, v14;
	[tilespmem:s10+$0xC660] =	vst v11;
	v11 =	vld [tilespmem:s10+$0xCE60]  }
0x227: {  	p1 =	sne.s32 s13, $0x3E00;
	s13 =	sadd.s32 $0x200, s13;
	s20 =	sor.u32 s23, s20;
	v15 =	vmul.f32 $2.262741660e+01, v15;
	v19 =	vld [tilespmem:s10+$0xC250];
	[tilespmem:s10+$0xC670] =	vst v10  }
0x228: {  	v10 =	vld [tilespmem:s20+$0xC670];
	v16 =	vmul.f32 $2.262741660e+01, v16;
	[tilespmem:s10+$0xCA00] =	vst v12  }
0x229: {  	v12 =	vld [tilespmem:s20+$0xCA00];
	v17 =	vmul.f32 $2.262741660e+01, v17;
	[tilespmem:s10+$0xCA10] =	vst v13  }
0x22a: {  	v13 =	vld [tilespmem:s20+$0xCA10];
	[tilespmem:s10+$0xC220] =	vst v16;
	v16 =	vmul.f32 $2.262741660e+01, v18  }
0x22b: {  	v18 =	vld [tilespmem:s20+$0xC660];
	[tilespmem:s10+$0xC230] =	vst v17;
	v11 =	vmul.f32 $2.262741660e+01, v11  }
0x22c: {  	v17 =	vld [tilespmem:s20+$0xC650];
	v19 =	vmul.f32 $2.262741660e+01, v19;
	[tilespmem:s10+$0xCA20] =	vst v9  }
0x22d: {  	v9 =	vld [tilespmem:s20+$0xCA20];
	[tilespmem:s10+$0xCE30] =	vst v16  }
0x22e: {  	v16 =	vld [tilespmem:s20+$0xC640];
	[tilespmem:s10+$0xC250] =	vst v19  }
0x22f: {  	v19 =	vld [tilespmem:s20+$0xCE70];
	[tilespmem:s10+$0xC240] =	vst v15  }
0x230: {  	v15 =	vld [tilespmem:s20+$0xCE10];
	[tilespmem:s10+$0xCE60] =	vst v11  }
0x231: {  	v11 =	vld [tilespmem:s20+$0xCE50];
	[tilespmem:s10+$0xCA30] =	vst v4  }
0x232: {  	v4 =	vld [tilespmem:s20+$0xCA30];
	[tilespmem:s10+$0xCA40] =	vst v7  }
0x233: {  	v7 =	vld [tilespmem:s20+$0xCA40];
	[tilespmem:s10+$0xC210] =	vst v14  }
0x234: {  	v14 =	vld [tilespmem:s20+$0xCE40];
	[tilespmem:s10+$0xCA50] =	vst v6  }
0x235: {  	v19 =	vmul.f32 $2.262741660e+01, v19;
	v6 =	vld [tilespmem:s20+$0xCE00];
	[tilespmem:s10+$0xCA60] =	vst v5  }
0x236: {  	v5 =	vld [tilespmem:s20+$0xC630];
	[tilespmem:s10+$0xC200] =	vst v8  }
0x237: {  	v15 =	vmul.f32 $2.262741660e+01, v15;
	v8 =	vld [tilespmem:s20+$0xC620];
	[tilespmem:s10+$0xCA70] =	vst v3;
	s10 =	smov.u32 s20  }
0x238: {  	v11 =	vmul.f32 $2.262741660e+01, v11;
	v3 =	vld [tilespmem:s10+$0xC610];
	[tilespmem:s10+$0xCE70] =	vst v19  }
0x239: {  	v19 =	vmul.f32 $2.262741660e+01, v16;
	[tilespmem:s10+$0xCE10] =	vst v15;
	v15 =	vld [tilespmem:s10+$0xCE20];
	v14 =	vmul.f32 $2.262741660e+01, v14  }
0x23a: {  	v20 =	vmul.f32 $2.262741660e+01, v17;
	v16 =	vld [tilespmem:s10+$0xC600];
	v6 =	vmul.f32 $2.262741660e+01, v6;
	[tilespmem:s10+$0xCE50] =	vst v11  }
0x23b: {  	v11 =	vmul.f32 $2.262741660e+01, v18;
	v17 =	vld [tilespmem:s10+$0xC270];
	v5 =	vmul.f32 $2.262741660e+01, v5;
	[tilespmem:s10+$0xCE40] =	vst v14  }
0x23c: {  	v10 =	vmul.f32 $2.262741660e+01, v10;
	v18 =	vld [tilespmem:s10+$0xC260];
	v8 =	vmul.f32 $2.262741660e+01, v8;
	[tilespmem:s10+$0xCE00] =	vst v6  }
0x23d: {  	v12 =	vmul.f32 $2.262741660e+01, v12;
	v3 =	vmul.f32 $2.262741660e+01, v3;
	[tilespmem:s10+$0xC630] =	vst v5;
	v5 =	vld [tilespmem:s10+$0xCA50]  }
0x23e: {  	v13 =	vmul.f32 $2.262741660e+01, v13;
	[tilespmem:s10+$0xC620] =	vst v8;
	v8 =	vld [tilespmem:s10+$0xCA60];
	v6 =	vmul.f32 $2.262741660e+01, v15  }
0x23f: {  	v9 =	vmul.f32 $2.262741660e+01, v9;
	v15 =	vmul.f32 $2.262741660e+01, v16;
	[tilespmem:s10+$0xC610] =	vst v3;
	v3 =	vld [tilespmem:s10+$0xCA70]  }
0x240: {  	v4 =	vmul.f32 $2.262741660e+01, v4;
	v21 =	vld [tilespmem:s10+$0xC200];
	v16 =	vmul.f32 $2.262741660e+01, v17;
	[tilespmem:s10+$0xCE20] =	vst v6  }
.Ltmp5:
0x241: {  	v7 =	vmul.f32 $2.262741660e+01, v7;
	v14 =	vld [tilespmem:s10+$0xC210];
	v17 =	vmul.f32 $2.262741660e+01, v18;
	[tilespmem:s10+$0xC600] =	vst v15;
	(pc) =	sbr.rel @p1 .LBB2_9-.Ltmp5, $4  }
0x242: {  	v15 =	vld [tilespmem:s10+$0xC240];
	[tilespmem:s10+$0xC270] =	vst v16;
	v6 =	vmul.f32 $2.262741660e+01, v5  }
0x243: {  	v16 =	vld [tilespmem:s10+$0xC220];
	[tilespmem:s10+$0xC260] =	vst v17;
	v5 =	vmul.f32 $2.262741660e+01, v8  }
0x244: {  	v17 =	vld [tilespmem:s10+$0xC230];
	[tilespmem:s10+$0xC640] =	vst v19;
	v3 =	vmul.f32 $2.262741660e+01, v3  }
0x245: {  	s19 =	sadd.s32 $0x80, s19;
	v8 =	vmul.f32 $2.262741660e+01, v21;
	[tilespmem:s10+$0xC650] =	vst v20;
	v18 =	vld [tilespmem:s10+$0xCE30]  }
0x246: {  	[tilespmem:s10+$0xC660] =	vst v11  }
0x247: {  	[tilespmem:s10+$0xC670] =	vst v10  }
0x248: {  	[tilespmem:s10+$0xCA00] =	vst v12  }
0x249: {  	[tilespmem:s10+$0xCA10] =	vst v13  }
0x24a: {  	[tilespmem:s10+$0xCA20] =	vst v9  }
0x24b: {  	[tilespmem:s10+$0xCA30] =	vst v4  }
0x24c: {  	[tilespmem:s10+$0xCA40] =	vst v7  }
0x24d: {  	[tilespmem:s10+$0xCA50] =	vst v6  }
0x24e: {  	[tilespmem:s10+$0xCA60] =	vst v5  }
0x24f: {  	v56 =	vld [tilespmem:s10+$0xC250];
	v63 =	vmul.f32 $2.262741660e+01, v14;
	[tilespmem:s10+$0xCA70] =	vst v3  }
0x250: {  	v58 =	vld [tilespmem:s10+$0xCE60];
	v61 =	vmul.f32 $2.262741660e+01, v15;
	[tilespmem:s10+$0xC200] =	vst v8  }
0x251: {  	v57 =	vmul.f32 $2.262741660e+01, v16;
	[tilespmem:s10+$0xC210] =	vst v63  }
0x252: {  	v59 =	vmul.f32 $2.262741660e+01, v17;
	[tilespmem:s10+$0xC240] =	vst v61  }
0x253: {  	[tilespmem:s10+$0xC220] =	vst v57;
	v60 =	vmul.f32 $2.262741660e+01, v18  }
.Ltmp6:
0x254: {  	s6 =	sshll.u32 s6, $0xE;
	[tilespmem:s10+$0xC230] =	vst v59;
	v11 =	vmul.f32 $2.262741660e+01, v56;
	(pc) =	sbr.rel @p0 .LBB2_12-.Ltmp6, $4  }
0x255: {  	s6 =	sadd.s32 s9, s6;
	v62 =	vmul.f32 $2.262741660e+01, v58;
	[tilespmem:s10+$0xCE30] =	vst v60  }
0x256: {  	s6 =	sshrl.u32 s6, $0x3;
	[tilespmem:s10+$0xC250] =	vst v11  }
0x257: {  	s6 =	sadd.s32 s2, s6;
	[tilespmem:s10+$0xCE60] =	vst v62  }
0x258: {  	[hbm4b:s6+s4] =	stream.linear.scatter [tilespmem:s17], [sflag:$0x8], $0x4000, $0x38;
	[tilespmem:$0x10200] =	vst v63  }
0x259: {  	_ =	swait.ge [sflag:s22], $0x4000  }
0x25a: {  	s6 =	sshll.u32 s25, $0x7;
	[sflag:s22] =	ssyncset.done $0x0  }
0x25b: {  	s6 =	sand.u32 $0x3FFFFF80, s6;
	[sflag:s22] =	ssyncadd.s32 $0xFFFFC000  }
0x25c: {  	v3 =	vld [tilespmem:s6+$0xC0];
	_ =	sdelay $0x4  }
0x25d: {  	v4 =	vshll.u32 v3, $0x2  }
0x25e: {  	v3 =	vand.u32 $0x7, v3;
	v4 =	vand.u32 $0xFFFFFFE0, v4  }
0x25f: {  	v3 =	vor.u32 v3, v4  }
0x260: {  	v4 =	vperm.xlane v3, v0;
	_ =	sdelay $0x1  }
0x261: {  	v4 =	vadd.s32 v1, v4;
	_ =	sdelay $0x1  }
0x262: {  	v3 =	vperm.xlane v3, v2;
	_ =	sdelay $0x1  }
0x263: {  	v3 =	vadd.s32 v1, v3  }
0x264: {  	[tilespmem:s30], [sflag:$0x3] =	stream.indirect_vreg.gather [hbm4b:s1+s4], $0x80, v4, vm0, $0xb8;
	[tilespmem:$0x10200] =	vst v63  }
0x265: {  	s10 =	simm.s32 $0x8A00  }
0x266: {  	[tilespmem:s10], [sflag:$0x3] =	stream.indirect_vreg.gather [hbm4b:s7+s4], $0x80, v4, vm0, $0xb8;
	[tilespmem:$0x10200] =	vst v63  }
0x267: {  	_ = 	snop  }
0x268: {  	[tilespmem:s0], [sflag:$0x3] =	stream.indirect_vreg.gather [hbm4b:s1+s4], $0x80, v3, vm0, $0xb8;
	[tilespmem:$0x10200] =	vst v63  }
0x269: {  	_ = 	snop  }
0x26a: {  	[tilespmem:s3], [sflag:$0x3] =	stream.indirect_vreg.gather [hbm4b:s7+s4], $0x80, v3, vm0, $0xb8;
	[tilespmem:$0x10200] =	vst v63  }
0x26b: {  	v3 =	vld [tilespmem:s6+$0xD0];
	_ =	sdelay $0x4  }
0x26c: {  	v63 =	vshll.u32 v3, $0x2  }
0x26d: {  	v3 =	vand.u32 $0x7, v3;
	v4 =	vand.u32 $0xFFFFFFE0, v63  }
0x26e: {  	v3 =	vor.u32 v3, v4  }
0x26f: {  	v4 =	vperm.xlane v3, v0;
	_ =	sdelay $0x1  }
0x270: {  	v4 =	vadd.s32 v1, v4;
	_ =	sdelay $0x2  }
0x271: {  	v3 =	vperm.xlane v3, v2;
	_ =	sdelay $0x1  }
0x272: {  	v3 =	vadd.s32 v1, v3;
	[tilespmem:s11], [sflag:$0x3] =	stream.indirect_vreg.gather [hbm4b:s1+s4], $0x80, v4, vm0, $0xb8;
	[tilespmem:$0x10200] =	vst v63  }
0x273: {  	_ = 	snop  }
0x274: {  	[tilespmem:s14], [sflag:$0x3] =	stream.indirect_vreg.gather [hbm4b:s7+s4], $0x80, v4, vm0, $0xb8;
	[tilespmem:$0x10200] =	vst v63  }
.Ltmp7:
0x275: {  	_ = 	snop;
	(pc) =	sbr.rel .LBB2_2-.Ltmp7, $4  }
0x276: {  	_ = 	snop  }
0x277: {  	[tilespmem:s15], [sflag:$0x3] =	stream.indirect_vreg.gather [hbm4b:s1+s4], $0x80, v3, vm0, $0xb8;
	[tilespmem:$0x10200] =	vst v63  }
0x278: {  	s25 =	sadd.s32 $0x1, s25  }
0x279: {  	[tilespmem:s16], [sflag:$0x3] =	stream.indirect_vreg.gather [hbm4b:s7+s4], $0x80, v3, vm0, $0xb8;
	[tilespmem:$0x10200] =	vst v63  }
.LBB2_13:
0x27a: {  	_ =	sfence.sel $0x180000  }
0x27b: {  	[bflag:$0x0] =	sbarrier.arrive $0xFFFF  }
0x27c: {  	_ =	strace $0x90000047  }
0x27d: {  	s0 =	stileid.u32;
	[bflag:$0x2] =	sbarrier.arrive $0xFFFF  }
0x27e: {  	p0 =	sne.s32 s0, $0x0;
	s0 =	rddreg [dreg:$0x3]  }
0x27f: {  	s0 =	sadd.s32 @!p0 $0x100000, s0  }
0x280: {  	[sflag:s0] =	ssyncadd.tile.s32 @!p0 $0x1;
	_ =	shalt  }
.Lfunc_end2:
_tile_overlayer_lowered:
.L_overlay_start_2:
0x281: {  	(tag) =	ssettag $0x2  }
0x282: {  	s0 =	rddreg [dreg:$0x0];
	s2 =	stileid.u32  }
0x283: {  	s1 =	rddreg [dreg:$0x1];
	p0 =	sne.s32 s2, $0x0  }
0x284: {  	s3 =	rddreg [dreg:$0x2];
	[bflag:$0x3] =	sbarrier.arrive $0xFFFF;
	s2 =	simm.s32 @!p0 $0x1C09  }
0x285: {  	[timem:s3], [sflag:s2] =	dma.local @!p0 [hbm:s0], s1  }
0x286: {  	s0 =	simm.s32 @!p0 $0x9  }
0x287: {  	_ =	swait.ge @!p0 [sflag:s0], s1  }
0x288: {  	s1 =	ssub.s32 @!p0 $0x0, s1;
	[sflag:s0] =	ssyncset.done @!p0 $0x0  }
0x289: {  	[sflag:s0] =	ssyncadd.s32 @!p0 s1  }
0x28a: {  	[bflag:$0x3] =	sbarrier.arrive $0xFFFF  }
0x28b: {  	_ =	shalt  }

</sc_bundles>
